<compile_context>
chip_gen: v7x
topology: tpu7x:2x2x1
jax: 0.10.2.dev20260603
libtpu: 0.0.44.dev20260713+nightly
codegen_flags: <defaults>
</compile_context>

<pallas_src>
import functools

import jax
import jax.numpy as jnp
from jax import lax
from jax.experimental import pallas as pl
from jax.experimental.pallas import tpu as pltpu
from jax.experimental.pallas import tpu_sc as plsc

N_NODES = 10000
N_EDGES = 320000
HIDDEN = 128
N_RBF = 16

LANES = 16
CHUNK = 80
E_PAD = 322560
EDGE_BLOCK = 6400



def _filters_body(ea_ref, w1t_ref, b1_ref, w2t_ref, b2_ref, out_ref):
    ea = ea_ref[...]
    h = jnp.dot(ea, w1t_ref[...], preferred_element_type=jnp.float32)
    h = h + b1_ref[...][None, :]
    h = h * jax.nn.sigmoid(h)
    f = jnp.dot(h, w2t_ref[...], preferred_element_type=jnp.float32)
    out_ref[...] = f + b2_ref[...][None, :]


def _filters(edge_attr, W1t, b1, W2t, b2):
    grid = N_EDGES // EDGE_BLOCK
    return pl.pallas_call(
        _filters_body,
        grid=(grid,),
        in_specs=[
            pl.BlockSpec((EDGE_BLOCK, N_RBF), lambda i: (i, 0)),
            pl.BlockSpec((N_RBF, HIDDEN), lambda i: (0, 0)),
            pl.BlockSpec((HIDDEN,), lambda i: (0,)),
            pl.BlockSpec((HIDDEN, HIDDEN), lambda i: (0, 0)),
            pl.BlockSpec((HIDDEN,), lambda i: (0,)),
        ],
        out_specs=pl.BlockSpec((EDGE_BLOCK, HIDDEN), lambda i: (i, 0)),
        out_shape=jax.ShapeDtypeStruct((E_PAD, HIDDEN), jnp.float32),
    )(edge_attr, W1t, b1, W2t, b2)


def _xd_body(x_ref, wdt_ref, bd_ref, out_ref):
    out_ref[...] = (
        jnp.dot(x_ref[...], wdt_ref[...], preferred_element_type=jnp.float32)
        + bd_ref[...][None, :]
    )


def _xd(x, Wdt, bd):
    return pl.pallas_call(
        _xd_body,
        out_shape=jax.ShapeDtypeStruct((N_NODES, HIDDEN), jnp.float32),
    )(x, Wdt, bd)


def _update_body(x_ref, p_ref, wu1t_ref, bu1_ref, wu2t_ref, bu2_ref, out_ref):
    agg = p_ref[0, :N_NODES, :] + p_ref[1, :N_NODES, :]
    u = jnp.dot(agg, wu1t_ref[...], preferred_element_type=jnp.float32)
    u = u + bu1_ref[...][None, :]
    u = u * jax.nn.sigmoid(u)
    u = jnp.dot(u, wu2t_ref[...], preferred_element_type=jnp.float32)
    out_ref[...] = x_ref[...] + u + bu2_ref[...][None, :]


def _update(x, partials, Wu1t, bu1, Wu2t, bu2):
    return pl.pallas_call(
        _update_body,
        out_shape=jax.ShapeDtypeStruct((N_NODES, HIDDEN), jnp.float32),
    )(x, partials, Wu1t, bu1, Wu2t, bu2)



def _make_sc_aggregate():
    info = plsc.get_sparse_core_info()
    nc, ns = info.num_cores, info.num_subcores
    nw = nc * ns
    n_chunks = E_PAD // CHUNK
    chunks_per_w = n_chunks // nw
    n_pad = ns * 640
    rows_per_tile = n_pad // ns
    assert rows_per_tile % CHUNK == 0 and chunks_per_w % 2 == 0

    mesh = plsc.VectorSubcoreMesh(core_axis_name="c", subcore_axis_name="s")

    @functools.partial(
        pl.kernel,
        mesh=mesh,
        out_type=jax.ShapeDtypeStruct((nc, n_pad, HIDDEN), jnp.float32),
        scratch_types=[
            pltpu.VMEM((2, CHUNK), jnp.int32),
            pltpu.VMEM((2, CHUNK), jnp.int32),
            pltpu.VMEM((2, CHUNK, HIDDEN), jnp.float32),
            pltpu.VMEM((2, CHUNK, HIDDEN), jnp.float32),
            pltpu.VMEM_SHARED((n_pad, HIDDEN), jnp.float32),
            pltpu.SemaphoreType.DMA,
            pltpu.SemaphoreType.DMA,
            pltpu.SemaphoreType.DMA,
            pltpu.SemaphoreType.DMA,
        ],
    )
    def sc_agg(xd_hbm, filt_hbm, src_hbm, dst_hbm, out_hbm,
               src_v, dst_v, rows_v, filt_v, agg_sh,
               sem_l0, sem_l1, sem_g0, sem_g1):
        cid = lax.axis_index("c")
        sid = lax.axis_index("s")
        wid = sid * nc + cid
        sem_l = (sem_l0, sem_l1)
        sem_g = (sem_g0, sem_g1)

        zeros16 = jnp.zeros((LANES,), jnp.float32)

        def zrow(r, carry):
            for j in range(HIDDEN // LANES):
                rows_v[0, r, pl.ds(j * LANES, LANES)] = zeros16
            return carry
        lax.fori_loop(0, CHUNK, zrow, 0)
        for i in range(rows_per_tile // CHUNK):
            pltpu.sync_copy(
                rows_v.at[0],
                agg_sh.at[pl.ds(sid * rows_per_tile + i * CHUNK, CHUNK)],
            )
        plsc.subcore_barrier()

        def chunk_base(k):
            return (k * nw + wid) * CHUNK

        def start_loads(k, b):
            base = chunk_base(k)
            pltpu.async_copy(src_hbm.at[pl.ds(base, CHUNK)], src_v.at[b], sem_l[b])
            pltpu.async_copy(dst_hbm.at[pl.ds(base, CHUNK)], dst_v.at[b], sem_l[b])
            pltpu.async_copy(filt_hbm.at[pl.ds(base, CHUNK)], filt_v.at[b], sem_l[b])

        def wait_loads(k, b):
            base = chunk_base(k)
            pltpu.make_async_copy(src_hbm.at[pl.ds(base, CHUNK)], src_v.at[b], sem_l[b]).wait()
            pltpu.make_async_copy(dst_hbm.at[pl.ds(base, CHUNK)], dst_v.at[b], sem_l[b]).wait()
            pltpu.make_async_copy(filt_hbm.at[pl.ds(base, CHUNK)], filt_v.at[b], sem_l[b]).wait()

        def start_gather(b):
            pltpu.async_copy(xd_hbm.at[src_v.at[b]], rows_v.at[b], sem_g[b])

        def wait_gather(b):
            pltpu.make_async_copy(xd_hbm.at[src_v.at[b]], rows_v.at[b], sem_g[b]).wait()

        start_loads(0, 0)
        start_loads(1, 1)
        wait_loads(0, 0)
        start_gather(0)

        def body2(i2, carry):
            for b in (0, 1):
                k = i2 * 2 + b
                nb = 1 - b

                @pl.when(k + 1 < chunks_per_w)
                def _():
                    wait_loads(k + 1, nb)
                    start_gather(nb)

                wait_gather(b)

                def mul4(r4, cc):
                    r = r4 * 4
                    for dr in range(4):
                        for j in range(HIDDEN // LANES):
                            sl = pl.ds(j * LANES, LANES)
                            rows_v[b, r + dr, sl] = (
                                rows_v[b, r + dr, sl] * filt_v[b, r + dr, sl]
                            )
                    return cc
                lax.fori_loop(0, CHUNK // 4, mul4, 0)

                pltpu.sync_copy(rows_v.at[b], agg_sh.at[dst_v.at[b]], add=True)

                @pl.when(k + 2 < chunks_per_w)
                def _():
                    start_loads(k + 2, b)
            return carry

        lax.fori_loop(0, chunks_per_w // 2, body2, 0)
        plsc.subcore_barrier()

        for i in range(rows_per_tile // CHUNK):
            start = sid * rows_per_tile + i * CHUNK
            pltpu.sync_copy(
                agg_sh.at[pl.ds(start, CHUNK)],
                out_hbm.at[cid, pl.ds(start, CHUNK)],
            )

    return sc_agg


_sc_aggregate = _make_sc_aggregate()



def kernel(x, edge_index, edge_attr, W1, b1, W2, b2, Wd, bd, Wu1, bu1, Wu2, bu2):
    src = edge_index[0].astype(jnp.int32)
    dst = edge_index[1].astype(jnp.int32)
    pad = E_PAD - N_EDGES
    src = jnp.concatenate([src, jnp.zeros((pad,), jnp.int32)])
    dst = jnp.concatenate([dst, jnp.full((pad,), N_NODES, jnp.int32)])
    filters = _filters(edge_attr, W1.T, b1, W2.T, b2)
    xd = _xd(x, Wd.T, bd)
    partials = _sc_aggregate(xd, filters, src, dst)
    return _update(x, partials, Wu1.T, bu1, Wu2.T, bu2)

# --- scband reference (transcript-rebuilt; emitter-appended) ---
"""Pipeline reference for scband-sch-net-interaction-76012331204796 (READ-ONLY COPY).

The authoritative reference and input builder live on the scoring server;
editing this copy changes nothing except your own understanding.
"""

import jax, jax.numpy as jnp
import numpy as np

N_NODES = 10000
N_EDGES = 320000
HIDDEN = 128
N_RBF = 16


def setup_inputs(seed: int = 0) -> dict:
    key = jax.random.key(seed)
    ks = jax.random.split(key, 16)
    x = jax.random.normal(ks[0], (N_NODES, HIDDEN), dtype=jnp.float32)
    edge_index = jax.random.randint(ks[1], (2, N_EDGES), 0, N_NODES, dtype=jnp.int64)
    edge_attr = jax.random.uniform(ks[2], (N_EDGES, N_RBF), dtype=jnp.float32)
    s = 1.0 / np.sqrt(HIDDEN)
    sr = 1.0 / np.sqrt(N_RBF)
    W1 = jax.random.uniform(ks[3], (HIDDEN, N_RBF), minval=-sr, maxval=sr, dtype=jnp.float32)
    b1 = jax.random.uniform(ks[4], (HIDDEN,), minval=-sr, maxval=sr, dtype=jnp.float32)
    W2 = jax.random.uniform(ks[5], (HIDDEN, HIDDEN), minval=-s, maxval=s, dtype=jnp.float32)
    b2 = jax.random.uniform(ks[6], (HIDDEN,), minval=-s, maxval=s, dtype=jnp.float32)
    Wd = jax.random.uniform(ks[7], (HIDDEN, HIDDEN), minval=-s, maxval=s, dtype=jnp.float32)
    bd = jax.random.uniform(ks[8], (HIDDEN,), minval=-s, maxval=s, dtype=jnp.float32)
    Wu1 = jax.random.uniform(ks[9], (HIDDEN, HIDDEN), minval=-s, maxval=s, dtype=jnp.float32)
    bu1 = jax.random.uniform(ks[10], (HIDDEN,), minval=-s, maxval=s, dtype=jnp.float32)
    Wu2 = jax.random.uniform(ks[11], (HIDDEN, HIDDEN), minval=-s, maxval=s, dtype=jnp.float32)
    bu2 = jax.random.uniform(ks[12], (HIDDEN,), minval=-s, maxval=s, dtype=jnp.float32)
    return {"x": x, "edge_index": edge_index, "edge_attr": edge_attr,
            "W1": W1, "b1": b1, "W2": W2, "b2": b2,
            "Wd": Wd, "bd": bd, "Wu1": Wu1, "bu1": bu1, "Wu2": Wu2, "bu2": bu2}


def reference(x, edge_index, edge_attr, W1, b1, W2, b2, Wd, bd, Wu1, bu1, Wu2, bu2):
    src = edge_index[0]
    dst = edge_index[1]
    # filter_network: Linear -> SiLU -> Linear
    h = jax.nn.silu(edge_attr @ W1.T + b1)
    filters = h @ W2.T + b2
    # messages = dense(x[src]) * filters  (gather)
    messages = (x[src] @ Wd.T + bd) * filters
    # scatter-add aggregation by dst
    aggregated = jnp.zeros_like(x).at[dst].add(messages)
    # update: Linear -> SiLU -> Linear
    u = jax.nn.silu(aggregated @ Wu1.T + bu1) @ Wu2.T + bu2
    return x + u

if __name__ == "__main__":
    import jax
    _d = setup_inputs()
    print(jax.jit(kernel)(*tuple(_d.values())))

</pallas_src>

<mosaic_0001>
#map = affine_map<(d0, d1) -> (0, 0)>
#map1 = affine_map<(d0, d1) -> (0)>
#map2 = affine_map<(d0, d1) -> (0, 0, 0)>
module attributes {stable_mosaic.version = 14 : i64} {
  func.func @sc_agg(%arg0: i32, %arg1: i32, %arg2: memref<10000x128xf32, #tpu.memory_space<hbm>>, %arg3: memref<322560x128xf32, #tpu.memory_space<hbm>>, %arg4: memref<322560xi32, #tpu.memory_space<hbm>>, %arg5: memref<322560xi32, #tpu.memory_space<hbm>>, %arg6: memref<2x10240x128xf32, #tpu.memory_space<hbm>>, %arg7: memref<2x80xi32, #tpu.memory_space<vmem>>, %arg8: memref<2x80xi32, #tpu.memory_space<vmem>>, %arg9: memref<2x80x128xf32, #tpu.memory_space<vmem>>, %arg10: memref<2x80x128xf32, #tpu.memory_space<vmem>>, %arg11: memref<10240x128xf32, #tpu.memory_space<vmem_shared>>, %arg12: memref<!tpu.dma_semaphore, #tpu.memory_space<semaphore_mem>>, %arg13: memref<!tpu.dma_semaphore, #tpu.memory_space<semaphore_mem>>, %arg14: memref<!tpu.dma_semaphore, #tpu.memory_space<semaphore_mem>>, %arg15: memref<!tpu.dma_semaphore, #tpu.memory_space<semaphore_mem>>) attributes {dimension_semantics = [#tpu.dimension_semantics<core_parallel>, #tpu.dimension_semantics<subcore_parallel>], iteration_bounds = array<i64: 2, 16>, scalar_prefetch = 0 : i64, scratch_operands = 9 : i64, tpu.core_type = #tpu.core_type<sc_vector_subcore>, window_params = [{transform_indices = #map}, {transform_indices = #map}, {transform_indices = #map1}, {transform_indices = #map1}, {transform_indices = #map2}]} {
    %mul3A = arith.constant 2 : i32
    %mul3A_0 = arith.muli %arg1, %mul3A : i32
    %add3A = arith.addi %mul3A_0, %arg0 : i32
    %broadcast_in_dim3A = arith.constant 0.000000e+00 : f32
    %broadcast_in_dim3A_1 = vector.broadcast %broadcast_in_dim3A : f32 to vector<16xf32>
    %scan3A = arith.constant 0 : i32
    %scan3A_2 = arith.constant 0 : i32
    %scan3A_3 = arith.constant 80 : i32
    %scan3A_4 = arith.addi %scan3A_2, %scan3A_3 : i32
    %scan3A_5 = arith.constant 1 : i32
    scf.for %scan3A_200 = %scan3A_2 to %scan3A_4 step %scan3A_5  : i32 {
      %swap3A = arith.constant 0 : i32
      %swap3A_201 = arith.index_cast %swap3A : i32 to index
      %swap3A_202 = arith.index_cast %scan3A_200 : i32 to index
      %swap3A_203 = arith.constant 0 : index
      %swap3A_204 = tpu.vector_load %arg9[%swap3A_201, %swap3A_202, %swap3A_203] {strides = array<i32>} : memref<2x80x128xf32, #tpu.memory_space<vmem>>, vector<1x1x16xf32>,
      %swap3A_205 = vector.shape_cast %swap3A_204 : vector<1x1x16xf32> to vector<16xf32>
      %swap3A_206 = vector.shape_cast %broadcast_in_dim3A_1 : vector<16xf32> to vector<1x1x16xf32>
      tpu.vector_store %arg9[%swap3A_201, %swap3A_202, %swap3A_203], %swap3A_206 {strides = array<i32>} : memref<2x80x128xf32, #tpu.memory_space<vmem>>, vector<1x1x16xf32>,
      %swap3A_207 = arith.constant 0 : i32
      %swap3A_208 = arith.index_cast %swap3A_207 : i32 to index
      %swap3A_209 = arith.index_cast %scan3A_200 : i32 to index
      %swap3A_210 = arith.constant 16 : index
      %swap3A_211 = tpu.vector_load %arg9[%swap3A_208, %swap3A_209, %swap3A_210] {strides = array<i32>} : memref<2x80x128xf32, #tpu.memory_space<vmem>>, vector<1x1x16xf32>,
      %swap3A_212 = vector.shape_cast %swap3A_211 : vector<1x1x16xf32> to vector<16xf32>
      %swap3A_213 = vector.shape_cast %broadcast_in_dim3A_1 : vector<16xf32> to vector<1x1x16xf32>
      tpu.vector_store %arg9[%swap3A_208, %swap3A_209, %swap3A_210], %swap3A_213 {strides = array<i32>} : memref<2x80x128xf32, #tpu.memory_space<vmem>>, vector<1x1x16xf32>,
      %swap3A_214 = arith.constant 0 : i32
      %swap3A_215 = arith.index_cast %swap3A_214 : i32 to index
      %swap3A_216 = arith.index_cast %scan3A_200 : i32 to index
      %swap3A_217 = arith.constant 32 : index
      %swap3A_218 = tpu.vector_load %arg9[%swap3A_215, %swap3A_216, %swap3A_217] {strides = array<i32>} : memref<2x80x128xf32, #tpu.memory_space<vmem>>, vector<1x1x16xf32>,
      %swap3A_219 = vector.shape_cast %swap3A_218 : vector<1x1x16xf32> to vector<16xf32>
      %swap3A_220 = vector.shape_cast %broadcast_in_dim3A_1 : vector<16xf32> to vector<1x1x16xf32>
      tpu.vector_store %arg9[%swap3A_215, %swap3A_216, %swap3A_217], %swap3A_220 {strides = array<i32>} : memref<2x80x128xf32, #tpu.memory_space<vmem>>, vector<1x1x16xf32>,
      %swap3A_221 = arith.constant 0 : i32
      %swap3A_222 = arith.index_cast %swap3A_221 : i32 to index
      %swap3A_223 = arith.index_cast %scan3A_200 : i32 to index
      %swap3A_224 = arith.constant 48 : index
      %swap3A_225 = tpu.vector_load %arg9[%swap3A_222, %swap3A_223, %swap3A_224] {strides = array<i32>} : memref<2x80x128xf32, #tpu.memory_space<vmem>>, vector<1x1x16xf32>,
      %swap3A_226 = vector.shape_cast %swap3A_225 : vector<1x1x16xf32> to vector<16xf32>
      %swap3A_227 = vector.shape_cast %broadcast_in_dim3A_1 : vector<16xf32> to vector<1x1x16xf32>
      tpu.vector_store %arg9[%swap3A_222, %swap3A_223, %swap3A_224], %swap3A_227 {strides = array<i32>} : memref<2x80x128xf32, #tpu.memory_space<vmem>>, vector<1x1x16xf32>,
      %swap3A_228 = arith.constant 0 : i32
      %swap3A_229 = arith.index_cast %swap3A_228 : i32 to index
      %swap3A_230 = arith.index_cast %scan3A_200 : i32 to index
      %swap3A_231 = arith.constant 64 : index
      %swap3A_232 = tpu.vector_load %arg9[%swap3A_229, %swap3A_230, %swap3A_231] {strides = array<i32>} : memref<2x80x128xf32, #tpu.memory_space<vmem>>, vector<1x1x16xf32>,
      %swap3A_233 = vector.shape_cast %swap3A_232 : vector<1x1x16xf32> to vector<16xf32>
      %swap3A_234 = vector.shape_cast %broadcast_in_dim3A_1 : vector<16xf32> to vector<1x1x16xf32>
      tpu.vector_store %arg9[%swap3A_229, %swap3A_230, %swap3A_231], %swap3A_234 {strides = array<i32>} : memref<2x80x128xf32, #tpu.memory_space<vmem>>, vector<1x1x16xf32>,
      %swap3A_235 = arith.constant 0 : i32
      %swap3A_236 = arith.index_cast %swap3A_235 : i32 to index
      %swap3A_237 = arith.index_cast %scan3A_200 : i32 to index
      %swap3A_238 = arith.constant 80 : index
      %swap3A_239 = tpu.vector_load %arg9[%swap3A_236, %swap3A_237, %swap3A_238] {strides = array<i32>} : memref<2x80x128xf32, #tpu.memory_space<vmem>>, vector<1x1x16xf32>,
      %swap3A_240 = vector.shape_cast %swap3A_239 : vector<1x1x16xf32> to vector<16xf32>
      %swap3A_241 = vector.shape_cast %broadcast_in_dim3A_1 : vector<16xf32> to vector<1x1x16xf32>
      tpu.vector_store %arg9[%swap3A_236, %swap3A_237, %swap3A_238], %swap3A_241 {strides = array<i32>} : memref<2x80x128xf32, #tpu.memory_space<vmem>>, vector<1x1x16xf32>,
      %swap3A_242 = arith.constant 0 : i32
      %swap3A_243 = arith.index_cast %swap3A_242 : i32 to index
      %swap3A_244 = arith.index_cast %scan3A_200 : i32 to index
      %swap3A_245 = arith.constant 96 : index
      %swap3A_246 = tpu.vector_load %arg9[%swap3A_243, %swap3A_244, %swap3A_245] {strides = array<i32>} : memref<2x80x128xf32, #tpu.memory_space<vmem>>, vector<1x1x16xf32>,
      %swap3A_247 = vector.shape_cast %swap3A_246 : vector<1x1x16xf32> to vector<16xf32>
      %swap3A_248 = vector.shape_cast %broadcast_in_dim3A_1 : vector<16xf32> to vector<1x1x16xf32>
      tpu.vector_store %arg9[%swap3A_243, %swap3A_244, %swap3A_245], %swap3A_248 {strides = array<i32>} : memref<2x80x128xf32, #tpu.memory_space<vmem>>, vector<1x1x16xf32>,
      %swap3A_249 = arith.constant 0 : i32
      %swap3A_250 = arith.index_cast %swap3A_249 : i32 to index
      %swap3A_251 = arith.index_cast %scan3A_200 : i32 to index
      %swap3A_252 = arith.constant 112 : index
      %swap3A_253 = tpu.vector_load %arg9[%swap3A_250, %swap3A_251, %swap3A_252] {strides = array<i32>} : memref<2x80x128xf32, #tpu.memory_space<vmem>>, vector<1x1x16xf32>,
      %swap3A_254 = vector.shape_cast %swap3A_253 : vector<1x1x16xf32> to vector<16xf32>
      %swap3A_255 = vector.shape_cast %broadcast_in_dim3A_1 : vector<16xf32> to vector<1x1x16xf32>
      tpu.vector_store %arg9[%swap3A_250, %swap3A_251, %swap3A_252], %swap3A_255 {strides = array<i32>} : memref<2x80x128xf32, #tpu.memory_space<vmem>>, vector<1x1x16xf32>,
    }
    %scan3A_6 = arith.constant 80 : i32
    %mul3A_7 = arith.constant 640 : i32
    %mul3A_8 = arith.muli %arg1, %mul3A_7 : i32
    %add3A_9 = arith.constant 0 : i32
    %add3A_10 = arith.addi %mul3A_8, %add3A_9 : i32
    %run_scoped3A = arith.constant 0 : i32
    "tpu.region"() ({
      %run_scoped3A_200 = tpu.sem_alloc : memref<!tpu.dma_semaphore, #tpu.memory_space<semaphore_mem>>
      %dma_start3A_201 = arith.constant 0 : i32
      %dma_start3A_202 = arith.constant 0 : i32
      %dma_start3A_203 = tpu.memref_slice %arg9[%run_scoped3A, %dma_start3A_201, %dma_start3A_202] : memref<2x80x128xf32, #tpu.memory_space<vmem>> -> memref<1x80x128xf32, #tpu.memory_space<vmem>>
      %dma_start3A_204 = tpu.memref_squeeze %dma_start3A_203 : memref<1x80x128xf32, #tpu.memory_space<vmem>> -> memref<80x128xf32, #tpu.memory_space<vmem>>
      %dma_start3A_205 = arith.constant 0 : i32
      %dma_start3A_206 = tpu.memref_slice %arg11[%add3A_10, %dma_start3A_205] : memref<10240x128xf32, #tpu.memory_space<vmem_shared>> -> memref<80x128xf32, #tpu.memory_space<vmem_shared>>
      %dma_start3A_207 = arith.constant 0 : i32
      %dma_start3A_208 = tpu.memref_slice %arg11[%add3A_10, %dma_start3A_207] : memref<10240x128xf32, #tpu.memory_space<vmem_shared>> -> memref<80x128xf32, #tpu.memory_space<vmem_shared>>
      %dma_start3A_209 = arith.constant 0 : i32
      %dma_start3A_210 = arith.constant 0 : i32
      %dma_start3A_211 = tpu.memref_slice %arg9[%run_scoped3A, %dma_start3A_209, %dma_start3A_210] : memref<2x80x128xf32, #tpu.memory_space<vmem>> -> memref<1x80x128xf32, #tpu.memory_space<vmem>>
      %dma_start3A_212 = tpu.memref_squeeze %dma_start3A_211 : memref<1x80x128xf32, #tpu.memory_space<vmem>> -> memref<80x128xf32, #tpu.memory_space<vmem>>
      tpu.enqueue_dma source(%dma_start3A_212 : memref<80x128xf32, #tpu.memory_space<vmem>>) target(%dma_start3A_208 : memref<80x128xf32, #tpu.memory_space<vmem_shared>>) target_semaphore(%run_scoped3A_200 : memref<!tpu.dma_semaphore, #tpu.memory_space<semaphore_mem>>)
      %dma_wait3A_213 = arith.constant 0 : i32
      %dma_wait3A_214 = arith.constant 0 : i32
      %dma_wait3A_215 = tpu.memref_slice %arg9[%run_scoped3A, %dma_wait3A_213, %dma_wait3A_214] : memref<2x80x128xf32, #tpu.memory_space<vmem>> -> memref<1x80x128xf32, #tpu.memory_space<vmem>>
      %dma_wait3A_216 = tpu.memref_squeeze %dma_wait3A_215 : memref<1x80x128xf32, #tpu.memory_space<vmem>> -> memref<80x128xf32, #tpu.memory_space<vmem>>
      %dma_wait3A_217 = arith.constant 0 : i32
      %dma_wait3A_218 = tpu.memref_slice %arg11[%add3A_10, %dma_wait3A_217] : memref<10240x128xf32, #tpu.memory_space<vmem_shared>> -> memref<80x128xf32, #tpu.memory_space<vmem_shared>>
      %dma_wait3A_219 = arith.constant 0 : i32
      %dma_wait3A_220 = tpu.memref_slice %arg11[%add3A_10, %dma_wait3A_219] : memref<10240x128xf32, #tpu.memory_space<vmem_shared>> -> memref<80x128xf32, #tpu.memory_space<vmem_shared>>
      %dma_wait3A_221 = arith.constant 0 : i32
      %dma_wait3A_222 = arith.constant 0 : i32
      %dma_wait3A_223 = tpu.memref_slice %arg9[%run_scoped3A, %dma_wait3A_221, %dma_wait3A_222] : memref<2x80x128xf32, #tpu.memory_space<vmem>> -> memref<1x80x128xf32, #tpu.memory_space<vmem>>
      %dma_wait3A_224 = tpu.memref_squeeze %dma_wait3A_223 : memref<1x80x128xf32, #tpu.memory_space<vmem>> -> memref<80x128xf32, #tpu.memory_space<vmem>>
      tpu.wait_dma2 semaphore(%run_scoped3A_200 : memref<!tpu.dma_semaphore, #tpu.memory_space<semaphore_mem>>) src(%dma_wait3A_224 : memref<80x128xf32, #tpu.memory_space<vmem>>) dst(%dma_wait3A_220 : memref<80x128xf32, #tpu.memory_space<vmem_shared>>)
      tpu.yield
    }) : () -> ()
    %mul3A_11 = arith.constant 640 : i32
    %mul3A_12 = arith.muli %arg1, %mul3A_11 : i32
    %add3A_13 = arith.constant 80 : i32
    %add3A_14 = arith.addi %mul3A_12, %add3A_13 : i32
    %run_scoped3A_15 = arith.constant 0 : i32
    "tpu.region"() ({
      %run_scoped3A_200 = tpu.sem_alloc : memref<!tpu.dma_semaphore, #tpu.memory_space<semaphore_mem>>
      %dma_start3A_201 = arith.constant 0 : i32
      %dma_start3A_202 = arith.constant 0 : i32
      %dma_start3A_203 = tpu.memref_slice %arg9[%run_scoped3A_15, %dma_start3A_201, %dma_start3A_202] : memref<2x80x128xf32, #tpu.memory_space<vmem>> -> memref<1x80x128xf32, #tpu.memory_space<vmem>>
      %dma_start3A_204 = tpu.memref_squeeze %dma_start3A_203 : memref<1x80x128xf32, #tpu.memory_space<vmem>> -> memref<80x128xf32, #tpu.memory_space<vmem>>
      %dma_start3A_205 = arith.constant 0 : i32
      %dma_start3A_206 = tpu.memref_slice %arg11[%add3A_14, %dma_start3A_205] : memref<10240x128xf32, #tpu.memory_space<vmem_shared>> -> memref<80x128xf32, #tpu.memory_space<vmem_shared>>
      %dma_start3A_207 = arith.constant 0 : i32
      %dma_start3A_208 = tpu.memref_slice %arg11[%add3A_14, %dma_start3A_207] : memref<10240x128xf32, #tpu.memory_space<vmem_shared>> -> memref<80x128xf32, #tpu.memory_space<vmem_shared>>
      %dma_start3A_209 = arith.constant 0 : i32
      %dma_start3A_210 = arith.constant 0 : i32
      %dma_start3A_211 = tpu.memref_slice %arg9[%run_scoped3A_15, %dma_start3A_209, %dma_start3A_210] : memref<2x80x128xf32, #tpu.memory_space<vmem>> -> memref<1x80x128xf32, #tpu.memory_space<vmem>>
      %dma_start3A_212 = tpu.memref_squeeze %dma_start3A_211 : memref<1x80x128xf32, #tpu.memory_space<vmem>> -> memref<80x128xf32, #tpu.memory_space<vmem>>
      tpu.enqueue_dma source(%dma_start3A_212 : memref<80x128xf32, #tpu.memory_space<vmem>>) target(%dma_start3A_208 : memref<80x128xf32, #tpu.memory_space<vmem_shared>>) target_semaphore(%run_scoped3A_200 : memref<!tpu.dma_semaphore, #tpu.memory_space<semaphore_mem>>)
      %dma_wait3A_213 = arith.constant 0 : i32
      %dma_wait3A_214 = arith.constant 0 : i32
      %dma_wait3A_215 = tpu.memref_slice %arg9[%run_scoped3A_15, %dma_wait3A_213, %dma_wait3A_214] : memref<2x80x128xf32, #tpu.memory_space<vmem>> -> memref<1x80x128xf32, #tpu.memory_space<vmem>>
      %dma_wait3A_216 = tpu.memref_squeeze %dma_wait3A_215 : memref<1x80x128xf32, #tpu.memory_space<vmem>> -> memref<80x128xf32, #tpu.memory_space<vmem>>
      %dma_wait3A_217 = arith.constant 0 : i32
      %dma_wait3A_218 = tpu.memref_slice %arg11[%add3A_14, %dma_wait3A_217] : memref<10240x128xf32, #tpu.memory_space<vmem_shared>> -> memref<80x128xf32, #tpu.memory_space<vmem_shared>>
      %dma_wait3A_219 = arith.constant 0 : i32
      %dma_wait3A_220 = tpu.memref_slice %arg11[%add3A_14, %dma_wait3A_219] : memref<10240x128xf32, #tpu.memory_space<vmem_shared>> -> memref<80x128xf32, #tpu.memory_space<vmem_shared>>
      %dma_wait3A_221 = arith.constant 0 : i32
      %dma_wait3A_222 = arith.constant 0 : i32
      %dma_wait3A_223 = tpu.memref_slice %arg9[%run_scoped3A_15, %dma_wait3A_221, %dma_wait3A_222] : memref<2x80x128xf32, #tpu.memory_space<vmem>> -> memref<1x80x128xf32, #tpu.memory_space<vmem>>
      %dma_wait3A_224 = tpu.memref_squeeze %dma_wait3A_223 : memref<1x80x128xf32, #tpu.memory_space<vmem>> -> memref<80x128xf32, #tpu.memory_space<vmem>>
      tpu.wait_dma2 semaphore(%run_scoped3A_200 : memref<!tpu.dma_semaphore, #tpu.memory_space<semaphore_mem>>) src(%dma_wait3A_224 : memref<80x128xf32, #tpu.memory_space<vmem>>) dst(%dma_wait3A_220 : memref<80x128xf32, #tpu.memory_space<vmem_shared>>)
      tpu.yield
    }) : () -> ()
    %mul3A_16 = arith.constant 640 : i32
    %mul3A_17 = arith.muli %arg1, %mul3A_16 : i32
    %add3A_18 = arith.constant 160 : i32
    %add3A_19 = arith.addi %mul3A_17, %add3A_18 : i32
    %run_scoped3A_20 = arith.constant 0 : i32
    "tpu.region"() ({
      %run_scoped3A_200 = tpu.sem_alloc : memref<!tpu.dma_semaphore, #tpu.memory_space<semaphore_mem>>
      %dma_start3A_201 = arith.constant 0 : i32
      %dma_start3A_202 = arith.constant 0 : i32
      %dma_start3A_203 = tpu.memref_slice %arg9[%run_scoped3A_20, %dma_start3A_201, %dma_start3A_202] : memref<2x80x128xf32, #tpu.memory_space<vmem>> -> memref<1x80x128xf32, #tpu.memory_space<vmem>>
      %dma_start3A_204 = tpu.memref_squeeze %dma_start3A_203 : memref<1x80x128xf32, #tpu.memory_space<vmem>> -> memref<80x128xf32, #tpu.memory_space<vmem>>
      %dma_start3A_205 = arith.constant 0 : i32
      %dma_start3A_206 = tpu.memref_slice %arg11[%add3A_19, %dma_start3A_205] : memref<10240x128xf32, #tpu.memory_space<vmem_shared>> -> memref<80x128xf32, #tpu.memory_space<vmem_shared>>
      %dma_start3A_207 = arith.constant 0 : i32
      %dma_start3A_208 = tpu.memref_slice %arg11[%add3A_19, %dma_start3A_207] : memref<10240x128xf32, #tpu.memory_space<vmem_shared>> -> memref<80x128xf32, #tpu.memory_space<vmem_shared>>
      %dma_start3A_209 = arith.constant 0 : i32
      %dma_start3A_210 = arith.constant 0 : i32
      %dma_start3A_211 = tpu.memref_slice %arg9[%run_scoped3A_20, %dma_start3A_209, %dma_start3A_210] : memref<2x80x128xf32, #tpu.memory_space<vmem>> -> memref<1x80x128xf32, #tpu.memory_space<vmem>>
      %dma_start3A_212 = tpu.memref_squeeze %dma_start3A_211 : memref<1x80x128xf32, #tpu.memory_space<vmem>> -> memref<80x128xf32, #tpu.memory_space<vmem>>
      tpu.enqueue_dma source(%dma_start3A_212 : memref<80x128xf32, #tpu.memory_space<vmem>>) target(%dma_start3A_208 : memref<80x128xf32, #tpu.memory_space<vmem_shared>>) target_semaphore(%run_scoped3A_200 : memref<!tpu.dma_semaphore, #tpu.memory_space<semaphore_mem>>)
      %dma_wait3A_213 = arith.constant 0 : i32
      %dma_wait3A_214 = arith.constant 0 : i32
      %dma_wait3A_215 = tpu.memref_slice %arg9[%run_scoped3A_20, %dma_wait3A_213, %dma_wait3A_214] : memref<2x80x128xf32, #tpu.memory_space<vmem>> -> memref<1x80x128xf32, #tpu.memory_space<vmem>>
      %dma_wait3A_216 = tpu.memref_squeeze %dma_wait3A_215 : memref<1x80x128xf32, #tpu.memory_space<vmem>> -> memref<80x128xf32, #tpu.memory_space<vmem>>
      %dma_wait3A_217 = arith.constant 0 : i32
      %dma_wait3A_218 = tpu.memref_slice %arg11[%add3A_19, %dma_wait3A_217] : memref<10240x128xf32, #tpu.memory_space<vmem_shared>> -> memref<80x128xf32, #tpu.memory_space<vmem_shared>>
      %dma_wait3A_219 = arith.constant 0 : i32
      %dma_wait3A_220 = tpu.memref_slice %arg11[%add3A_19, %dma_wait3A_219] : memref<10240x128xf32, #tpu.memory_space<vmem_shared>> -> memref<80x128xf32, #tpu.memory_space<vmem_shared>>
      %dma_wait3A_221 = arith.constant 0 : i32
      %dma_wait3A_222 = arith.constant 0 : i32
      %dma_wait3A_223 = tpu.memref_slice %arg9[%run_scoped3A_20, %dma_wait3A_221, %dma_wait3A_222] : memref<2x80x128xf32, #tpu.memory_space<vmem>> -> memref<1x80x128xf32, #tpu.memory_space<vmem>>
      %dma_wait3A_224 = tpu.memref_squeeze %dma_wait3A_223 : memref<1x80x128xf32, #tpu.memory_space<vmem>> -> memref<80x128xf32, #tpu.memory_space<vmem>>
      tpu.wait_dma2 semaphore(%run_scoped3A_200 : memref<!tpu.dma_semaphore, #tpu.memory_space<semaphore_mem>>) src(%dma_wait3A_224 : memref<80x128xf32, #tpu.memory_space<vmem>>) dst(%dma_wait3A_220 : memref<80x128xf32, #tpu.memory_space<vmem_shared>>)
      tpu.yield
    }) : () -> ()
    %mul3A_21 = arith.constant 640 : i32
    %mul3A_22 = arith.muli %arg1, %mul3A_21 : i32
    %add3A_23 = arith.constant 240 : i32
    %add3A_24 = arith.addi %mul3A_22, %add3A_23 : i32
    %run_scoped3A_25 = arith.constant 0 : i32
    "tpu.region"() ({
      %run_scoped3A_200 = tpu.sem_alloc : memref<!tpu.dma_semaphore, #tpu.memory_space<semaphore_mem>>
      %dma_start3A_201 = arith.constant 0 : i32
      %dma_start3A_202 = arith.constant 0 : i32
      %dma_start3A_203 = tpu.memref_slice %arg9[%run_scoped3A_25, %dma_start3A_201, %dma_start3A_202] : memref<2x80x128xf32, #tpu.memory_space<vmem>> -> memref<1x80x128xf32, #tpu.memory_space<vmem>>
      %dma_start3A_204 = tpu.memref_squeeze %dma_start3A_203 : memref<1x80x128xf32, #tpu.memory_space<vmem>> -> memref<80x128xf32, #tpu.memory_space<vmem>>
      %dma_start3A_205 = arith.constant 0 : i32
      %dma_start3A_206 = tpu.memref_slice %arg11[%add3A_24, %dma_start3A_205] : memref<10240x128xf32, #tpu.memory_space<vmem_shared>> -> memref<80x128xf32, #tpu.memory_space<vmem_shared>>
      %dma_start3A_207 = arith.constant 0 : i32
      %dma_start3A_208 = tpu.memref_slice %arg11[%add3A_24, %dma_start3A_207] : memref<10240x128xf32, #tpu.memory_space<vmem_shared>> -> memref<80x128xf32, #tpu.memory_space<vmem_shared>>
      %dma_start3A_209 = arith.constant 0 : i32
      %dma_start3A_210 = arith.constant 0 : i32
      %dma_start3A_211 = tpu.memref_slice %arg9[%run_scoped3A_25, %dma_start3A_209, %dma_start3A_210] : memref<2x80x128xf32, #tpu.memory_space<vmem>> -> memref<1x80x128xf32, #tpu.memory_space<vmem>>
      %dma_start3A_212 = tpu.memref_squeeze %dma_start3A_211 : memref<1x80x128xf32, #tpu.memory_space<vmem>> -> memref<80x128xf32, #tpu.memory_space<vmem>>
      tpu.enqueue_dma source(%dma_start3A_212 : memref<80x128xf32, #tpu.memory_space<vmem>>) target(%dma_start3A_208 : memref<80x128xf32, #tpu.memory_space<vmem_shared>>) target_semaphore(%run_scoped3A_200 : memref<!tpu.dma_semaphore, #tpu.memory_space<semaphore_mem>>)
      %dma_wait3A_213 = arith.constant 0 : i32
      %dma_wait3A_214 = arith.constant 0 : i32
      %dma_wait3A_215 = tpu.memref_slice %arg9[%run_scoped3A_25, %dma_wait3A_213, %dma_wait3A_214] : memref<2x80x128xf32, #tpu.memory_space<vmem>> -> memref<1x80x128xf32, #tpu.memory_space<vmem>>
      %dma_wait3A_216 = tpu.memref_squeeze %dma_wait3A_215 : memref<1x80x128xf32, #tpu.memory_space<vmem>> -> memref<80x128xf32, #tpu.memory_space<vmem>>
      %dma_wait3A_217 = arith.constant 0 : i32
      %dma_wait3A_218 = tpu.memref_slice %arg11[%add3A_24, %dma_wait3A_217] : memref<10240x128xf32, #tpu.memory_space<vmem_shared>> -> memref<80x128xf32, #tpu.memory_space<vmem_shared>>
      %dma_wait3A_219 = arith.constant 0 : i32
      %dma_wait3A_220 = tpu.memref_slice %arg11[%add3A_24, %dma_wait3A_219] : memref<10240x128xf32, #tpu.memory_space<vmem_shared>> -> memref<80x128xf32, #tpu.memory_space<vmem_shared>>
      %dma_wait3A_221 = arith.constant 0 : i32
      %dma_wait3A_222 = arith.constant 0 : i32
      %dma_wait3A_223 = tpu.memref_slice %arg9[%run_scoped3A_25, %dma_wait3A_221, %dma_wait3A_222] : memref<2x80x128xf32, #tpu.memory_space<vmem>> -> memref<1x80x128xf32, #tpu.memory_space<vmem>>
      %dma_wait3A_224 = tpu.memref_squeeze %dma_wait3A_223 : memref<1x80x128xf32, #tpu.memory_space<vmem>> -> memref<80x128xf32, #tpu.memory_space<vmem>>
      tpu.wait_dma2 semaphore(%run_scoped3A_200 : memref<!tpu.dma_semaphore, #tpu.memory_space<semaphore_mem>>) src(%dma_wait3A_224 : memref<80x128xf32, #tpu.memory_space<vmem>>) dst(%dma_wait3A_220 : memref<80x128xf32, #tpu.memory_space<vmem_shared>>)
      tpu.yield
    }) : () -> ()
    %mul3A_26 = arith.constant 640 : i32
    %mul3A_27 = arith.muli %arg1, %mul3A_26 : i32
    %add3A_28 = arith.constant 320 : i32
    %add3A_29 = arith.addi %mul3A_27, %add3A_28 : i32
    %run_scoped3A_30 = arith.constant 0 : i32
    "tpu.region"() ({
      %run_scoped3A_200 = tpu.sem_alloc : memref<!tpu.dma_semaphore, #tpu.memory_space<semaphore_mem>>
      %dma_start3A_201 = arith.constant 0 : i32
      %dma_start3A_202 = arith.constant 0 : i32
      %dma_start3A_203 = tpu.memref_slice %arg9[%run_scoped3A_30, %dma_start3A_201, %dma_start3A_202] : memref<2x80x128xf32, #tpu.memory_space<vmem>> -> memref<1x80x128xf32, #tpu.memory_space<vmem>>
      %dma_start3A_204 = tpu.memref_squeeze %dma_start3A_203 : memref<1x80x128xf32, #tpu.memory_space<vmem>> -> memref<80x128xf32, #tpu.memory_space<vmem>>
      %dma_start3A_205 = arith.constant 0 : i32
      %dma_start3A_206 = tpu.memref_slice %arg11[%add3A_29, %dma_start3A_205] : memref<10240x128xf32, #tpu.memory_space<vmem_shared>> -> memref<80x128xf32, #tpu.memory_space<vmem_shared>>
      %dma_start3A_207 = arith.constant 0 : i32
      %dma_start3A_208 = tpu.memref_slice %arg11[%add3A_29, %dma_start3A_207] : memref<10240x128xf32, #tpu.memory_space<vmem_shared>> -> memref<80x128xf32, #tpu.memory_space<vmem_shared>>
      %dma_start3A_209 = arith.constant 0 : i32
      %dma_start3A_210 = arith.constant 0 : i32
      %dma_start3A_211 = tpu.memref_slice %arg9[%run_scoped3A_30, %dma_start3A_209, %dma_start3A_210] : memref<2x80x128xf32, #tpu.memory_space<vmem>> -> memref<1x80x128xf32, #tpu.memory_space<vmem>>
      %dma_start3A_212 = tpu.memref_squeeze %dma_start3A_211 : memref<1x80x128xf32, #tpu.memory_space<vmem>> -> memref<80x128xf32, #tpu.memory_space<vmem>>
      tpu.enqueue_dma source(%dma_start3A_212 : memref<80x128xf32, #tpu.memory_space<vmem>>) target(%dma_start3A_208 : memref<80x128xf32, #tpu.memory_space<vmem_shared>>) target_semaphore(%run_scoped3A_200 : memref<!tpu.dma_semaphore, #tpu.memory_space<semaphore_mem>>)
      %dma_wait3A_213 = arith.constant 0 : i32
      %dma_wait3A_214 = arith.constant 0 : i32
      %dma_wait3A_215 = tpu.memref_slice %arg9[%run_scoped3A_30, %dma_wait3A_213, %dma_wait3A_214] : memref<2x80x128xf32, #tpu.memory_space<vmem>> -> memref<1x80x128xf32, #tpu.memory_space<vmem>>
      %dma_wait3A_216 = tpu.memref_squeeze %dma_wait3A_215 : memref<1x80x128xf32, #tpu.memory_space<vmem>> -> memref<80x128xf32, #tpu.memory_space<vmem>>
      %dma_wait3A_217 = arith.constant 0 : i32
      %dma_wait3A_218 = tpu.memref_slice %arg11[%add3A_29, %dma_wait3A_217] : memref<10240x128xf32, #tpu.memory_space<vmem_shared>> -> memref<80x128xf32, #tpu.memory_space<vmem_shared>>
      %dma_wait3A_219 = arith.constant 0 : i32
      %dma_wait3A_220 = tpu.memref_slice %arg11[%add3A_29, %dma_wait3A_219] : memref<10240x128xf32, #tpu.memory_space<vmem_shared>> -> memref<80x128xf32, #tpu.memory_space<vmem_shared>>
      %dma_wait3A_221 = arith.constant 0 : i32
      %dma_wait3A_222 = arith.constant 0 : i32
      %dma_wait3A_223 = tpu.memref_slice %arg9[%run_scoped3A_30, %dma_wait3A_221, %dma_wait3A_222] : memref<2x80x128xf32, #tpu.memory_space<vmem>> -> memref<1x80x128xf32, #tpu.memory_space<vmem>>
      %dma_wait3A_224 = tpu.memref_squeeze %dma_wait3A_223 : memref<1x80x128xf32, #tpu.memory_space<vmem>> -> memref<80x128xf32, #tpu.memory_space<vmem>>
      tpu.wait_dma2 semaphore(%run_scoped3A_200 : memref<!tpu.dma_semaphore, #tpu.memory_space<semaphore_mem>>) src(%dma_wait3A_224 : memref<80x128xf32, #tpu.memory_space<vmem>>) dst(%dma_wait3A_220 : memref<80x128xf32, #tpu.memory_space<vmem_shared>>)
      tpu.yield
    }) : () -> ()
    %mul3A_31 = arith.constant 640 : i32
    %mul3A_32 = arith.muli %arg1, %mul3A_31 : i32
    %add3A_33 = arith.constant 400 : i32
    %add3A_34 = arith.addi %mul3A_32, %add3A_33 : i32
    %run_scoped3A_35 = arith.constant 0 : i32
    "tpu.region"() ({
      %run_scoped3A_200 = tpu.sem_alloc : memref<!tpu.dma_semaphore, #tpu.memory_space<semaphore_mem>>
      %dma_start3A_201 = arith.constant 0 : i32
      %dma_start3A_202 = arith.constant 0 : i32
      %dma_start3A_203 = tpu.memref_slice %arg9[%run_scoped3A_35, %dma_start3A_201, %dma_start3A_202] : memref<2x80x128xf32, #tpu.memory_space<vmem>> -> memref<1x80x128xf32, #tpu.memory_space<vmem>>
      %dma_start3A_204 = tpu.memref_squeeze %dma_start3A_203 : memref<1x80x128xf32, #tpu.memory_space<vmem>> -> memref<80x128xf32, #tpu.memory_space<vmem>>
      %dma_start3A_205 = arith.constant 0 : i32
      %dma_start3A_206 = tpu.memref_slice %arg11[%add3A_34, %dma_start3A_205] : memref<10240x128xf32, #tpu.memory_space<vmem_shared>> -> memref<80x128xf32, #tpu.memory_space<vmem_shared>>
      %dma_start3A_207 = arith.constant 0 : i32
      %dma_start3A_208 = tpu.memref_slice %arg11[%add3A_34, %dma_start3A_207] : memref<10240x128xf32, #tpu.memory_space<vmem_shared>> -> memref<80x128xf32, #tpu.memory_space<vmem_shared>>
      %dma_start3A_209 = arith.constant 0 : i32
      %dma_start3A_210 = arith.constant 0 : i32
      %dma_start3A_211 = tpu.memref_slice %arg9[%run_scoped3A_35, %dma_start3A_209, %dma_start3A_210] : memref<2x80x128xf32, #tpu.memory_space<vmem>> -> memref<1x80x128xf32, #tpu.memory_space<vmem>>
      %dma_start3A_212 = tpu.memref_squeeze %dma_start3A_211 : memref<1x80x128xf32, #tpu.memory_space<vmem>> -> memref<80x128xf32, #tpu.memory_space<vmem>>
      tpu.enqueue_dma source(%dma_start3A_212 : memref<80x128xf32, #tpu.memory_space<vmem>>) target(%dma_start3A_208 : memref<80x128xf32, #tpu.memory_space<vmem_shared>>) target_semaphore(%run_scoped3A_200 : memref<!tpu.dma_semaphore, #tpu.memory_space<semaphore_mem>>)
      %dma_wait3A_213 = arith.constant 0 : i32
      %dma_wait3A_214 = arith.constant 0 : i32
      %dma_wait3A_215 = tpu.memref_slice %arg9[%run_scoped3A_35, %dma_wait3A_213, %dma_wait3A_214] : memref<2x80x128xf32, #tpu.memory_space<vmem>> -> memref<1x80x128xf32, #tpu.memory_space<vmem>>
      %dma_wait3A_216 = tpu.memref_squeeze %dma_wait3A_215 : memref<1x80x128xf32, #tpu.memory_space<vmem>> -> memref<80x128xf32, #tpu.memory_space<vmem>>
      %dma_wait3A_217 = arith.constant 0 : i32
      %dma_wait3A_218 = tpu.memref_slice %arg11[%add3A_34, %dma_wait3A_217] : memref<10240x128xf32, #tpu.memory_space<vmem_shared>> -> memref<80x128xf32, #tpu.memory_space<vmem_shared>>
      %dma_wait3A_219 = arith.constant 0 : i32
      %dma_wait3A_220 = tpu.memref_slice %arg11[%add3A_34, %dma_wait3A_219] : memref<10240x128xf32, #tpu.memory_space<vmem_shared>> -> memref<80x128xf32, #tpu.memory_space<vmem_shared>>
      %dma_wait3A_221 = arith.constant 0 : i32
      %dma_wait3A_222 = arith.constant 0 : i32
      %dma_wait3A_223 = tpu.memref_slice %arg9[%run_scoped3A_35, %dma_wait3A_221, %dma_wait3A_222] : memref<2x80x128xf32, #tpu.memory_space<vmem>> -> memref<1x80x128xf32, #tpu.memory_space<vmem>>
      %dma_wait3A_224 = tpu.memref_squeeze %dma_wait3A_223 : memref<1x80x128xf32, #tpu.memory_space<vmem>> -> memref<80x128xf32, #tpu.memory_space<vmem>>
      tpu.wait_dma2 semaphore(%run_scoped3A_200 : memref<!tpu.dma_semaphore, #tpu.memory_space<semaphore_mem>>) src(%dma_wait3A_224 : memref<80x128xf32, #tpu.memory_space<vmem>>) dst(%dma_wait3A_220 : memref<80x128xf32, #tpu.memory_space<vmem_shared>>)
      tpu.yield
    }) : () -> ()
    %mul3A_36 = arith.constant 640 : i32
    %mul3A_37 = arith.muli %arg1, %mul3A_36 : i32
    %add3A_38 = arith.constant 480 : i32
    %add3A_39 = arith.addi %mul3A_37, %add3A_38 : i32
    %run_scoped3A_40 = arith.constant 0 : i32
    "tpu.region"() ({
      %run_scoped3A_200 = tpu.sem_alloc : memref<!tpu.dma_semaphore, #tpu.memory_space<semaphore_mem>>
      %dma_start3A_201 = arith.constant 0 : i32
      %dma_start3A_202 = arith.constant 0 : i32
      %dma_start3A_203 = tpu.memref_slice %arg9[%run_scoped3A_40, %dma_start3A_201, %dma_start3A_202] : memref<2x80x128xf32, #tpu.memory_space<vmem>> -> memref<1x80x128xf32, #tpu.memory_space<vmem>>
      %dma_start3A_204 = tpu.memref_squeeze %dma_start3A_203 : memref<1x80x128xf32, #tpu.memory_space<vmem>> -> memref<80x128xf32, #tpu.memory_space<vmem>>
      %dma_start3A_205 = arith.constant 0 : i32
      %dma_start3A_206 = tpu.memref_slice %arg11[%add3A_39, %dma_start3A_205] : memref<10240x128xf32, #tpu.memory_space<vmem_shared>> -> memref<80x128xf32, #tpu.memory_space<vmem_shared>>
      %dma_start3A_207 = arith.constant 0 : i32
      %dma_start3A_208 = tpu.memref_slice %arg11[%add3A_39, %dma_start3A_207] : memref<10240x128xf32, #tpu.memory_space<vmem_shared>> -> memref<80x128xf32, #tpu.memory_space<vmem_shared>>
      %dma_start3A_209 = arith.constant 0 : i32
      %dma_start3A_210 = arith.constant 0 : i32
      %dma_start3A_211 = tpu.memref_slice %arg9[%run_scoped3A_40, %dma_start3A_209, %dma_start3A_210] : memref<2x80x128xf32, #tpu.memory_space<vmem>> -> memref<1x80x128xf32, #tpu.memory_space<vmem>>
      %dma_start3A_212 = tpu.memref_squeeze %dma_start3A_211 : memref<1x80x128xf32, #tpu.memory_space<vmem>> -> memref<80x128xf32, #tpu.memory_space<vmem>>
      tpu.enqueue_dma source(%dma_start3A_212 : memref<80x128xf32, #tpu.memory_space<vmem>>) target(%dma_start3A_208 : memref<80x128xf32, #tpu.memory_space<vmem_shared>>) target_semaphore(%run_scoped3A_200 : memref<!tpu.dma_semaphore, #tpu.memory_space<semaphore_mem>>)
      %dma_wait3A_213 = arith.constant 0 : i32
      %dma_wait3A_214 = arith.constant 0 : i32
      %dma_wait3A_215 = tpu.memref_slice %arg9[%run_scoped3A_40, %dma_wait3A_213, %dma_wait3A_214] : memref<2x80x128xf32, #tpu.memory_space<vmem>> -> memref<1x80x128xf32, #tpu.memory_space<vmem>>
      %dma_wait3A_216 = tpu.memref_squeeze %dma_wait3A_215 : memref<1x80x128xf32, #tpu.memory_space<vmem>> -> memref<80x128xf32, #tpu.memory_space<vmem>>
      %dma_wait3A_217 = arith.constant 0 : i32
      %dma_wait3A_218 = tpu.memref_slice %arg11[%add3A_39, %dma_wait3A_217] : memref<10240x128xf32, #tpu.memory_space<vmem_shared>> -> memref<80x128xf32, #tpu.memory_space<vmem_shared>>
      %dma_wait3A_219 = arith.constant 0 : i32
      %dma_wait3A_220 = tpu.memref_slice %arg11[%add3A_39, %dma_wait3A_219] : memref<10240x128xf32, #tpu.memory_space<vmem_shared>> -> memref<80x128xf32, #tpu.memory_space<vmem_shared>>
      %dma_wait3A_221 = arith.constant 0 : i32
      %dma_wait3A_222 = arith.constant 0 : i32
      %dma_wait3A_223 = tpu.memref_slice %arg9[%run_scoped3A_40, %dma_wait3A_221, %dma_wait3A_222] : memref<2x80x128xf32, #tpu.memory_space<vmem>> -> memref<1x80x128xf32, #tpu.memory_space<vmem>>
      %dma_wait3A_224 = tpu.memref_squeeze %dma_wait3A_223 : memref<1x80x128xf32, #tpu.memory_space<vmem>> -> memref<80x128xf32, #tpu.memory_space<vmem>>
      tpu.wait_dma2 semaphore(%run_scoped3A_200 : memref<!tpu.dma_semaphore, #tpu.memory_space<semaphore_mem>>) src(%dma_wait3A_224 : memref<80x128xf32, #tpu.memory_space<vmem>>) dst(%dma_wait3A_220 : memref<80x128xf32, #tpu.memory_space<vmem_shared>>)
      tpu.yield
    }) : () -> ()
    %mul3A_41 = arith.constant 640 : i32
    %mul3A_42 = arith.muli %arg1, %mul3A_41 : i32
    %add3A_43 = arith.constant 560 : i32
    %add3A_44 = arith.addi %mul3A_42, %add3A_43 : i32
    %run_scoped3A_45 = arith.constant 0 : i32
    "tpu.region"() ({
      %run_scoped3A_200 = tpu.sem_alloc : memref<!tpu.dma_semaphore, #tpu.memory_space<semaphore_mem>>
      %dma_start3A_201 = arith.constant 0 : i32
      %dma_start3A_202 = arith.constant 0 : i32
      %dma_start3A_203 = tpu.memref_slice %arg9[%run_scoped3A_45, %dma_start3A_201, %dma_start3A_202] : memref<2x80x128xf32, #tpu.memory_space<vmem>> -> memref<1x80x128xf32, #tpu.memory_space<vmem>>
      %dma_start3A_204 = tpu.memref_squeeze %dma_start3A_203 : memref<1x80x128xf32, #tpu.memory_space<vmem>> -> memref<80x128xf32, #tpu.memory_space<vmem>>
      %dma_start3A_205 = arith.constant 0 : i32
      %dma_start3A_206 = tpu.memref_slice %arg11[%add3A_44, %dma_start3A_205] : memref<10240x128xf32, #tpu.memory_space<vmem_shared>> -> memref<80x128xf32, #tpu.memory_space<vmem_shared>>
      %dma_start3A_207 = arith.constant 0 : i32
      %dma_start3A_208 = tpu.memref_slice %arg11[%add3A_44, %dma_start3A_207] : memref<10240x128xf32, #tpu.memory_space<vmem_shared>> -> memref<80x128xf32, #tpu.memory_space<vmem_shared>>
      %dma_start3A_209 = arith.constant 0 : i32
      %dma_start3A_210 = arith.constant 0 : i32
      %dma_start3A_211 = tpu.memref_slice %arg9[%run_scoped3A_45, %dma_start3A_209, %dma_start3A_210] : memref<2x80x128xf32, #tpu.memory_space<vmem>> -> memref<1x80x128xf32, #tpu.memory_space<vmem>>
      %dma_start3A_212 = tpu.memref_squeeze %dma_start3A_211 : memref<1x80x128xf32, #tpu.memory_space<vmem>> -> memref<80x128xf32, #tpu.memory_space<vmem>>
      tpu.enqueue_dma source(%dma_start3A_212 : memref<80x128xf32, #tpu.memory_space<vmem>>) target(%dma_start3A_208 : memref<80x128xf32, #tpu.memory_space<vmem_shared>>) target_semaphore(%run_scoped3A_200 : memref<!tpu.dma_semaphore, #tpu.memory_space<semaphore_mem>>)
      %dma_wait3A_213 = arith.constant 0 : i32
      %dma_wait3A_214 = arith.constant 0 : i32
      %dma_wait3A_215 = tpu.memref_slice %arg9[%run_scoped3A_45, %dma_wait3A_213, %dma_wait3A_214] : memref<2x80x128xf32, #tpu.memory_space<vmem>> -> memref<1x80x128xf32, #tpu.memory_space<vmem>>
      %dma_wait3A_216 = tpu.memref_squeeze %dma_wait3A_215 : memref<1x80x128xf32, #tpu.memory_space<vmem>> -> memref<80x128xf32, #tpu.memory_space<vmem>>
      %dma_wait3A_217 = arith.constant 0 : i32
      %dma_wait3A_218 = tpu.memref_slice %arg11[%add3A_44, %dma_wait3A_217] : memref<10240x128xf32, #tpu.memory_space<vmem_shared>> -> memref<80x128xf32, #tpu.memory_space<vmem_shared>>
      %dma_wait3A_219 = arith.constant 0 : i32
      %dma_wait3A_220 = tpu.memref_slice %arg11[%add3A_44, %dma_wait3A_219] : memref<10240x128xf32, #tpu.memory_space<vmem_shared>> -> memref<80x128xf32, #tpu.memory_space<vmem_shared>>
      %dma_wait3A_221 = arith.constant 0 : i32
      %dma_wait3A_222 = arith.constant 0 : i32
      %dma_wait3A_223 = tpu.memref_slice %arg9[%run_scoped3A_45, %dma_wait3A_221, %dma_wait3A_222] : memref<2x80x128xf32, #tpu.memory_space<vmem>> -> memref<1x80x128xf32, #tpu.memory_space<vmem>>
      %dma_wait3A_224 = tpu.memref_squeeze %dma_wait3A_223 : memref<1x80x128xf32, #tpu.memory_space<vmem>> -> memref<80x128xf32, #tpu.memory_space<vmem>>
      tpu.wait_dma2 semaphore(%run_scoped3A_200 : memref<!tpu.dma_semaphore, #tpu.memory_space<semaphore_mem>>) src(%dma_wait3A_224 : memref<80x128xf32, #tpu.memory_space<vmem>>) dst(%dma_wait3A_220 : memref<80x128xf32, #tpu.memory_space<vmem_shared>>)
      tpu.yield
    }) : () -> ()
    %barrier3A = arith.constant 0 : index
    tpu.barrier barrier_id(%barrier3A)
    %add3A_46 = arith.constant 0 : i32
    %add3A_47 = arith.addi %add3A_46, %add3A : i32
    %mul3A_48 = arith.constant 80 : i32
    %mul3A_49 = arith.muli %add3A_47, %mul3A_48 : i32
    %dma_start3A = arith.constant 0 : i32
    %dma_start3A_50 = arith.constant 0 : i32
    %dma_start3A_51 = tpu.memref_slice %arg7[%dma_start3A, %dma_start3A_50] : memref<2x80xi32, #tpu.memory_space<vmem>> -> memref<1x80xi32, #tpu.memory_space<vmem>>
    %dma_start3A_52 = tpu.memref_squeeze %dma_start3A_51 : memref<1x80xi32, #tpu.memory_space<vmem>> -> memref<80xi32, #tpu.memory_space<vmem>>
    %dma_start3A_53 = tpu.memref_slice %arg4[%mul3A_49] : memref<322560xi32, #tpu.memory_space<hbm>> -> memref<80xi32, #tpu.memory_space<hbm>>
    %dma_start3A_54 = arith.constant 0 : i32
    %dma_start3A_55 = tpu.memref_slice %arg7[%dma_start3A, %dma_start3A_54] : memref<2x80xi32, #tpu.memory_space<vmem>> -> memref<1x80xi32, #tpu.memory_space<vmem>>
    %dma_start3A_56 = tpu.memref_squeeze %dma_start3A_55 : memref<1x80xi32, #tpu.memory_space<vmem>> -> memref<80xi32, #tpu.memory_space<vmem>>
    %dma_start3A_57 = tpu.memref_slice %arg4[%mul3A_49] : memref<322560xi32, #tpu.memory_space<hbm>> -> memref<80xi32, #tpu.memory_space<hbm>>
    tpu.enqueue_dma source(%dma_start3A_57 : memref<80xi32, #tpu.memory_space<hbm>>) target(%dma_start3A_56 : memref<80xi32, #tpu.memory_space<vmem>>) target_semaphore(%arg12 : memref<!tpu.dma_semaphore, #tpu.memory_space<semaphore_mem>>)
    %dma_start3A_58 = arith.constant 0 : i32
    %dma_start3A_59 = arith.constant 0 : i32
    %dma_start3A_60 = tpu.memref_slice %arg8[%dma_start3A_58, %dma_start3A_59] : memref<2x80xi32, #tpu.memory_space<vmem>> -> memref<1x80xi32, #tpu.memory_space<vmem>>
    %dma_start3A_61 = tpu.memref_squeeze %dma_start3A_60 : memref<1x80xi32, #tpu.memory_space<vmem>> -> memref<80xi32, #tpu.memory_space<vmem>>
    %dma_start3A_62 = tpu.memref_slice %arg5[%mul3A_49] : memref<322560xi32, #tpu.memory_space<hbm>> -> memref<80xi32, #tpu.memory_space<hbm>>
    %dma_start3A_63 = arith.constant 0 : i32
    %dma_start3A_64 = tpu.memref_slice %arg8[%dma_start3A_58, %dma_start3A_63] : memref<2x80xi32, #tpu.memory_space<vmem>> -> memref<1x80xi32, #tpu.memory_space<vmem>>
    %dma_start3A_65 = tpu.memref_squeeze %dma_start3A_64 : memref<1x80xi32, #tpu.memory_space<vmem>> -> memref<80xi32, #tpu.memory_space<vmem>>
    %dma_start3A_66 = tpu.memref_slice %arg5[%mul3A_49] : memref<322560xi32, #tpu.memory_space<hbm>> -> memref<80xi32, #tpu.memory_space<hbm>>
    tpu.enqueue_dma source(%dma_start3A_66 : memref<80xi32, #tpu.memory_space<hbm>>) target(%dma_start3A_65 : memref<80xi32, #tpu.memory_space<vmem>>) target_semaphore(%arg12 : memref<!tpu.dma_semaphore, #tpu.memory_space<semaphore_mem>>)
    %dma_start3A_67 = arith.constant 0 : i32
    %dma_start3A_68 = arith.constant 0 : i32
    %dma_start3A_69 = arith.constant 0 : i32
    %dma_start3A_70 = tpu.memref_slice %arg10[%dma_start3A_67, %dma_start3A_68, %dma_start3A_69] : memref<2x80x128xf32, #tpu.memory_space<vmem>> -> memref<1x80x128xf32, #tpu.memory_space<vmem>>
    %dma_start3A_71 = tpu.memref_squeeze %dma_start3A_70 : memref<1x80x128xf32, #tpu.memory_space<vmem>> -> memref<80x128xf32, #tpu.memory_space<vmem>>
    %dma_start3A_72 = arith.constant 0 : i32
    %dma_start3A_73 = tpu.memref_slice %arg3[%mul3A_49, %dma_start3A_72] : memref<322560x128xf32, #tpu.memory_space<hbm>> -> memref<80x128xf32, #tpu.memory_space<hbm>>
    %dma_start3A_74 = arith.constant 0 : i32
    %dma_start3A_75 = arith.constant 0 : i32
    %dma_start3A_76 = tpu.memref_slice %arg10[%dma_start3A_67, %dma_start3A_74, %dma_start3A_75] : memref<2x80x128xf32, #tpu.memory_space<vmem>> -> memref<1x80x128xf32, #tpu.memory_space<vmem>>
    %dma_start3A_77 = tpu.memref_squeeze %dma_start3A_76 : memref<1x80x128xf32, #tpu.memory_space<vmem>> -> memref<80x128xf32, #tpu.memory_space<vmem>>
    %dma_start3A_78 = arith.constant 0 : i32
    %dma_start3A_79 = tpu.memref_slice %arg3[%mul3A_49, %dma_start3A_78] : memref<322560x128xf32, #tpu.memory_space<hbm>> -> memref<80x128xf32, #tpu.memory_space<hbm>>
    tpu.enqueue_dma source(%dma_start3A_79 : memref<80x128xf32, #tpu.memory_space<hbm>>) target(%dma_start3A_77 : memref<80x128xf32, #tpu.memory_space<vmem>>) target_semaphore(%arg12 : memref<!tpu.dma_semaphore, #tpu.memory_space<semaphore_mem>>)
    %add3A_80 = arith.constant 32 : i32
    %add3A_81 = arith.addi %add3A_80, %add3A : i32
    %mul3A_82 = arith.constant 80 : i32
    %mul3A_83 = arith.muli %add3A_81, %mul3A_82 : i32
    %dma_start3A_84 = arith.constant 1 : i32
    %dma_start3A_85 = arith.constant 0 : i32
    %dma_start3A_86 = tpu.memref_slice %arg7[%dma_start3A_84, %dma_start3A_85] : memref<2x80xi32, #tpu.memory_space<vmem>> -> memref<1x80xi32, #tpu.memory_space<vmem>>
    %dma_start3A_87 = tpu.memref_squeeze %dma_start3A_86 : memref<1x80xi32, #tpu.memory_space<vmem>> -> memref<80xi32, #tpu.memory_space<vmem>>
    %dma_start3A_88 = tpu.memref_slice %arg4[%mul3A_83] : memref<322560xi32, #tpu.memory_space<hbm>> -> memref<80xi32, #tpu.memory_space<hbm>>
    %dma_start3A_89 = arith.constant 0 : i32
    %dma_start3A_90 = tpu.memref_slice %arg7[%dma_start3A_84, %dma_start3A_89] : memref<2x80xi32, #tpu.memory_space<vmem>> -> memref<1x80xi32, #tpu.memory_space<vmem>>
    %dma_start3A_91 = tpu.memref_squeeze %dma_start3A_90 : memref<1x80xi32, #tpu.memory_space<vmem>> -> memref<80xi32, #tpu.memory_space<vmem>>
    %dma_start3A_92 = tpu.memref_slice %arg4[%mul3A_83] : memref<322560xi32, #tpu.memory_space<hbm>> -> memref<80xi32, #tpu.memory_space<hbm>>
    tpu.enqueue_dma source(%dma_start3A_92 : memref<80xi32, #tpu.memory_space<hbm>>) target(%dma_start3A_91 : memref<80xi32, #tpu.memory_space<vmem>>) target_semaphore(%arg13 : memref<!tpu.dma_semaphore, #tpu.memory_space<semaphore_mem>>)
    %dma_start3A_93 = arith.constant 1 : i32
    %dma_start3A_94 = arith.constant 0 : i32
    %dma_start3A_95 = tpu.memref_slice %arg8[%dma_start3A_93, %dma_start3A_94] : memref<2x80xi32, #tpu.memory_space<vmem>> -> memref<1x80xi32, #tpu.memory_space<vmem>>
    %dma_start3A_96 = tpu.memref_squeeze %dma_start3A_95 : memref<1x80xi32, #tpu.memory_space<vmem>> -> memref<80xi32, #tpu.memory_space<vmem>>
    %dma_start3A_97 = tpu.memref_slice %arg5[%mul3A_83] : memref<322560xi32, #tpu.memory_space<hbm>> -> memref<80xi32, #tpu.memory_space<hbm>>
    %dma_start3A_98 = arith.constant 0 : i32
    %dma_start3A_99 = tpu.memref_slice %arg8[%dma_start3A_93, %dma_start3A_98] : memref<2x80xi32, #tpu.memory_space<vmem>> -> memref<1x80xi32, #tpu.memory_space<vmem>>
    %dma_start3A_100 = tpu.memref_squeeze %dma_start3A_99 : memref<1x80xi32, #tpu.memory_space<vmem>> -> memref<80xi32, #tpu.memory_space<vmem>>
    %dma_start3A_101 = tpu.memref_slice %arg5[%mul3A_83] : memref<322560xi32, #tpu.memory_space<hbm>> -> memref<80xi32, #tpu.memory_space<hbm>>
    tpu.enqueue_dma source(%dma_start3A_101 : memref<80xi32, #tpu.memory_space<hbm>>) target(%dma_start3A_100 : memref<80xi32, #tpu.memory_space<vmem>>) target_semaphore(%arg13 : memref<!tpu.dma_semaphore, #tpu.memory_space<semaphore_mem>>)
    %dma_start3A_102 = arith.constant 1 : i32
    %dma_start3A_103 = arith.constant 0 : i32
    %dma_start3A_104 = arith.constant 0 : i32
    %dma_start3A_105 = tpu.memref_slice %arg10[%dma_start3A_102, %dma_start3A_103, %dma_start3A_104] : memref<2x80x128xf32, #tpu.memory_space<vmem>> -> memref<1x80x128xf32, #tpu.memory_space<vmem>>
    %dma_start3A_106 = tpu.memref_squeeze %dma_start3A_105 : memref<1x80x128xf32, #tpu.memory_space<vmem>> -> memref<80x128xf32, #tpu.memory_space<vmem>>
    %dma_start3A_107 = arith.constant 0 : i32
    %dma_start3A_108 = tpu.memref_slice %arg3[%mul3A_83, %dma_start3A_107] : memref<322560x128xf32, #tpu.memory_space<hbm>> -> memref<80x128xf32, #tpu.memory_space<hbm>>
    %dma_start3A_109 = arith.constant 0 : i32
    %dma_start3A_110 = arith.constant 0 : i32
    %dma_start3A_111 = tpu.memref_slice %arg10[%dma_start3A_102, %dma_start3A_109, %dma_start3A_110] : memref<2x80x128xf32, #tpu.memory_space<vmem>> -> memref<1x80x128xf32, #tpu.memory_space<vmem>>
    %dma_start3A_112 = tpu.memref_squeeze %dma_start3A_111 : memref<1x80x128xf32, #tpu.memory_space<vmem>> -> memref<80x128xf32, #tpu.memory_space<vmem>>
    %dma_start3A_113 = arith.constant 0 : i32
    %dma_start3A_114 = tpu.memref_slice %arg3[%mul3A_83, %dma_start3A_113] : memref<322560x128xf32, #tpu.memory_space<hbm>> -> memref<80x128xf32, #tpu.memory_space<hbm>>
    tpu.enqueue_dma source(%dma_start3A_114 : memref<80x128xf32, #tpu.memory_space<hbm>>) target(%dma_start3A_112 : memref<80x128xf32, #tpu.memory_space<vmem>>) target_semaphore(%arg13 : memref<!tpu.dma_semaphore, #tpu.memory_space<semaphore_mem>>)
    %add3A_115 = arith.constant 0 : i32
    %add3A_116 = arith.addi %add3A_115, %add3A : i32
    %mul3A_117 = arith.constant 80 : i32
    %mul3A_118 = arith.muli %add3A_116, %mul3A_117 : i32
    %dma_wait3A = arith.constant 0 : i32
    %dma_wait3A_119 = arith.constant 0 : i32
    %dma_wait3A_120 = tpu.memref_slice %arg7[%dma_wait3A, %dma_wait3A_119] : memref<2x80xi32, #tpu.memory_space<vmem>> -> memref<1x80xi32, #tpu.memory_space<vmem>>
    %dma_wait3A_121 = tpu.memref_squeeze %dma_wait3A_120 : memref<1x80xi32, #tpu.memory_space<vmem>> -> memref<80xi32, #tpu.memory_space<vmem>>
    %dma_wait3A_122 = tpu.memref_slice %arg4[%mul3A_118] : memref<322560xi32, #tpu.memory_space<hbm>> -> memref<80xi32, #tpu.memory_space<hbm>>
    %dma_wait3A_123 = arith.constant 0 : i32
    %dma_wait3A_124 = tpu.memref_slice %arg7[%dma_wait3A, %dma_wait3A_123] : memref<2x80xi32, #tpu.memory_space<vmem>> -> memref<1x80xi32, #tpu.memory_space<vmem>>
    %dma_wait3A_125 = tpu.memref_squeeze %dma_wait3A_124 : memref<1x80xi32, #tpu.memory_space<vmem>> -> memref<80xi32, #tpu.memory_space<vmem>>
    %dma_wait3A_126 = tpu.memref_slice %arg4[%mul3A_118] : memref<322560xi32, #tpu.memory_space<hbm>> -> memref<80xi32, #tpu.memory_space<hbm>>
    tpu.wait_dma2 semaphore(%arg12 : memref<!tpu.dma_semaphore, #tpu.memory_space<semaphore_mem>>) src(%dma_wait3A_126 : memref<80xi32, #tpu.memory_space<hbm>>) dst(%dma_wait3A_125 : memref<80xi32, #tpu.memory_space<vmem>>)
    %dma_wait3A_127 = arith.constant 0 : i32
    %dma_wait3A_128 = arith.constant 0 : i32
    %dma_wait3A_129 = tpu.memref_slice %arg8[%dma_wait3A_127, %dma_wait3A_128] : memref<2x80xi32, #tpu.memory_space<vmem>> -> memref<1x80xi32, #tpu.memory_space<vmem>>
    %dma_wait3A_130 = tpu.memref_squeeze %dma_wait3A_129 : memref<1x80xi32, #tpu.memory_space<vmem>> -> memref<80xi32, #tpu.memory_space<vmem>>
    %dma_wait3A_131 = tpu.memref_slice %arg5[%mul3A_118] : memref<322560xi32, #tpu.memory_space<hbm>> -> memref<80xi32, #tpu.memory_space<hbm>>
    %dma_wait3A_132 = arith.constant 0 : i32
    %dma_wait3A_133 = tpu.memref_slice %arg8[%dma_wait3A_127, %dma_wait3A_132] : memref<2x80xi32, #tpu.memory_space<vmem>> -> memref<1x80xi32, #tpu.memory_space<vmem>>
    %dma_wait3A_134 = tpu.memref_squeeze %dma_wait3A_133 : memref<1x80xi32, #tpu.memory_space<vmem>> -> memref<80xi32, #tpu.memory_space<vmem>>
    %dma_wait3A_135 = tpu.memref_slice %arg5[%mul3A_118] : memref<322560xi32, #tpu.memory_space<hbm>> -> memref<80xi32, #tpu.memory_space<hbm>>
    tpu.wait_dma2 semaphore(%arg12 : memref<!tpu.dma_semaphore, #tpu.memory_space<semaphore_mem>>) src(%dma_wait3A_135 : memref<80xi32, #tpu.memory_space<hbm>>) dst(%dma_wait3A_134 : memref<80xi32, #tpu.memory_space<vmem>>)
    %dma_wait3A_136 = arith.constant 0 : i32
    %dma_wait3A_137 = arith.constant 0 : i32
    %dma_wait3A_138 = arith.constant 0 : i32
    %dma_wait3A_139 = tpu.memref_slice %arg10[%dma_wait3A_136, %dma_wait3A_137, %dma_wait3A_138] : memref<2x80x128xf32, #tpu.memory_space<vmem>> -> memref<1x80x128xf32, #tpu.memory_space<vmem>>
    %dma_wait3A_140 = tpu.memref_squeeze %dma_wait3A_139 : memref<1x80x128xf32, #tpu.memory_space<vmem>> -> memref<80x128xf32, #tpu.memory_space<vmem>>
    %dma_wait3A_141 = arith.constant 0 : i32
    %dma_wait3A_142 = tpu.memref_slice %arg3[%mul3A_118, %dma_wait3A_141] : memref<322560x128xf32, #tpu.memory_space<hbm>> -> memref<80x128xf32, #tpu.memory_space<hbm>>
    %dma_wait3A_143 = arith.constant 0 : i32
    %dma_wait3A_144 = arith.constant 0 : i32
    %dma_wait3A_145 = tpu.memref_slice %arg10[%dma_wait3A_136, %dma_wait3A_143, %dma_wait3A_144] : memref<2x80x128xf32, #tpu.memory_space<vmem>> -> memref<1x80x128xf32, #tpu.memory_space<vmem>>
    %dma_wait3A_146 = tpu.memref_squeeze %dma_wait3A_145 : memref<1x80x128xf32, #tpu.memory_space<vmem>> -> memref<80x128xf32, #tpu.memory_space<vmem>>
    %dma_wait3A_147 = arith.constant 0 : i32
    %dma_wait3A_148 = tpu.memref_slice %arg3[%mul3A_118, %dma_wait3A_147] : memref<322560x128xf32, #tpu.memory_space<hbm>> -> memref<80x128xf32, #tpu.memory_space<hbm>>
    tpu.wait_dma2 semaphore(%arg12 : memref<!tpu.dma_semaphore, #tpu.memory_space<semaphore_mem>>) src(%dma_wait3A_148 : memref<80x128xf32, #tpu.memory_space<hbm>>) dst(%dma_wait3A_146 : memref<80x128xf32, #tpu.memory_space<vmem>>)
    %dma_start3A_149 = arith.constant 0 : i32
    %dma_start3A_150 = arith.constant 0 : i32
    %dma_start3A_151 = arith.constant 0 : i32
    %dma_start3A_152 = arith.constant 0 : i32
    %dma_start3A_153 = tpu.memref_slice %arg9[%dma_start3A_150, %dma_start3A_151, %dma_start3A_152] : memref<2x80x128xf32, #tpu.memory_space<vmem>> -> memref<1x80x128xf32, #tpu.memory_space<vmem>>
    %dma_start3A_154 = tpu.memref_squeeze %dma_start3A_153 : memref<1x80x128xf32, #tpu.memory_space<vmem>> -> memref<80x128xf32, #tpu.memory_space<vmem>>
    %dma_start3A_155 = arith.constant 0 : i32
    %dma_start3A_156 = tpu.memref_slice %arg7[%dma_start3A_149, %dma_start3A_155] : memref<2x80xi32, #tpu.memory_space<vmem>> -> memref<1x80xi32, #tpu.memory_space<vmem>>
    %dma_start3A_157 = tpu.memref_squeeze %dma_start3A_156 : memref<1x80xi32, #tpu.memory_space<vmem>> -> memref<80xi32, #tpu.memory_space<vmem>>
    %dma_start3A_158 = arith.constant 0 : i32
    %dma_start3A_159 = arith.constant 0 : i32
    %dma_start3A_160 = tpu.memref_slice %arg2[%dma_start3A_158, %dma_start3A_159] : memref<10000x128xf32, #tpu.memory_space<hbm>> -> memref<10000x128xf32, #tpu.memory_space<hbm>>
    tpu.enqueue_indirect_dma source(%dma_start3A_160 : memref<10000x128xf32, #tpu.memory_space<hbm>>) target(%dma_start3A_154 : memref<80x128xf32, #tpu.memory_space<vmem>>) offsets(%dma_start3A_157 : memref<80xi32, #tpu.memory_space<vmem>>) semaphore(%arg14 : memref<!tpu.dma_semaphore, #tpu.memory_space<semaphore_mem>>)
    %scan3A_161 = arith.constant 0 : i32
    %scan3A_162 = arith.constant 0 : i32
    %scan3A_163 = arith.constant 63 : i32
    %scan3A_164 = arith.addi %scan3A_162, %scan3A_163 : i32
    %scan3A_165 = arith.constant 1 : i32
    scf.for %scan3A_200 = %scan3A_162 to %scan3A_164 step %scan3A_165  : i32 {
      %mul3A_201 = arith.constant 2 : i32
      %mul3A_202 = arith.muli %scan3A_200, %mul3A_201 : i32
      %add3A_203 = arith.constant 0 : i32
      %add3A_204 = arith.addi %mul3A_202, %add3A_203 : i32
      %add3A_205 = arith.constant 1 : i32
      %add3A_206 = arith.addi %add3A_204, %add3A_205 : i32
      %lt3A = arith.constant 126 : i32
      %lt3A_207 = arith.cmpi slt, %add3A_206, %lt3A : i32
      %convert_element_type3A = arith.extui %lt3A_207 : i1 to i32
      %cond3A = arith.constant 0 : i32
      %cond3A_208 = arith.cmpi ne, %convert_element_type3A, %cond3A : i32
      scf.if %cond3A_208 {
        %add3A_274 = arith.constant 1 : i32
        %add3A_275 = arith.addi %add3A_204, %add3A_274 : i32
        %mul3A_276 = arith.constant 32 : i32
        %mul3A_277 = arith.muli %add3A_275, %mul3A_276 : i32
        %add3A_278 = arith.addi %mul3A_277, %add3A : i32
        %mul3A_279 = arith.constant 80 : i32
        %mul3A_280 = arith.muli %add3A_278, %mul3A_279 : i32
        %dma_wait3A_281 = arith.constant 1 : i32
        %dma_wait3A_282 = arith.constant 0 : i32
        %dma_wait3A_283 = tpu.memref_slice %arg7[%dma_wait3A_281, %dma_wait3A_282] : memref<2x80xi32, #tpu.memory_space<vmem>> -> memref<1x80xi32, #tpu.memory_space<vmem>>
        %dma_wait3A_284 = tpu.memref_squeeze %dma_wait3A_283 : memref<1x80xi32, #tpu.memory_space<vmem>> -> memref<80xi32, #tpu.memory_space<vmem>>
        %dma_wait3A_285 = tpu.memref_slice %arg4[%mul3A_280] : memref<322560xi32, #tpu.memory_space<hbm>> -> memref<80xi32, #tpu.memory_space<hbm>>
        %dma_wait3A_286 = arith.constant 0 : i32
        %dma_wait3A_287 = tpu.memref_slice %arg7[%dma_wait3A_281, %dma_wait3A_286] : memref<2x80xi32, #tpu.memory_space<vmem>> -> memref<1x80xi32, #tpu.memory_space<vmem>>
        %dma_wait3A_288 = tpu.memref_squeeze %dma_wait3A_287 : memref<1x80xi32, #tpu.memory_space<vmem>> -> memref<80xi32, #tpu.memory_space<vmem>>
        %dma_wait3A_289 = tpu.memref_slice %arg4[%mul3A_280] : memref<322560xi32, #tpu.memory_space<hbm>> -> memref<80xi32, #tpu.memory_space<hbm>>
        tpu.wait_dma2 semaphore(%arg13 : memref<!tpu.dma_semaphore, #tpu.memory_space<semaphore_mem>>) src(%dma_wait3A_289 : memref<80xi32, #tpu.memory_space<hbm>>) dst(%dma_wait3A_288 : memref<80xi32, #tpu.memory_space<vmem>>)
        %dma_wait3A_290 = arith.constant 1 : i32
        %dma_wait3A_291 = arith.constant 0 : i32
        %dma_wait3A_292 = tpu.memref_slice %arg8[%dma_wait3A_290, %dma_wait3A_291] : memref<2x80xi32, #tpu.memory_space<vmem>> -> memref<1x80xi32, #tpu.memory_space<vmem>>
        %dma_wait3A_293 = tpu.memref_squeeze %dma_wait3A_292 : memref<1x80xi32, #tpu.memory_space<vmem>> -> memref<80xi32, #tpu.memory_space<vmem>>
        %dma_wait3A_294 = tpu.memref_slice %arg5[%mul3A_280] : memref<322560xi32, #tpu.memory_space<hbm>> -> memref<80xi32, #tpu.memory_space<hbm>>
        %dma_wait3A_295 = arith.constant 0 : i32
        %dma_wait3A_296 = tpu.memref_slice %arg8[%dma_wait3A_290, %dma_wait3A_295] : memref<2x80xi32, #tpu.memory_space<vmem>> -> memref<1x80xi32, #tpu.memory_space<vmem>>
        %dma_wait3A_297 = tpu.memref_squeeze %dma_wait3A_296 : memref<1x80xi32, #tpu.memory_space<vmem>> -> memref<80xi32, #tpu.memory_space<vmem>>
        %dma_wait3A_298 = tpu.memref_slice %arg5[%mul3A_280] : memref<322560xi32, #tpu.memory_space<hbm>> -> memref<80xi32, #tpu.memory_space<hbm>>
        tpu.wait_dma2 semaphore(%arg13 : memref<!tpu.dma_semaphore, #tpu.memory_space<semaphore_mem>>) src(%dma_wait3A_298 : memref<80xi32, #tpu.memory_space<hbm>>) dst(%dma_wait3A_297 : memref<80xi32, #tpu.memory_space<vmem>>)
        %dma_wait3A_299 = arith.constant 1 : i32
        %dma_wait3A_300 = arith.constant 0 : i32
        %dma_wait3A_301 = arith.constant 0 : i32
        %dma_wait3A_302 = tpu.memref_slice %arg10[%dma_wait3A_299, %dma_wait3A_300, %dma_wait3A_301] : memref<2x80x128xf32, #tpu.memory_space<vmem>> -> memref<1x80x128xf32, #tpu.memory_space<vmem>>
        %dma_wait3A_303 = tpu.memref_squeeze %dma_wait3A_302 : memref<1x80x128xf32, #tpu.memory_space<vmem>> -> memref<80x128xf32, #tpu.memory_space<vmem>>
        %dma_wait3A_304 = arith.constant 0 : i32
        %dma_wait3A_305 = tpu.memref_slice %arg3[%mul3A_280, %dma_wait3A_304] : memref<322560x128xf32, #tpu.memory_space<hbm>> -> memref<80x128xf32, #tpu.memory_space<hbm>>
        %dma_wait3A_306 = arith.constant 0 : i32
        %dma_wait3A_307 = arith.constant 0 : i32
        %dma_wait3A_308 = tpu.memref_slice %arg10[%dma_wait3A_299, %dma_wait3A_306, %dma_wait3A_307] : memref<2x80x128xf32, #tpu.memory_space<vmem>> -> memref<1x80x128xf32, #tpu.memory_space<vmem>>
        %dma_wait3A_309 = tpu.memref_squeeze %dma_wait3A_308 : memref<1x80x128xf32, #tpu.memory_space<vmem>> -> memref<80x128xf32, #tpu.memory_space<vmem>>
        %dma_wait3A_310 = arith.constant 0 : i32
        %dma_wait3A_311 = tpu.memref_slice %arg3[%mul3A_280, %dma_wait3A_310] : memref<322560x128xf32, #tpu.memory_space<hbm>> -> memref<80x128xf32, #tpu.memory_space<hbm>>
        tpu.wait_dma2 semaphore(%arg13 : memref<!tpu.dma_semaphore, #tpu.memory_space<semaphore_mem>>) src(%dma_wait3A_311 : memref<80x128xf32, #tpu.memory_space<hbm>>) dst(%dma_wait3A_309 : memref<80x128xf32, #tpu.memory_space<vmem>>)
        %dma_start3A_312 = arith.constant 1 : i32
        %dma_start3A_313 = arith.constant 1 : i32
        %dma_start3A_314 = arith.constant 0 : i32
        %dma_start3A_315 = arith.constant 0 : i32
        %dma_start3A_316 = tpu.memref_slice %arg9[%dma_start3A_313, %dma_start3A_314, %dma_start3A_315] : memref<2x80x128xf32, #tpu.memory_space<vmem>> -> memref<1x80x128xf32, #tpu.memory_space<vmem>>
        %dma_start3A_317 = tpu.memref_squeeze %dma_start3A_316 : memref<1x80x128xf32, #tpu.memory_space<vmem>> -> memref<80x128xf32, #tpu.memory_space<vmem>>
        %dma_start3A_318 = arith.constant 0 : i32
        %dma_start3A_319 = tpu.memref_slice %arg7[%dma_start3A_312, %dma_start3A_318] : memref<2x80xi32, #tpu.memory_space<vmem>> -> memref<1x80xi32, #tpu.memory_space<vmem>>
        %dma_start3A_320 = tpu.memref_squeeze %dma_start3A_319 : memref<1x80xi32, #tpu.memory_space<vmem>> -> memref<80xi32, #tpu.memory_space<vmem>>
        %dma_start3A_321 = arith.constant 0 : i32
        %dma_start3A_322 = arith.constant 0 : i32
        %dma_start3A_323 = tpu.memref_slice %arg2[%dma_start3A_321, %dma_start3A_322] : memref<10000x128xf32, #tpu.memory_space<hbm>> -> memref<10000x128xf32, #tpu.memory_space<hbm>>
        tpu.enqueue_indirect_dma source(%dma_start3A_323 : memref<10000x128xf32, #tpu.memory_space<hbm>>) target(%dma_start3A_317 : memref<80x128xf32, #tpu.memory_space<vmem>>) offsets(%dma_start3A_320 : memref<80xi32, #tpu.memory_space<vmem>>) semaphore(%arg15 : memref<!tpu.dma_semaphore, #tpu.memory_space<semaphore_mem>>)
      } else {
      }
      %dma_wait3A_209 = arith.constant 0 : i32
      %dma_wait3A_210 = arith.constant 0 : i32
      %dma_wait3A_211 = arith.constant 0 : i32
      %dma_wait3A_212 = arith.constant 0 : i32
      %dma_wait3A_213 = tpu.memref_slice %arg9[%dma_wait3A_210, %dma_wait3A_211, %dma_wait3A_212] : memref<2x80x128xf32, #tpu.memory_space<vmem>> -> memref<1x80x128xf32, #tpu.memory_space<vmem>>
      %dma_wait3A_214 = tpu.memref_squeeze %dma_wait3A_213 : memref<1x80x128xf32, #tpu.memory_space<vmem>> -> memref<80x128xf32, #tpu.memory_space<vmem>>
      %dma_wait3A_215 = arith.constant 0 : i32
      %dma_wait3A_216 = tpu.memref_slice %arg7[%dma_wait3A_209, %dma_wait3A_215] : memref<2x80xi32, #tpu.memory_space<vmem>> -> memref<1x80xi32, #tpu.memory_space<vmem>>
      %dma_wait3A_217 = tpu.memref_squeeze %dma_wait3A_216 : memref<1x80xi32, #tpu.memory_space<vmem>> -> memref<80xi32, #tpu.memory_space<vmem>>
      %dma_wait3A_218 = arith.constant 0 : i32
      %dma_wait3A_219 = arith.constant 0 : i32
      %dma_wait3A_220 = tpu.memref_slice %arg2[%dma_wait3A_218, %dma_wait3A_219] : memref<10000x128xf32, #tpu.memory_space<hbm>> -> memref<10000x128xf32, #tpu.memory_space<hbm>>
      tpu.wait_indirect_dma semaphore(%arg14 : memref<!tpu.dma_semaphore, #tpu.memory_space<semaphore_mem>>) src(%dma_wait3A_220 : memref<10000x128xf32, #tpu.memory_space<hbm>>) dst(%dma_wait3A_214 : memref<80x128xf32, #tpu.memory_space<vmem>>)
      %scan3A_221 = arith.constant 0 : i32
      %scan3A_222 = arith.constant 0 : i32
      %scan3A_223 = arith.constant 20 : i32
      %scan3A_224 = arith.addi %scan3A_222, %scan3A_223 : i32
      %scan3A_225 = arith.constant 1 : i32
      scf.for %scan3A_274 = %scan3A_222 to %scan3A_224 step %scan3A_225  : i32 {
        %mul3A_275 = arith.constant 4 : i32
        %mul3A_276 = arith.muli %scan3A_274, %mul3A_275 : i32
        %add3A_277 = arith.constant 0 : i32
        %add3A_278 = arith.addi %mul3A_276, %add3A_277 : i32
        %get3A = arith.constant 0 : i32
        %get3A_279 = arith.index_cast %get3A : i32 to index
        %get3A_280 = arith.index_cast %add3A_278 : i32 to index
        %get3A_281 = arith.constant 0 : index
        %get3A_282 = tpu.vector_load %arg9[%get3A_279, %get3A_280, %get3A_281] {strides = array<i32>} : memref<2x80x128xf32, #tpu.memory_space<vmem>>, vector<1x1x16xf32>,
        %get3A_283 = vector.shape_cast %get3A_282 : vector<1x1x16xf32> to vector<16xf32>
        %add3A_284 = arith.constant 0 : i32
        %add3A_285 = arith.addi %mul3A_276, %add3A_284 : i32
        %get3A_286 = arith.constant 0 : i32
        %get3A_287 = arith.index_cast %get3A_286 : i32 to index
        %get3A_288 = arith.index_cast %add3A_285 : i32 to index
        %get3A_289 = arith.constant 0 : index
        %get3A_290 = tpu.vector_load %arg10[%get3A_287, %get3A_288, %get3A_289] {strides = array<i32>} : memref<2x80x128xf32, #tpu.memory_space<vmem>>, vector<1x1x16xf32>,
        %get3A_291 = vector.shape_cast %get3A_290 : vector<1x1x16xf32> to vector<16xf32>
        %mul3A_292 = arith.mulf %get3A_283, %get3A_291 : vector<16xf32>
        %add3A_293 = arith.constant 0 : i32
        %add3A_294 = arith.addi %mul3A_276, %add3A_293 : i32
        %swap3A = arith.constant 0 : i32
        %swap3A_295 = arith.index_cast %swap3A : i32 to index
        %swap3A_296 = arith.index_cast %add3A_294 : i32 to index
        %swap3A_297 = arith.constant 0 : index
        %swap3A_298 = tpu.vector_load %arg9[%swap3A_295, %swap3A_296, %swap3A_297] {strides = array<i32>} : memref<2x80x128xf32, #tpu.memory_space<vmem>>, vector<1x1x16xf32>,
        %swap3A_299 = vector.shape_cast %swap3A_298 : vector<1x1x16xf32> to vector<16xf32>
        %swap3A_300 = vector.shape_cast %mul3A_292 : vector<16xf32> to vector<1x1x16xf32>
        tpu.vector_store %arg9[%swap3A_295, %swap3A_296, %swap3A_297], %swap3A_300 {strides = array<i32>} : memref<2x80x128xf32, #tpu.memory_space<vmem>>, vector<1x1x16xf32>,
        %add3A_301 = arith.constant 0 : i32
        %add3A_302 = arith.addi %mul3A_276, %add3A_301 : i32
        %get3A_303 = arith.constant 0 : i32
        %get3A_304 = arith.index_cast %get3A_303 : i32 to index
        %get3A_305 = arith.index_cast %add3A_302 : i32 to index
        %get3A_306 = arith.constant 16 : index
        %get3A_307 = tpu.vector_load %arg9[%get3A_304, %get3A_305, %get3A_306] {strides = array<i32>} : memref<2x80x128xf32, #tpu.memory_space<vmem>>, vector<1x1x16xf32>,
        %get3A_308 = vector.shape_cast %get3A_307 : vector<1x1x16xf32> to vector<16xf32>
        %add3A_309 = arith.constant 0 : i32
        %add3A_310 = arith.addi %mul3A_276, %add3A_309 : i32
        %get3A_311 = arith.constant 0 : i32
        %get3A_312 = arith.index_cast %get3A_311 : i32 to index
        %get3A_313 = arith.index_cast %add3A_310 : i32 to index
        %get3A_314 = arith.constant 16 : index
        %get3A_315 = tpu.vector_load %arg10[%get3A_312, %get3A_313, %get3A_314] {strides = array<i32>} : memref<2x80x128xf32, #tpu.memory_space<vmem>>, vector<1x1x16xf32>,
        %get3A_316 = vector.shape_cast %get3A_315 : vector<1x1x16xf32> to vector<16xf32>
        %mul3A_317 = arith.mulf %get3A_308, %get3A_316 : vector<16xf32>
        %add3A_318 = arith.constant 0 : i32
        %add3A_319 = arith.addi %mul3A_276, %add3A_318 : i32
        %swap3A_320 = arith.constant 0 : i32
        %swap3A_321 = arith.index_cast %swap3A_320 : i32 to index
        %swap3A_322 = arith.index_cast %add3A_319 : i32 to index
        %swap3A_323 = arith.constant 16 : index
        %swap3A_324 = tpu.vector_load %arg9[%swap3A_321, %swap3A_322, %swap3A_323] {strides = array<i32>} : memref<2x80x128xf32, #tpu.memory_space<vmem>>, vector<1x1x16xf32>,
        %swap3A_325 = vector.shape_cast %swap3A_324 : vector<1x1x16xf32> to vector<16xf32>
        %swap3A_326 = vector.shape_cast %mul3A_317 : vector<16xf32> to vector<1x1x16xf32>
        tpu.vector_store %arg9[%swap3A_321, %swap3A_322, %swap3A_323], %swap3A_326 {strides = array<i32>} : memref<2x80x128xf32, #tpu.memory_space<vmem>>, vector<1x1x16xf32>,
        %add3A_327 = arith.constant 0 : i32
        %add3A_328 = arith.addi %mul3A_276, %add3A_327 : i32
        %get3A_329 = arith.constant 0 : i32
        %get3A_330 = arith.index_cast %get3A_329 : i32 to index
        %get3A_331 = arith.index_cast %add3A_328 : i32 to index
        %get3A_332 = arith.constant 32 : index
        %get3A_333 = tpu.vector_load %arg9[%get3A_330, %get3A_331, %get3A_332] {strides = array<i32>} : memref<2x80x128xf32, #tpu.memory_space<vmem>>, vector<1x1x16xf32>,
        %get3A_334 = vector.shape_cast %get3A_333 : vector<1x1x16xf32> to vector<16xf32>
        %add3A_335 = arith.constant 0 : i32
        %add3A_336 = arith.addi %mul3A_276, %add3A_335 : i32
        %get3A_337 = arith.constant 0 : i32
        %get3A_338 = arith.index_cast %get3A_337 : i32 to index
        %get3A_339 = arith.index_cast %add3A_336 : i32 to index
        %get3A_340 = arith.constant 32 : index
        %get3A_341 = tpu.vector_load %arg10[%get3A_338, %get3A_339, %get3A_340] {strides = array<i32>} : memref<2x80x128xf32, #tpu.memory_space<vmem>>, vector<1x1x16xf32>,
        %get3A_342 = vector.shape_cast %get3A_341 : vector<1x1x16xf32> to vector<16xf32>
        %mul3A_343 = arith.mulf %get3A_334, %get3A_342 : vector<16xf32>
        %add3A_344 = arith.constant 0 : i32
        %add3A_345 = arith.addi %mul3A_276, %add3A_344 : i32
        %swap3A_346 = arith.constant 0 : i32
        %swap3A_347 = arith.index_cast %swap3A_346 : i32 to index
        %swap3A_348 = arith.index_cast %add3A_345 : i32 to index
        %swap3A_349 = arith.constant 32 : index
        %swap3A_350 = tpu.vector_load %arg9[%swap3A_347, %swap3A_348, %swap3A_349] {strides = array<i32>} : memref<2x80x128xf32, #tpu.memory_space<vmem>>, vector<1x1x16xf32>,
        %swap3A_351 = vector.shape_cast %swap3A_350 : vector<1x1x16xf32> to vector<16xf32>
        %swap3A_352 = vector.shape_cast %mul3A_343 : vector<16xf32> to vector<1x1x16xf32>
        tpu.vector_store %arg9[%swap3A_347, %swap3A_348, %swap3A_349], %swap3A_352 {strides = array<i32>} : memref<2x80x128xf32, #tpu.memory_space<vmem>>, vector<1x1x16xf32>,
        %add3A_353 = arith.constant 0 : i32
        %add3A_354 = arith.addi %mul3A_276, %add3A_353 : i32
        %get3A_355 = arith.constant 0 : i32
        %get3A_356 = arith.index_cast %get3A_355 : i32 to index
        %get3A_357 = arith.index_cast %add3A_354 : i32 to index
        %get3A_358 = arith.constant 48 : index
        %get3A_359 = tpu.vector_load %arg9[%get3A_356, %get3A_357, %get3A_358] {strides = array<i32>} : memref<2x80x128xf32, #tpu.memory_space<vmem>>, vector<1x1x16xf32>,
        %get3A_360 = vector.shape_cast %get3A_359 : vector<1x1x16xf32> to vector<16xf32>
        %add3A_361 = arith.constant 0 : i32
        %add3A_362 = arith.addi %mul3A_276, %add3A_361 : i32
        %get3A_363 = arith.constant 0 : i32
        %get3A_364 = arith.index_cast %get3A_363 : i32 to index
        %get3A_365 = arith.index_cast %add3A_362 : i32 to index
        %get3A_366 = arith.constant 48 : index
        %get3A_367 = tpu.vector_load %arg10[%get3A_364, %get3A_365, %get3A_366] {strides = array<i32>} : memref<2x80x128xf32, #tpu.memory_space<vmem>>, vector<1x1x16xf32>,
        %get3A_368 = vector.shape_cast %get3A_367 : vector<1x1x16xf32> to vector<16xf32>
        %mul3A_369 = arith.mulf %get3A_360, %get3A_368 : vector<16xf32>
        %add3A_370 = arith.constant 0 : i32
        %add3A_371 = arith.addi %mul3A_276, %add3A_370 : i32
        %swap3A_372 = arith.constant 0 : i32
        %swap3A_373 = arith.index_cast %swap3A_372 : i32 to index
        %swap3A_374 = arith.index_cast %add3A_371 : i32 to index
        %swap3A_375 = arith.constant 48 : index
        %swap3A_376 = tpu.vector_load %arg9[%swap3A_373, %swap3A_374, %swap3A_375] {strides = array<i32>} : memref<2x80x128xf32, #tpu.memory_space<vmem>>, vector<1x1x16xf32>,
        %swap3A_377 = vector.shape_cast %swap3A_376 : vector<1x1x16xf32> to vector<16xf32>
        %swap3A_378 = vector.shape_cast %mul3A_369 : vector<16xf32> to vector<1x1x16xf32>
        tpu.vector_store %arg9[%swap3A_373, %swap3A_374, %swap3A_375], %swap3A_378 {strides = array<i32>} : memref<2x80x128xf32, #tpu.memory_space<vmem>>, vector<1x1x16xf32>,
        %add3A_379 = arith.constant 0 : i32
        %add3A_380 = arith.addi %mul3A_276, %add3A_379 : i32
        %get3A_381 = arith.constant 0 : i32
        %get3A_382 = arith.index_cast %get3A_381 : i32 to index
        %get3A_383 = arith.index_cast %add3A_380 : i32 to index
        %get3A_384 = arith.constant 64 : index
        %get3A_385 = tpu.vector_load %arg9[%get3A_382, %get3A_383, %get3A_384] {strides = array<i32>} : memref<2x80x128xf32, #tpu.memory_space<vmem>>, vector<1x1x16xf32>,
        %get3A_386 = vector.shape_cast %get3A_385 : vector<1x1x16xf32> to vector<16xf32>
        %add3A_387 = arith.constant 0 : i32
        %add3A_388 = arith.addi %mul3A_276, %add3A_387 : i32
        %get3A_389 = arith.constant 0 : i32
        %get3A_390 = arith.index_cast %get3A_389 : i32 to index
        %get3A_391 = arith.index_cast %add3A_388 : i32 to index
        %get3A_392 = arith.constant 64 : index
        %get3A_393 = tpu.vector_load %arg10[%get3A_390, %get3A_391, %get3A_392] {strides = array<i32>} : memref<2x80x128xf32, #tpu.memory_space<vmem>>, vector<1x1x16xf32>,
        %get3A_394 = vector.shape_cast %get3A_393 : vector<1x1x16xf32> to vector<16xf32>
        %mul3A_395 = arith.mulf %get3A_386, %get3A_394 : vector<16xf32>
        %add3A_396 = arith.constant 0 : i32
        %add3A_397 = arith.addi %mul3A_276, %add3A_396 : i32
        %swap3A_398 = arith.constant 0 : i32
        %swap3A_399 = arith.index_cast %swap3A_398 : i32 to index
        %swap3A_400 = arith.index_cast %add3A_397 : i32 to index
        %swap3A_401 = arith.constant 64 : index
        %swap3A_402 = tpu.vector_load %arg9[%swap3A_399, %swap3A_400, %swap3A_401] {strides = array<i32>} : memref<2x80x128xf32, #tpu.memory_space<vmem>>, vector<1x1x16xf32>,
        %swap3A_403 = vector.shape_cast %swap3A_402 : vector<1x1x16xf32> to vector<16xf32>
        %swap3A_404 = vector.shape_cast %mul3A_395 : vector<16xf32> to vector<1x1x16xf32>
        tpu.vector_store %arg9[%swap3A_399, %swap3A_400, %swap3A_401], %swap3A_404 {strides = array<i32>} : memref<2x80x128xf32, #tpu.memory_space<vmem>>, vector<1x1x16xf32>,
        %add3A_405 = arith.constant 0 : i32
        %add3A_406 = arith.addi %mul3A_276, %add3A_405 : i32
        %get3A_407 = arith.constant 0 : i32
        %get3A_408 = arith.index_cast %get3A_407 : i32 to index
        %get3A_409 = arith.index_cast %add3A_406 : i32 to index
        %get3A_410 = arith.constant 80 : index
        %get3A_411 = tpu.vector_load %arg9[%get3A_408, %get3A_409, %get3A_410] {strides = array<i32>} : memref<2x80x128xf32, #tpu.memory_space<vmem>>, vector<1x1x16xf32>,
        %get3A_412 = vector.shape_cast %get3A_411 : vector<1x1x16xf32> to vector<16xf32>
        %add3A_413 = arith.constant 0 : i32
        %add3A_414 = arith.addi %mul3A_276, %add3A_413 : i32
        %get3A_415 = arith.constant 0 : i32
        %get3A_416 = arith.index_cast %get3A_415 : i32 to index
        %get3A_417 = arith.index_cast %add3A_414 : i32 to index
        %get3A_418 = arith.constant 80 : index
        %get3A_419 = tpu.vector_load %arg10[%get3A_416, %get3A_417, %get3A_418] {strides = array<i32>} : memref<2x80x128xf32, #tpu.memory_space<vmem>>, vector<1x1x16xf32>,
        %get3A_420 = vector.shape_cast %get3A_419 : vector<1x1x16xf32> to vector<16xf32>
        %mul3A_421 = arith.mulf %get3A_412, %get3A_420 : vector<16xf32>
        %add3A_422 = arith.constant 0 : i32
        %add3A_423 = arith.addi %mul3A_276, %add3A_422 : i32
        %swap3A_424 = arith.constant 0 : i32
        %swap3A_425 = arith.index_cast %swap3A_424 : i32 to index
        %swap3A_426 = arith.index_cast %add3A_423 : i32 to index
        %swap3A_427 = arith.constant 80 : index
        %swap3A_428 = tpu.vector_load %arg9[%swap3A_425, %swap3A_426, %swap3A_427] {strides = array<i32>} : memref<2x80x128xf32, #tpu.memory_space<vmem>>, vector<1x1x16xf32>,
        %swap3A_429 = vector.shape_cast %swap3A_428 : vector<1x1x16xf32> to vector<16xf32>
        %swap3A_430 = vector.shape_cast %mul3A_421 : vector<16xf32> to vector<1x1x16xf32>
        tpu.vector_store %arg9[%swap3A_425, %swap3A_426, %swap3A_427], %swap3A_430 {strides = array<i32>} : memref<2x80x128xf32, #tpu.memory_space<vmem>>, vector<1x1x16xf32>,
        %add3A_431 = arith.constant 0 : i32
        %add3A_432 = arith.addi %mul3A_276, %add3A_431 : i32
        %get3A_433 = arith.constant 0 : i32
        %get3A_434 = arith.index_cast %get3A_433 : i32 to index
        %get3A_435 = arith.index_cast %add3A_432 : i32 to index
        %get3A_436 = arith.constant 96 : index
        %get3A_437 = tpu.vector_load %arg9[%get3A_434, %get3A_435, %get3A_436] {strides = array<i32>} : memref<2x80x128xf32, #tpu.memory_space<vmem>>, vector<1x1x16xf32>,
        %get3A_438 = vector.shape_cast %get3A_437 : vector<1x1x16xf32> to vector<16xf32>
        %add3A_439 = arith.constant 0 : i32
        %add3A_440 = arith.addi %mul3A_276, %add3A_439 : i32
        %get3A_441 = arith.constant 0 : i32
        %get3A_442 = arith.index_cast %get3A_441 : i32 to index
        %get3A_443 = arith.index_cast %add3A_440 : i32 to index
        %get3A_444 = arith.constant 96 : index
        %get3A_445 = tpu.vector_load %arg10[%get3A_442, %get3A_443, %get3A_444] {strides = array<i32>} : memref<2x80x128xf32, #tpu.memory_space<vmem>>, vector<1x1x16xf32>,
        %get3A_446 = vector.shape_cast %get3A_445 : vector<1x1x16xf32> to vector<16xf32>
        %mul3A_447 = arith.mulf %get3A_438, %get3A_446 : vector<16xf32>
        %add3A_448 = arith.constant 0 : i32
        %add3A_449 = arith.addi %mul3A_276, %add3A_448 : i32
        %swap3A_450 = arith.constant 0 : i32
        %swap3A_451 = arith.index_cast %swap3A_450 : i32 to index
        %swap3A_452 = arith.index_cast %add3A_449 : i32 to index
        %swap3A_453 = arith.constant 96 : index
        %swap3A_454 = tpu.vector_load %arg9[%swap3A_451, %swap3A_452, %swap3A_453] {strides = array<i32>} : memref<2x80x128xf32, #tpu.memory_space<vmem>>, vector<1x1x16xf32>,
        %swap3A_455 = vector.shape_cast %swap3A_454 : vector<1x1x16xf32> to vector<16xf32>
        %swap3A_456 = vector.shape_cast %mul3A_447 : vector<16xf32> to vector<1x1x16xf32>
        tpu.vector_store %arg9[%swap3A_451, %swap3A_452, %swap3A_453], %swap3A_456 {strides = array<i32>} : memref<2x80x128xf32, #tpu.memory_space<vmem>>, vector<1x1x16xf32>,
        %add3A_457 = arith.constant 0 : i32
        %add3A_458 = arith.addi %mul3A_276, %add3A_457 : i32
        %get3A_459 = arith.constant 0 : i32
        %get3A_460 = arith.index_cast %get3A_459 : i32 to index
        %get3A_461 = arith.index_cast %add3A_458 : i32 to index
        %get3A_462 = arith.constant 112 : index
        %get3A_463 = tpu.vector_load %arg9[%get3A_460, %get3A_461, %get3A_462] {strides = array<i32>} : memref<2x80x128xf32, #tpu.memory_space<vmem>>, vector<1x1x16xf32>,
        %get3A_464 = vector.shape_cast %get3A_463 : vector<1x1x16xf32> to vector<16xf32>
        %add3A_465 = arith.constant 0 : i32
        %add3A_466 = arith.addi %mul3A_276, %add3A_465 : i32
        %get3A_467 = arith.constant 0 : i32
        %get3A_468 = arith.index_cast %get3A_467 : i32 to index
        %get3A_469 = arith.index_cast %add3A_466 : i32 to index
        %get3A_470 = arith.constant 112 : index
        %get3A_471 = tpu.vector_load %arg10[%get3A_468, %get3A_469, %get3A_470] {strides = array<i32>} : memref<2x80x128xf32, #tpu.memory_space<vmem>>, vector<1x1x16xf32>,
        %get3A_472 = vector.shape_cast %get3A_471 : vector<1x1x16xf32> to vector<16xf32>
        %mul3A_473 = arith.mulf %get3A_464, %get3A_472 : vector<16xf32>
        %add3A_474 = arith.constant 0 : i32
        %add3A_475 = arith.addi %mul3A_276, %add3A_474 : i32
        %swap3A_476 = arith.constant 0 : i32
        %swap3A_477 = arith.index_cast %swap3A_476 : i32 to index
        %swap3A_478 = arith.index_cast %add3A_475 : i32 to index
        %swap3A_479 = arith.constant 112 : index
        %swap3A_480 = tpu.vector_load %arg9[%swap3A_477, %swap3A_478, %swap3A_479] {strides = array<i32>} : memref<2x80x128xf32, #tpu.memory_space<vmem>>, vector<1x1x16xf32>,
        %swap3A_481 = vector.shape_cast %swap3A_480 : vector<1x1x16xf32> to vector<16xf32>
        %swap3A_482 = vector.shape_cast %mul3A_473 : vector<16xf32> to vector<1x1x16xf32>
        tpu.vector_store %arg9[%swap3A_477, %swap3A_478, %swap3A_479], %swap3A_482 {strides = array<i32>} : memref<2x80x128xf32, #tpu.memory_space<vmem>>, vector<1x1x16xf32>,
        %add3A_483 = arith.constant 1 : i32
        %add3A_484 = arith.addi %mul3A_276, %add3A_483 : i32
        %get3A_485 = arith.constant 0 : i32
        %get3A_486 = arith.index_cast %get3A_485 : i32 to index
        %get3A_487 = arith.index_cast %add3A_484 : i32 to index
        %get3A_488 = arith.constant 0 : index
        %get3A_489 = tpu.vector_load %arg9[%get3A_486, %get3A_487, %get3A_488] {strides = array<i32>} : memref<2x80x128xf32, #tpu.memory_space<vmem>>, vector<1x1x16xf32>,
        %get3A_490 = vector.shape_cast %get3A_489 : vector<1x1x16xf32> to vector<16xf32>
        %add3A_491 = arith.constant 1 : i32
        %add3A_492 = arith.addi %mul3A_276, %add3A_491 : i32
        %get3A_493 = arith.constant 0 : i32
        %get3A_494 = arith.index_cast %get3A_493 : i32 to index
        %get3A_495 = arith.index_cast %add3A_492 : i32 to index
        %get3A_496 = arith.constant 0 : index
        %get3A_497 = tpu.vector_load %arg10[%get3A_494, %get3A_495, %get3A_496] {strides = array<i32>} : memref<2x80x128xf32, #tpu.memory_space<vmem>>, vector<1x1x16xf32>,
        %get3A_498 = vector.shape_cast %get3A_497 : vector<1x1x16xf32> to vector<16xf32>
        %mul3A_499 = arith.mulf %get3A_490, %get3A_498 : vector<16xf32>
        %add3A_500 = arith.constant 1 : i32
        %add3A_501 = arith.addi %mul3A_276, %add3A_500 : i32
        %swap3A_502 = arith.constant 0 : i32
        %swap3A_503 = arith.index_cast %swap3A_502 : i32 to index
        %swap3A_504 = arith.index_cast %add3A_501 : i32 to index
        %swap3A_505 = arith.constant 0 : index
        %swap3A_506 = tpu.vector_load %arg9[%swap3A_503, %swap3A_504, %swap3A_505] {strides = array<i32>} : memref<2x80x128xf32, #tpu.memory_space<vmem>>, vector<1x1x16xf32>,
        %swap3A_507 = vector.shape_cast %swap3A_506 : vector<1x1x16xf32> to vector<16xf32>
        %swap3A_508 = vector.shape_cast %mul3A_499 : vector<16xf32> to vector<1x1x16xf32>
        tpu.vector_store %arg9[%swap3A_503, %swap3A_504, %swap3A_505], %swap3A_508 {strides = array<i32>} : memref<2x80x128xf32, #tpu.memory_space<vmem>>, vector<1x1x16xf32>,
        %add3A_509 = arith.constant 1 : i32
        %add3A_510 = arith.addi %mul3A_276, %add3A_509 : i32
        %get3A_511 = arith.constant 0 : i32
        %get3A_512 = arith.index_cast %get3A_511 : i32 to index
        %get3A_513 = arith.index_cast %add3A_510 : i32 to index
        %get3A_514 = arith.constant 16 : index
        %get3A_515 = tpu.vector_load %arg9[%get3A_512, %get3A_513, %get3A_514] {strides = array<i32>} : memref<2x80x128xf32, #tpu.memory_space<vmem>>, vector<1x1x16xf32>,
        %get3A_516 = vector.shape_cast %get3A_515 : vector<1x1x16xf32> to vector<16xf32>
        %add3A_517 = arith.constant 1 : i32
        %add3A_518 = arith.addi %mul3A_276, %add3A_517 : i32
        %get3A_519 = arith.constant 0 : i32
        %get3A_520 = arith.index_cast %get3A_519 : i32 to index
        %get3A_521 = arith.index_cast %add3A_518 : i32 to index
        %get3A_522 = arith.constant 16 : index
        %get3A_523 = tpu.vector_load %arg10[%get3A_520, %get3A_521, %get3A_522] {strides = array<i32>} : memref<2x80x128xf32, #tpu.memory_space<vmem>>, vector<1x1x16xf32>,
        %get3A_524 = vector.shape_cast %get3A_523 : vector<1x1x16xf32> to vector<16xf32>
        %mul3A_525 = arith.mulf %get3A_516, %get3A_524 : vector<16xf32>
        %add3A_526 = arith.constant 1 : i32
        %add3A_527 = arith.addi %mul3A_276, %add3A_526 : i32
        %swap3A_528 = arith.constant 0 : i32
        %swap3A_529 = arith.index_cast %swap3A_528 : i32 to index
        %swap3A_530 = arith.index_cast %add3A_527 : i32 to index
        %swap3A_531 = arith.constant 16 : index
        %swap3A_532 = tpu.vector_load %arg9[%swap3A_529, %swap3A_530, %swap3A_531] {strides = array<i32>} : memref<2x80x128xf32, #tpu.memory_space<vmem>>, vector<1x1x16xf32>,
        %swap3A_533 = vector.shape_cast %swap3A_532 : vector<1x1x16xf32> to vector<16xf32>
        %swap3A_534 = vector.shape_cast %mul3A_525 : vector<16xf32> to vector<1x1x16xf32>
        tpu.vector_store %arg9[%swap3A_529, %swap3A_530, %swap3A_531], %swap3A_534 {strides = array<i32>} : memref<2x80x128xf32, #tpu.memory_space<vmem>>, vector<1x1x16xf32>,
        %add3A_535 = arith.constant 1 : i32
        %add3A_536 = arith.addi %mul3A_276, %add3A_535 : i32
        %get3A_537 = arith.constant 0 : i32
        %get3A_538 = arith.index_cast %get3A_537 : i32 to index
        %get3A_539 = arith.index_cast %add3A_536 : i32 to index
        %get3A_540 = arith.constant 32 : index
        %get3A_541 = tpu.vector_load %arg9[%get3A_538, %get3A_539, %get3A_540] {strides = array<i32>} : memref<2x80x128xf32, #tpu.memory_space<vmem>>, vector<1x1x16xf32>,
        %get3A_542 = vector.shape_cast %get3A_541 : vector<1x1x16xf32> to vector<16xf32>
        %add3A_543 = arith.constant 1 : i32
        %add3A_544 = arith.addi %mul3A_276, %add3A_543 : i32
        %get3A_545 = arith.constant 0 : i32
        %get3A_546 = arith.index_cast %get3A_545 : i32 to index
        %get3A_547 = arith.index_cast %add3A_544 : i32 to index
        %get3A_548 = arith.constant 32 : index
        %get3A_549 = tpu.vector_load %arg10[%get3A_546, %get3A_547, %get3A_548] {strides = array<i32>} : memref<2x80x128xf32, #tpu.memory_space<vmem>>, vector<1x1x16xf32>,
        %get3A_550 = vector.shape_cast %get3A_549 : vector<1x1x16xf32> to vector<16xf32>
        %mul3A_551 = arith.mulf %get3A_542, %get3A_550 : vector<16xf32>
        %add3A_552 = arith.constant 1 : i32
        %add3A_553 = arith.addi %mul3A_276, %add3A_552 : i32
        %swap3A_554 = arith.constant 0 : i32
        %swap3A_555 = arith.index_cast %swap3A_554 : i32 to index
        %swap3A_556 = arith.index_cast %add3A_553 : i32 to index
        %swap3A_557 = arith.constant 32 : index
        %swap3A_558 = tpu.vector_load %arg9[%swap3A_555, %swap3A_556, %swap3A_557] {strides = array<i32>} : memref<2x80x128xf32, #tpu.memory_space<vmem>>, vector<1x1x16xf32>,
        %swap3A_559 = vector.shape_cast %swap3A_558 : vector<1x1x16xf32> to vector<16xf32>
        %swap3A_560 = vector.shape_cast %mul3A_551 : vector<16xf32> to vector<1x1x16xf32>
        tpu.vector_store %arg9[%swap3A_555, %swap3A_556, %swap3A_557], %swap3A_560 {strides = array<i32>} : memref<2x80x128xf32, #tpu.memory_space<vmem>>, vector<1x1x16xf32>,
        %add3A_561 = arith.constant 1 : i32
        %add3A_562 = arith.addi %mul3A_276, %add3A_561 : i32
        %get3A_563 = arith.constant 0 : i32
        %get3A_564 = arith.index_cast %get3A_563 : i32 to index
        %get3A_565 = arith.index_cast %add3A_562 : i32 to index
        %get3A_566 = arith.constant 48 : index
        %get3A_567 = tpu.vector_load %arg9[%get3A_564, %get3A_565, %get3A_566] {strides = array<i32>} : memref<2x80x128xf32, #tpu.memory_space<vmem>>, vector<1x1x16xf32>,
        %get3A_568 = vector.shape_cast %get3A_567 : vector<1x1x16xf32> to vector<16xf32>
        %add3A_569 = arith.constant 1 : i32
        %add3A_570 = arith.addi %mul3A_276, %add3A_569 : i32
        %get3A_571 = arith.constant 0 : i32
        %get3A_572 = arith.index_cast %get3A_571 : i32 to index
        %get3A_573 = arith.index_cast %add3A_570 : i32 to index
        %get3A_574 = arith.constant 48 : index
        %get3A_575 = tpu.vector_load %arg10[%get3A_572, %get3A_573, %get3A_574] {strides = array<i32>} : memref<2x80x128xf32, #tpu.memory_space<vmem>>, vector<1x1x16xf32>,
        %get3A_576 = vector.shape_cast %get3A_575 : vector<1x1x16xf32> to vector<16xf32>
        %mul3A_577 = arith.mulf %get3A_568, %get3A_576 : vector<16xf32>
        %add3A_578 = arith.constant 1 : i32
        %add3A_579 = arith.addi %mul3A_276, %add3A_578 : i32
        %swap3A_580 = arith.constant 0 : i32
        %swap3A_581 = arith.index_cast %swap3A_580 : i32 to index
        %swap3A_582 = arith.index_cast %add3A_579 : i32 to index
        %swap3A_583 = arith.constant 48 : index
        %swap3A_584 = tpu.vector_load %arg9[%swap3A_581, %swap3A_582, %swap3A_583] {strides = array<i32>} : memref<2x80x128xf32, #tpu.memory_space<vmem>>, vector<1x1x16xf32>,
        %swap3A_585 = vector.shape_cast %swap3A_584 : vector<1x1x16xf32> to vector<16xf32>
        %swap3A_586 = vector.shape_cast %mul3A_577 : vector<16xf32> to vector<1x1x16xf32>
        tpu.vector_store %arg9[%swap3A_581, %swap3A_582, %swap3A_583], %swap3A_586 {strides = array<i32>} : memref<2x80x128xf32, #tpu.memory_space<vmem>>, vector<1x1x16xf32>,
        %add3A_587 = arith.constant 1 : i32
        %add3A_588 = arith.addi %mul3A_276, %add3A_587 : i32
        %get3A_589 = arith.constant 0 : i32
        %get3A_590 = arith.index_cast %get3A_589 : i32 to index
        %get3A_591 = arith.index_cast %add3A_588 : i32 to index
        %get3A_592 = arith.constant 64 : index
        %get3A_593 = tpu.vector_load %arg9[%get3A_590, %get3A_591, %get3A_592] {strides = array<i32>} : memref<2x80x128xf32, #tpu.memory_space<vmem>>, vector<1x1x16xf32>,
        %get3A_594 = vector.shape_cast %get3A_593 : vector<1x1x16xf32> to vector<16xf32>
        %add3A_595 = arith.constant 1 : i32
        %add3A_596 = arith.addi %mul3A_276, %add3A_595 : i32
        %get3A_597 = arith.constant 0 : i32
        %get3A_598 = arith.index_cast %get3A_597 : i32 to index
        %get3A_599 = arith.index_cast %add3A_596 : i32 to index
        %get3A_600 = arith.constant 64 : index
        %get3A_601 = tpu.vector_load %arg10[%get3A_598, %get3A_599, %get3A_600] {strides = array<i32>} : memref<2x80x128xf32, #tpu.memory_space<vmem>>, vector<1x1x16xf32>,
        %get3A_602 = vector.shape_cast %get3A_601 : vector<1x1x16xf32> to vector<16xf32>
        %mul3A_603 = arith.mulf %get3A_594, %get3A_602 : vector<16xf32>
        %add3A_604 = arith.constant 1 : i32
        %add3A_605 = arith.addi %mul3A_276, %add3A_604 : i32
        %swap3A_606 = arith.constant 0 : i32
        %swap3A_607 = arith.index_cast %swap3A_606 : i32 to index
        %swap3A_608 = arith.index_cast %add3A_605 : i32 to index
        %swap3A_609 = arith.constant 64 : index
        %swap3A_610 = tpu.vector_load %arg9[%swap3A_607, %swap3A_608, %swap3A_609] {strides = array<i32>} : memref<2x80x128xf32, #tpu.memory_space<vmem>>, vector<1x1x16xf32>,
        %swap3A_611 = vector.shape_cast %swap3A_610 : vector<1x1x16xf32> to vector<16xf32>
        %swap3A_612 = vector.shape_cast %mul3A_603 : vector<16xf32> to vector<1x1x16xf32>
        tpu.vector_store %arg9[%swap3A_607, %swap3A_608, %swap3A_609], %swap3A_612 {strides = array<i32>} : memref<2x80x128xf32, #tpu.memory_space<vmem>>, vector<1x1x16xf32>,
        %add3A_613 = arith.constant 1 : i32
        %add3A_614 = arith.addi %mul3A_276, %add3A_613 : i32
        %get3A_615 = arith.constant 0 : i32
        %get3A_616 = arith.index_cast %get3A_615 : i32 to index
        %get3A_617 = arith.index_cast %add3A_614 : i32 to index
        %get3A_618 = arith.constant 80 : index
        %get3A_619 = tpu.vector_load %arg9[%get3A_616, %get3A_617, %get3A_618] {strides = array<i32>} : memref<2x80x128xf32, #tpu.memory_space<vmem>>, vector<1x1x16xf32>,
        %get3A_620 = vector.shape_cast %get3A_619 : vector<1x1x16xf32> to vector<16xf32>
        %add3A_621 = arith.constant 1 : i32
        %add3A_622 = arith.addi %mul3A_276, %add3A_621 : i32
        %get3A_623 = arith.constant 0 : i32
        %get3A_624 = arith.index_cast %get3A_623 : i32 to index
        %get3A_625 = arith.index_cast %add3A_622 : i32 to index
        %get3A_626 = arith.constant 80 : index
        %get3A_627 = tpu.vector_load %arg10[%get3A_624, %get3A_625, %get3A_626] {strides = array<i32>} : memref<2x80x128xf32, #tpu.memory_space<vmem>>, vector<1x1x16xf32>,
        %get3A_628 = vector.shape_cast %get3A_627 : vector<1x1x16xf32> to vector<16xf32>
        %mul3A_629 = arith.mulf %get3A_620, %get3A_628 : vector<16xf32>
        %add3A_630 = arith.constant 1 : i32
        %add3A_631 = arith.addi %mul3A_276, %add3A_630 : i32
        %swap3A_632 = arith.constant 0 : i32
        %swap3A_633 = arith.index_cast %swap3A_632 : i32 to index
        %swap3A_634 = arith.index_cast %add3A_631 : i32 to index
        %swap3A_635 = arith.constant 80 : index
        %swap3A_636 = tpu.vector_load %arg9[%swap3A_633, %swap3A_634, %swap3A_635] {strides = array<i32>} : memref<2x80x128xf32, #tpu.memory_space<vmem>>, vector<1x1x16xf32>,
        %swap3A_637 = vector.shape_cast %swap3A_636 : vector<1x1x16xf32> to vector<16xf32>
        %swap3A_638 = vector.shape_cast %mul3A_629 : vector<16xf32> to vector<1x1x16xf32>
        tpu.vector_store %arg9[%swap3A_633, %swap3A_634, %swap3A_635], %swap3A_638 {strides = array<i32>} : memref<2x80x128xf32, #tpu.memory_space<vmem>>, vector<1x1x16xf32>,
        %add3A_639 = arith.constant 1 : i32
        %add3A_640 = arith.addi %mul3A_276, %add3A_639 : i32
        %get3A_641 = arith.constant 0 : i32
        %get3A_642 = arith.index_cast %get3A_641 : i32 to index
        %get3A_643 = arith.index_cast %add3A_640 : i32 to index
        %get3A_644 = arith.constant 96 : index
        %get3A_645 = tpu.vector_load %arg9[%get3A_642, %get3A_643, %get3A_644] {strides = array<i32>} : memref<2x80x128xf32, #tpu.memory_space<vmem>>, vector<1x1x16xf32>,
        %get3A_646 = vector.shape_cast %get3A_645 : vector<1x1x16xf32> to vector<16xf32>
        %add3A_647 = arith.constant 1 : i32
        %add3A_648 = arith.addi %mul3A_276, %add3A_647 : i32
        %get3A_649 = arith.constant 0 : i32
        %get3A_650 = arith.index_cast %get3A_649 : i32 to index
        %get3A_651 = arith.index_cast %add3A_648 : i32 to index
        %get3A_652 = arith.constant 96 : index
        %get3A_653 = tpu.vector_load %arg10[%get3A_650, %get3A_651, %get3A_652] {strides = array<i32>} : memref<2x80x128xf32, #tpu.memory_space<vmem>>, vector<1x1x16xf32>,
        %get3A_654 = vector.shape_cast %get3A_653 : vector<1x1x16xf32> to vector<16xf32>
        %mul3A_655 = arith.mulf %get3A_646, %get3A_654 : vector<16xf32>
        %add3A_656 = arith.constant 1 : i32
        %add3A_657 = arith.addi %mul3A_276, %add3A_656 : i32
        %swap3A_658 = arith.constant 0 : i32
        %swap3A_659 = arith.index_cast %swap3A_658 : i32 to index
        %swap3A_660 = arith.index_cast %add3A_657 : i32 to index
        %swap3A_661 = arith.constant 96 : index
        %swap3A_662 = tpu.vector_load %arg9[%swap3A_659, %swap3A_660, %swap3A_661] {strides = array<i32>} : memref<2x80x128xf32, #tpu.memory_space<vmem>>, vector<1x1x16xf32>,
        %swap3A_663 = vector.shape_cast %swap3A_662 : vector<1x1x16xf32> to vector<16xf32>
        %swap3A_664 = vector.shape_cast %mul3A_655 : vector<16xf32> to vector<1x1x16xf32>
        tpu.vector_store %arg9[%swap3A_659, %swap3A_660, %swap3A_661], %swap3A_664 {strides = array<i32>} : memref<2x80x128xf32, #tpu.memory_space<vmem>>, vector<1x1x16xf32>,
        %add3A_665 = arith.constant 1 : i32
        %add3A_666 = arith.addi %mul3A_276, %add3A_665 : i32
        %get3A_667 = arith.constant 0 : i32
        %get3A_668 = arith.index_cast %get3A_667 : i32 to index
        %get3A_669 = arith.index_cast %add3A_666 : i32 to index
        %get3A_670 = arith.constant 112 : index
        %get3A_671 = tpu.vector_load %arg9[%get3A_668, %get3A_669, %get3A_670] {strides = array<i32>} : memref<2x80x128xf32, #tpu.memory_space<vmem>>, vector<1x1x16xf32>,
        %get3A_672 = vector.shape_cast %get3A_671 : vector<1x1x16xf32> to vector<16xf32>
        %add3A_673 = arith.constant 1 : i32
        %add3A_674 = arith.addi %mul3A_276, %add3A_673 : i32
        %get3A_675 = arith.constant 0 : i32
        %get3A_676 = arith.index_cast %get3A_675 : i32 to index
        %get3A_677 = arith.index_cast %add3A_674 : i32 to index
        %get3A_678 = arith.constant 112 : index
        %get3A_679 = tpu.vector_load %arg10[%get3A_676, %get3A_677, %get3A_678] {strides = array<i32>} : memref<2x80x128xf32, #tpu.memory_space<vmem>>, vector<1x1x16xf32>,
        %get3A_680 = vector.shape_cast %get3A_679 : vector<1x1x16xf32> to vector<16xf32>
        %mul3A_681 = arith.mulf %get3A_672, %get3A_680 : vector<16xf32>
        %add3A_682 = arith.constant 1 : i32
        %add3A_683 = arith.addi %mul3A_276, %add3A_682 : i32
        %swap3A_684 = arith.constant 0 : i32
        %swap3A_685 = arith.index_cast %swap3A_684 : i32 to index
        %swap3A_686 = arith.index_cast %add3A_683 : i32 to index
        %swap3A_687 = arith.constant 112 : index
        %swap3A_688 = tpu.vector_load %arg9[%swap3A_685, %swap3A_686, %swap3A_687] {strides = array<i32>} : memref<2x80x128xf32, #tpu.memory_space<vmem>>, vector<1x1x16xf32>,
        %swap3A_689 = vector.shape_cast %swap3A_688 : vector<1x1x16xf32> to vector<16xf32>
        %swap3A_690 = vector.shape_cast %mul3A_681 : vector<16xf32> to vector<1x1x16xf32>
        tpu.vector_store %arg9[%swap3A_685, %swap3A_686, %swap3A_687], %swap3A_690 {strides = array<i32>} : memref<2x80x128xf32, #tpu.memory_space<vmem>>, vector<1x1x16xf32>,
        %add3A_691 = arith.constant 2 : i32
        %add3A_692 = arith.addi %mul3A_276, %add3A_691 : i32
        %get3A_693 = arith.constant 0 : i32
        %get3A_694 = arith.index_cast %get3A_693 : i32 to index
        %get3A_695 = arith.index_cast %add3A_692 : i32 to index
        %get3A_696 = arith.constant 0 : index
        %get3A_697 = tpu.vector_load %arg9[%get3A_694, %get3A_695, %get3A_696] {strides = array<i32>} : memref<2x80x128xf32, #tpu.memory_space<vmem>>, vector<1x1x16xf32>,
        %get3A_698 = vector.shape_cast %get3A_697 : vector<1x1x16xf32> to vector<16xf32>
        %add3A_699 = arith.constant 2 : i32
        %add3A_700 = arith.addi %mul3A_276, %add3A_699 : i32
        %get3A_701 = arith.constant 0 : i32
        %get3A_702 = arith.index_cast %get3A_701 : i32 to index
        %get3A_703 = arith.index_cast %add3A_700 : i32 to index
        %get3A_704 = arith.constant 0 : index
        %get3A_705 = tpu.vector_load %arg10[%get3A_702, %get3A_703, %get3A_704] {strides = array<i32>} : memref<2x80x128xf32, #tpu.memory_space<vmem>>, vector<1x1x16xf32>,
        %get3A_706 = vector.shape_cast %get3A_705 : vector<1x1x16xf32> to vector<16xf32>
        %mul3A_707 = arith.mulf %get3A_698, %get3A_706 : vector<16xf32>
        %add3A_708 = arith.constant 2 : i32
        %add3A_709 = arith.addi %mul3A_276, %add3A_708 : i32
        %swap3A_710 = arith.constant 0 : i32
        %swap3A_711 = arith.index_cast %swap3A_710 : i32 to index
        %swap3A_712 = arith.index_cast %add3A_709 : i32 to index
        %swap3A_713 = arith.constant 0 : index
        %swap3A_714 = tpu.vector_load %arg9[%swap3A_711, %swap3A_712, %swap3A_713] {strides = array<i32>} : memref<2x80x128xf32, #tpu.memory_space<vmem>>, vector<1x1x16xf32>,
        %swap3A_715 = vector.shape_cast %swap3A_714 : vector<1x1x16xf32> to vector<16xf32>
        %swap3A_716 = vector.shape_cast %mul3A_707 : vector<16xf32> to vector<1x1x16xf32>
        tpu.vector_store %arg9[%swap3A_711, %swap3A_712, %swap3A_713], %swap3A_716 {strides = array<i32>} : memref<2x80x128xf32, #tpu.memory_space<vmem>>, vector<1x1x16xf32>,
        %add3A_717 = arith.constant 2 : i32
        %add3A_718 = arith.addi %mul3A_276, %add3A_717 : i32
        %get3A_719 = arith.constant 0 : i32
        %get3A_720 = arith.index_cast %get3A_719 : i32 to index
        %get3A_721 = arith.index_cast %add3A_718 : i32 to index
        %get3A_722 = arith.constant 16 : index
        %get3A_723 = tpu.vector_load %arg9[%get3A_720, %get3A_721, %get3A_722] {strides = array<i32>} : memref<2x80x128xf32, #tpu.memory_space<vmem>>, vector<1x1x16xf32>,
        %get3A_724 = vector.shape_cast %get3A_723 : vector<1x1x16xf32> to vector<16xf32>
        %add3A_725 = arith.constant 2 : i32
        %add3A_726 = arith.addi %mul3A_276, %add3A_725 : i32
        %get3A_727 = arith.constant 0 : i32
        %get3A_728 = arith.index_cast %get3A_727 : i32 to index
        %get3A_729 = arith.index_cast %add3A_726 : i32 to index
        %get3A_730 = arith.constant 16 : index
        %get3A_731 = tpu.vector_load %arg10[%get3A_728, %get3A_729, %get3A_730] {strides = array<i32>} : memref<2x80x128xf32, #tpu.memory_space<vmem>>, vector<1x1x16xf32>,
        %get3A_732 = vector.shape_cast %get3A_731 : vector<1x1x16xf32> to vector<16xf32>
        %mul3A_733 = arith.mulf %get3A_724, %get3A_732 : vector<16xf32>
        %add3A_734 = arith.constant 2 : i32
        %add3A_735 = arith.addi %mul3A_276, %add3A_734 : i32
        %swap3A_736 = arith.constant 0 : i32
        %swap3A_737 = arith.index_cast %swap3A_736 : i32 to index
        %swap3A_738 = arith.index_cast %add3A_735 : i32 to index
        %swap3A_739 = arith.constant 16 : index
        %swap3A_740 = tpu.vector_load %arg9[%swap3A_737, %swap3A_738, %swap3A_739] {strides = array<i32>} : memref<2x80x128xf32, #tpu.memory_space<vmem>>, vector<1x1x16xf32>,
        %swap3A_741 = vector.shape_cast %swap3A_740 : vector<1x1x16xf32> to vector<16xf32>
        %swap3A_742 = vector.shape_cast %mul3A_733 : vector<16xf32> to vector<1x1x16xf32>
        tpu.vector_store %arg9[%swap3A_737, %swap3A_738, %swap3A_739], %swap3A_742 {strides = array<i32>} : memref<2x80x128xf32, #tpu.memory_space<vmem>>, vector<1x1x16xf32>,
        %add3A_743 = arith.constant 2 : i32
        %add3A_744 = arith.addi %mul3A_276, %add3A_743 : i32
        %get3A_745 = arith.constant 0 : i32
        %get3A_746 = arith.index_cast %get3A_745 : i32 to index
        %get3A_747 = arith.index_cast %add3A_744 : i32 to index
        %get3A_748 = arith.constant 32 : index
        %get3A_749 = tpu.vector_load %arg9[%get3A_746, %get3A_747, %get3A_748] {strides = array<i32>} : memref<2x80x128xf32, #tpu.memory_space<vmem>>, vector<1x1x16xf32>,
        %get3A_750 = vector.shape_cast %get3A_749 : vector<1x1x16xf32> to vector<16xf32>
        %add3A_751 = arith.constant 2 : i32
        %add3A_752 = arith.addi %mul3A_276, %add3A_751 : i32
        %get3A_753 = arith.constant 0 : i32
        %get3A_754 = arith.index_cast %get3A_753 : i32 to index
        %get3A_755 = arith.index_cast %add3A_752 : i32 to index
        %get3A_756 = arith.constant 32 : index
        %get3A_757 = tpu.vector_load %arg10[%get3A_754, %get3A_755, %get3A_756] {strides = array<i32>} : memref<2x80x128xf32, #tpu.memory_space<vmem>>, vector<1x1x16xf32>,
        %get3A_758 = vector.shape_cast %get3A_757 : vector<1x1x16xf32> to vector<16xf32>
        %mul3A_759 = arith.mulf %get3A_750, %get3A_758 : vector<16xf32>
        %add3A_760 = arith.constant 2 : i32
        %add3A_761 = arith.addi %mul3A_276, %add3A_760 : i32
        %swap3A_762 = arith.constant 0 : i32
        %swap3A_763 = arith.index_cast %swap3A_762 : i32 to index
        %swap3A_764 = arith.index_cast %add3A_761 : i32 to index
        %swap3A_765 = arith.constant 32 : index
        %swap3A_766 = tpu.vector_load %arg9[%swap3A_763, %swap3A_764, %swap3A_765] {strides = array<i32>} : memref<2x80x128xf32, #tpu.memory_space<vmem>>, vector<1x1x16xf32>,
        %swap3A_767 = vector.shape_cast %swap3A_766 : vector<1x1x16xf32> to vector<16xf32>
        %swap3A_768 = vector.shape_cast %mul3A_759 : vector<16xf32> to vector<1x1x16xf32>
        tpu.vector_store %arg9[%swap3A_763, %swap3A_764, %swap3A_765], %swap3A_768 {strides = array<i32>} : memref<2x80x128xf32, #tpu.memory_space<vmem>>, vector<1x1x16xf32>,
        %add3A_769 = arith.constant 2 : i32
        %add3A_770 = arith.addi %mul3A_276, %add3A_769 : i32
        %get3A_771 = arith.constant 0 : i32
        %get3A_772 = arith.index_cast %get3A_771 : i32 to index
        %get3A_773 = arith.index_cast %add3A_770 : i32 to index
        %get3A_774 = arith.constant 48 : index
        %get3A_775 = tpu.vector_load %arg9[%get3A_772, %get3A_773, %get3A_774] {strides = array<i32>} : memref<2x80x128xf32, #tpu.memory_space<vmem>>, vector<1x1x16xf32>,
        %get3A_776 = vector.shape_cast %get3A_775 : vector<1x1x16xf32> to vector<16xf32>
        %add3A_777 = arith.constant 2 : i32
        %add3A_778 = arith.addi %mul3A_276, %add3A_777 : i32
        %get3A_779 = arith.constant 0 : i32
        %get3A_780 = arith.index_cast %get3A_779 : i32 to index
        %get3A_781 = arith.index_cast %add3A_778 : i32 to index
        %get3A_782 = arith.constant 48 : index
        %get3A_783 = tpu.vector_load %arg10[%get3A_780, %get3A_781, %get3A_782] {strides = array<i32>} : memref<2x80x128xf32, #tpu.memory_space<vmem>>, vector<1x1x16xf32>,
        %get3A_784 = vector.shape_cast %get3A_783 : vector<1x1x16xf32> to vector<16xf32>
        %mul3A_785 = arith.mulf %get3A_776, %get3A_784 : vector<16xf32>
        %add3A_786 = arith.constant 2 : i32
        %add3A_787 = arith.addi %mul3A_276, %add3A_786 : i32
        %swap3A_788 = arith.constant 0 : i32
        %swap3A_789 = arith.index_cast %swap3A_788 : i32 to index
        %swap3A_790 = arith.index_cast %add3A_787 : i32 to index
        %swap3A_791 = arith.constant 48 : index
        %swap3A_792 = tpu.vector_load %arg9[%swap3A_789, %swap3A_790, %swap3A_791] {strides = array<i32>} : memref<2x80x128xf32, #tpu.memory_space<vmem>>, vector<1x1x16xf32>,
        %swap3A_793 = vector.shape_cast %swap3A_792 : vector<1x1x16xf32> to vector<16xf32>
        %swap3A_794 = vector.shape_cast %mul3A_785 : vector<16xf32> to vector<1x1x16xf32>
        tpu.vector_store %arg9[%swap3A_789, %swap3A_790, %swap3A_791], %swap3A_794 {strides = array<i32>} : memref<2x80x128xf32, #tpu.memory_space<vmem>>, vector<1x1x16xf32>,
        %add3A_795 = arith.constant 2 : i32
        %add3A_796 = arith.addi %mul3A_276, %add3A_795 : i32
        %get3A_797 = arith.constant 0 : i32
        %get3A_798 = arith.index_cast %get3A_797 : i32 to index
        %get3A_799 = arith.index_cast %add3A_796 : i32 to index
        %get3A_800 = arith.constant 64 : index
        %get3A_801 = tpu.vector_load %arg9[%get3A_798, %get3A_799, %get3A_800] {strides = array<i32>} : memref<2x80x128xf32, #tpu.memory_space<vmem>>, vector<1x1x16xf32>,
        %get3A_802 = vector.shape_cast %get3A_801 : vector<1x1x16xf32> to vector<16xf32>
        %add3A_803 = arith.constant 2 : i32
        %add3A_804 = arith.addi %mul3A_276, %add3A_803 : i32
        %get3A_805 = arith.constant 0 : i32
        %get3A_806 = arith.index_cast %get3A_805 : i32 to index
        %get3A_807 = arith.index_cast %add3A_804 : i32 to index
        %get3A_808 = arith.constant 64 : index
        %get3A_809 = tpu.vector_load %arg10[%get3A_806, %get3A_807, %get3A_808] {strides = array<i32>} : memref<2x80x128xf32, #tpu.memory_space<vmem>>, vector<1x1x16xf32>,
        %get3A_810 = vector.shape_cast %get3A_809 : vector<1x1x16xf32> to vector<16xf32>
        %mul3A_811 = arith.mulf %get3A_802, %get3A_810 : vector<16xf32>
        %add3A_812 = arith.constant 2 : i32
        %add3A_813 = arith.addi %mul3A_276, %add3A_812 : i32
        %swap3A_814 = arith.constant 0 : i32
        %swap3A_815 = arith.index_cast %swap3A_814 : i32 to index
        %swap3A_816 = arith.index_cast %add3A_813 : i32 to index
        %swap3A_817 = arith.constant 64 : index
        %swap3A_818 = tpu.vector_load %arg9[%swap3A_815, %swap3A_816, %swap3A_817] {strides = array<i32>} : memref<2x80x128xf32, #tpu.memory_space<vmem>>, vector<1x1x16xf32>,
        %swap3A_819 = vector.shape_cast %swap3A_818 : vector<1x1x16xf32> to vector<16xf32>
        %swap3A_820 = vector.shape_cast %mul3A_811 : vector<16xf32> to vector<1x1x16xf32>
        tpu.vector_store %arg9[%swap3A_815, %swap3A_816, %swap3A_817], %swap3A_820 {strides = array<i32>} : memref<2x80x128xf32, #tpu.memory_space<vmem>>, vector<1x1x16xf32>,
        %add3A_821 = arith.constant 2 : i32
        %add3A_822 = arith.addi %mul3A_276, %add3A_821 : i32
        %get3A_823 = arith.constant 0 : i32
        %get3A_824 = arith.index_cast %get3A_823 : i32 to index
        %get3A_825 = arith.index_cast %add3A_822 : i32 to index
        %get3A_826 = arith.constant 80 : index
        %get3A_827 = tpu.vector_load %arg9[%get3A_824, %get3A_825, %get3A_826] {strides = array<i32>} : memref<2x80x128xf32, #tpu.memory_space<vmem>>, vector<1x1x16xf32>,
        %get3A_828 = vector.shape_cast %get3A_827 : vector<1x1x16xf32> to vector<16xf32>
        %add3A_829 = arith.constant 2 : i32
        %add3A_830 = arith.addi %mul3A_276, %add3A_829 : i32
        %get3A_831 = arith.constant 0 : i32
        %get3A_832 = arith.index_cast %get3A_831 : i32 to index
        %get3A_833 = arith.index_cast %add3A_830 : i32 to index
        %get3A_834 = arith.constant 80 : index
        %get3A_835 = tpu.vector_load %arg10[%get3A_832, %get3A_833, %get3A_834] {strides = array<i32>} : memref<2x80x128xf32, #tpu.memory_space<vmem>>, vector<1x1x16xf32>,
        %get3A_836 = vector.shape_cast %get3A_835 : vector<1x1x16xf32> to vector<16xf32>
        %mul3A_837 = arith.mulf %get3A_828, %get3A_836 : vector<16xf32>
        %add3A_838 = arith.constant 2 : i32
        %add3A_839 = arith.addi %mul3A_276, %add3A_838 : i32
        %swap3A_840 = arith.constant 0 : i32
        %swap3A_841 = arith.index_cast %swap3A_840 : i32 to index
        %swap3A_842 = arith.index_cast %add3A_839 : i32 to index
        %swap3A_843 = arith.constant 80 : index
        %swap3A_844 = tpu.vector_load %arg9[%swap3A_841, %swap3A_842, %swap3A_843] {strides = array<i32>} : memref<2x80x128xf32, #tpu.memory_space<vmem>>, vector<1x1x16xf32>,
        %swap3A_845 = vector.shape_cast %swap3A_844 : vector<1x1x16xf32> to vector<16xf32>
        %swap3A_846 = vector.shape_cast %mul3A_837 : vector<16xf32> to vector<1x1x16xf32>
        tpu.vector_store %arg9[%swap3A_841, %swap3A_842, %swap3A_843], %swap3A_846 {strides = array<i32>} : memref<2x80x128xf32, #tpu.memory_space<vmem>>, vector<1x1x16xf32>,
        %add3A_847 = arith.constant 2 : i32
        %add3A_848 = arith.addi %mul3A_276, %add3A_847 : i32
        %get3A_849 = arith.constant 0 : i32
        %get3A_850 = arith.index_cast %get3A_849 : i32 to index
        %get3A_851 = arith.index_cast %add3A_848 : i32 to index
        %get3A_852 = arith.constant 96 : index
        %get3A_853 = tpu.vector_load %arg9[%get3A_850, %get3A_851, %get3A_852] {strides = array<i32>} : memref<2x80x128xf32, #tpu.memory_space<vmem>>, vector<1x1x16xf32>,
        %get3A_854 = vector.shape_cast %get3A_853 : vector<1x1x16xf32> to vector<16xf32>
        %add3A_855 = arith.constant 2 : i32
        %add3A_856 = arith.addi %mul3A_276, %add3A_855 : i32
        %get3A_857 = arith.constant 0 : i32
        %get3A_858 = arith.index_cast %get3A_857 : i32 to index
        %get3A_859 = arith.index_cast %add3A_856 : i32 to index
        %get3A_860 = arith.constant 96 : index
        %get3A_861 = tpu.vector_load %arg10[%get3A_858, %get3A_859, %get3A_860] {strides = array<i32>} : memref<2x80x128xf32, #tpu.memory_space<vmem>>, vector<1x1x16xf32>,
        %get3A_862 = vector.shape_cast %get3A_861 : vector<1x1x16xf32> to vector<16xf32>
        %mul3A_863 = arith.mulf %get3A_854, %get3A_862 : vector<16xf32>
        %add3A_864 = arith.constant 2 : i32
        %add3A_865 = arith.addi %mul3A_276, %add3A_864 : i32
        %swap3A_866 = arith.constant 0 : i32
        %swap3A_867 = arith.index_cast %swap3A_866 : i32 to index
        %swap3A_868 = arith.index_cast %add3A_865 : i32 to index
        %swap3A_869 = arith.constant 96 : index
        %swap3A_870 = tpu.vector_load %arg9[%swap3A_867, %swap3A_868, %swap3A_869] {strides = array<i32>} : memref<2x80x128xf32, #tpu.memory_space<vmem>>, vector<1x1x16xf32>,
        %swap3A_871 = vector.shape_cast %swap3A_870 : vector<1x1x16xf32> to vector<16xf32>
        %swap3A_872 = vector.shape_cast %mul3A_863 : vector<16xf32> to vector<1x1x16xf32>
        tpu.vector_store %arg9[%swap3A_867, %swap3A_868, %swap3A_869], %swap3A_872 {strides = array<i32>} : memref<2x80x128xf32, #tpu.memory_space<vmem>>, vector<1x1x16xf32>,
        %add3A_873 = arith.constant 2 : i32
        %add3A_874 = arith.addi %mul3A_276, %add3A_873 : i32
        %get3A_875 = arith.constant 0 : i32
        %get3A_876 = arith.index_cast %get3A_875 : i32 to index
        %get3A_877 = arith.index_cast %add3A_874 : i32 to index
        %get3A_878 = arith.constant 112 : index
        %get3A_879 = tpu.vector_load %arg9[%get3A_876, %get3A_877, %get3A_878] {strides = array<i32>} : memref<2x80x128xf32, #tpu.memory_space<vmem>>, vector<1x1x16xf32>,
        %get3A_880 = vector.shape_cast %get3A_879 : vector<1x1x16xf32> to vector<16xf32>
        %add3A_881 = arith.constant 2 : i32
        %add3A_882 = arith.addi %mul3A_276, %add3A_881 : i32
        %get3A_883 = arith.constant 0 : i32
        %get3A_884 = arith.index_cast %get3A_883 : i32 to index
        %get3A_885 = arith.index_cast %add3A_882 : i32 to index
        %get3A_886 = arith.constant 112 : index
        %get3A_887 = tpu.vector_load %arg10[%get3A_884, %get3A_885, %get3A_886] {strides = array<i32>} : memref<2x80x128xf32, #tpu.memory_space<vmem>>, vector<1x1x16xf32>,
        %get3A_888 = vector.shape_cast %get3A_887 : vector<1x1x16xf32> to vector<16xf32>
        %mul3A_889 = arith.mulf %get3A_880, %get3A_888 : vector<16xf32>
        %add3A_890 = arith.constant 2 : i32
        %add3A_891 = arith.addi %mul3A_276, %add3A_890 : i32
        %swap3A_892 = arith.constant 0 : i32
        %swap3A_893 = arith.index_cast %swap3A_892 : i32 to index
        %swap3A_894 = arith.index_cast %add3A_891 : i32 to index
        %swap3A_895 = arith.constant 112 : index
        %swap3A_896 = tpu.vector_load %arg9[%swap3A_893, %swap3A_894, %swap3A_895] {strides = array<i32>} : memref<2x80x128xf32, #tpu.memory_space<vmem>>, vector<1x1x16xf32>,
        %swap3A_897 = vector.shape_cast %swap3A_896 : vector<1x1x16xf32> to vector<16xf32>
        %swap3A_898 = vector.shape_cast %mul3A_889 : vector<16xf32> to vector<1x1x16xf32>
        tpu.vector_store %arg9[%swap3A_893, %swap3A_894, %swap3A_895], %swap3A_898 {strides = array<i32>} : memref<2x80x128xf32, #tpu.memory_space<vmem>>, vector<1x1x16xf32>,
        %add3A_899 = arith.constant 3 : i32
        %add3A_900 = arith.addi %mul3A_276, %add3A_899 : i32
        %get3A_901 = arith.constant 0 : i32
        %get3A_902 = arith.index_cast %get3A_901 : i32 to index
        %get3A_903 = arith.index_cast %add3A_900 : i32 to index
        %get3A_904 = arith.constant 0 : index
        %get3A_905 = tpu.vector_load %arg9[%get3A_902, %get3A_903, %get3A_904] {strides = array<i32>} : memref<2x80x128xf32, #tpu.memory_space<vmem>>, vector<1x1x16xf32>,
        %get3A_906 = vector.shape_cast %get3A_905 : vector<1x1x16xf32> to vector<16xf32>
        %add3A_907 = arith.constant 3 : i32
        %add3A_908 = arith.addi %mul3A_276, %add3A_907 : i32
        %get3A_909 = arith.constant 0 : i32
        %get3A_910 = arith.index_cast %get3A_909 : i32 to index
        %get3A_911 = arith.index_cast %add3A_908 : i32 to index
        %get3A_912 = arith.constant 0 : index
        %get3A_913 = tpu.vector_load %arg10[%get3A_910, %get3A_911, %get3A_912] {strides = array<i32>} : memref<2x80x128xf32, #tpu.memory_space<vmem>>, vector<1x1x16xf32>,
        %get3A_914 = vector.shape_cast %get3A_913 : vector<1x1x16xf32> to vector<16xf32>
        %mul3A_915 = arith.mulf %get3A_906, %get3A_914 : vector<16xf32>
        %add3A_916 = arith.constant 3 : i32
        %add3A_917 = arith.addi %mul3A_276, %add3A_916 : i32
        %swap3A_918 = arith.constant 0 : i32
        %swap3A_919 = arith.index_cast %swap3A_918 : i32 to index
        %swap3A_920 = arith.index_cast %add3A_917 : i32 to index
        %swap3A_921 = arith.constant 0 : index
        %swap3A_922 = tpu.vector_load %arg9[%swap3A_919, %swap3A_920, %swap3A_921] {strides = array<i32>} : memref<2x80x128xf32, #tpu.memory_space<vmem>>, vector<1x1x16xf32>,
        %swap3A_923 = vector.shape_cast %swap3A_922 : vector<1x1x16xf32> to vector<16xf32>
        %swap3A_924 = vector.shape_cast %mul3A_915 : vector<16xf32> to vector<1x1x16xf32>
        tpu.vector_store %arg9[%swap3A_919, %swap3A_920, %swap3A_921], %swap3A_924 {strides = array<i32>} : memref<2x80x128xf32, #tpu.memory_space<vmem>>, vector<1x1x16xf32>,
        %add3A_925 = arith.constant 3 : i32
        %add3A_926 = arith.addi %mul3A_276, %add3A_925 : i32
        %get3A_927 = arith.constant 0 : i32
        %get3A_928 = arith.index_cast %get3A_927 : i32 to index
        %get3A_929 = arith.index_cast %add3A_926 : i32 to index
        %get3A_930 = arith.constant 16 : index
        %get3A_931 = tpu.vector_load %arg9[%get3A_928, %get3A_929, %get3A_930] {strides = array<i32>} : memref<2x80x128xf32, #tpu.memory_space<vmem>>, vector<1x1x16xf32>,
        %get3A_932 = vector.shape_cast %get3A_931 : vector<1x1x16xf32> to vector<16xf32>
        %add3A_933 = arith.constant 3 : i32
        %add3A_934 = arith.addi %mul3A_276, %add3A_933 : i32
        %get3A_935 = arith.constant 0 : i32
        %get3A_936 = arith.index_cast %get3A_935 : i32 to index
        %get3A_937 = arith.index_cast %add3A_934 : i32 to index
        %get3A_938 = arith.constant 16 : index
        %get3A_939 = tpu.vector_load %arg10[%get3A_936, %get3A_937, %get3A_938] {strides = array<i32>} : memref<2x80x128xf32, #tpu.memory_space<vmem>>, vector<1x1x16xf32>,
        %get3A_940 = vector.shape_cast %get3A_939 : vector<1x1x16xf32> to vector<16xf32>
        %mul3A_941 = arith.mulf %get3A_932, %get3A_940 : vector<16xf32>
        %add3A_942 = arith.constant 3 : i32
        %add3A_943 = arith.addi %mul3A_276, %add3A_942 : i32
        %swap3A_944 = arith.constant 0 : i32
        %swap3A_945 = arith.index_cast %swap3A_944 : i32 to index
        %swap3A_946 = arith.index_cast %add3A_943 : i32 to index
        %swap3A_947 = arith.constant 16 : index
        %swap3A_948 = tpu.vector_load %arg9[%swap3A_945, %swap3A_946, %swap3A_947] {strides = array<i32>} : memref<2x80x128xf32, #tpu.memory_space<vmem>>, vector<1x1x16xf32>,
        %swap3A_949 = vector.shape_cast %swap3A_948 : vector<1x1x16xf32> to vector<16xf32>
        %swap3A_950 = vector.shape_cast %mul3A_941 : vector<16xf32> to vector<1x1x16xf32>
        tpu.vector_store %arg9[%swap3A_945, %swap3A_946, %swap3A_947], %swap3A_950 {strides = array<i32>} : memref<2x80x128xf32, #tpu.memory_space<vmem>>, vector<1x1x16xf32>,
        %add3A_951 = arith.constant 3 : i32
        %add3A_952 = arith.addi %mul3A_276, %add3A_951 : i32
        %get3A_953 = arith.constant 0 : i32
        %get3A_954 = arith.index_cast %get3A_953 : i32 to index
        %get3A_955 = arith.index_cast %add3A_952 : i32 to index
        %get3A_956 = arith.constant 32 : index
        %get3A_957 = tpu.vector_load %arg9[%get3A_954, %get3A_955, %get3A_956] {strides = array<i32>} : memref<2x80x128xf32, #tpu.memory_space<vmem>>, vector<1x1x16xf32>,
        %get3A_958 = vector.shape_cast %get3A_957 : vector<1x1x16xf32> to vector<16xf32>
        %add3A_959 = arith.constant 3 : i32
        %add3A_960 = arith.addi %mul3A_276, %add3A_959 : i32
        %get3A_961 = arith.constant 0 : i32
        %get3A_962 = arith.index_cast %get3A_961 : i32 to index
        %get3A_963 = arith.index_cast %add3A_960 : i32 to index
        %get3A_964 = arith.constant 32 : index
        %get3A_965 = tpu.vector_load %arg10[%get3A_962, %get3A_963, %get3A_964] {strides = array<i32>} : memref<2x80x128xf32, #tpu.memory_space<vmem>>, vector<1x1x16xf32>,
        %get3A_966 = vector.shape_cast %get3A_965 : vector<1x1x16xf32> to vector<16xf32>
        %mul3A_967 = arith.mulf %get3A_958, %get3A_966 : vector<16xf32>
        %add3A_968 = arith.constant 3 : i32
        %add3A_969 = arith.addi %mul3A_276, %add3A_968 : i32
        %swap3A_970 = arith.constant 0 : i32
        %swap3A_971 = arith.index_cast %swap3A_970 : i32 to index
        %swap3A_972 = arith.index_cast %add3A_969 : i32 to index
        %swap3A_973 = arith.constant 32 : index
        %swap3A_974 = tpu.vector_load %arg9[%swap3A_971, %swap3A_972, %swap3A_973] {strides = array<i32>} : memref<2x80x128xf32, #tpu.memory_space<vmem>>, vector<1x1x16xf32>,
        %swap3A_975 = vector.shape_cast %swap3A_974 : vector<1x1x16xf32> to vector<16xf32>
        %swap3A_976 = vector.shape_cast %mul3A_967 : vector<16xf32> to vector<1x1x16xf32>
        tpu.vector_store %arg9[%swap3A_971, %swap3A_972, %swap3A_973], %swap3A_976 {strides = array<i32>} : memref<2x80x128xf32, #tpu.memory_space<vmem>>, vector<1x1x16xf32>,
        %add3A_977 = arith.constant 3 : i32
        %add3A_978 = arith.addi %mul3A_276, %add3A_977 : i32
        %get3A_979 = arith.constant 0 : i32
        %get3A_980 = arith.index_cast %get3A_979 : i32 to index
        %get3A_981 = arith.index_cast %add3A_978 : i32 to index
        %get3A_982 = arith.constant 48 : index
        %get3A_983 = tpu.vector_load %arg9[%get3A_980, %get3A_981, %get3A_982] {strides = array<i32>} : memref<2x80x128xf32, #tpu.memory_space<vmem>>, vector<1x1x16xf32>,
        %get3A_984 = vector.shape_cast %get3A_983 : vector<1x1x16xf32> to vector<16xf32>
        %add3A_985 = arith.constant 3 : i32
        %add3A_986 = arith.addi %mul3A_276, %add3A_985 : i32
        %get3A_987 = arith.constant 0 : i32
        %get3A_988 = arith.index_cast %get3A_987 : i32 to index
        %get3A_989 = arith.index_cast %add3A_986 : i32 to index
        %get3A_990 = arith.constant 48 : index
        %get3A_991 = tpu.vector_load %arg10[%get3A_988, %get3A_989, %get3A_990] {strides = array<i32>} : memref<2x80x128xf32, #tpu.memory_space<vmem>>, vector<1x1x16xf32>,
        %get3A_992 = vector.shape_cast %get3A_991 : vector<1x1x16xf32> to vector<16xf32>
        %mul3A_993 = arith.mulf %get3A_984, %get3A_992 : vector<16xf32>
        %add3A_994 = arith.constant 3 : i32
        %add3A_995 = arith.addi %mul3A_276, %add3A_994 : i32
        %swap3A_996 = arith.constant 0 : i32
        %swap3A_997 = arith.index_cast %swap3A_996 : i32 to index
        %swap3A_998 = arith.index_cast %add3A_995 : i32 to index
        %swap3A_999 = arith.constant 48 : index
        %swap3A_1000 = tpu.vector_load %arg9[%swap3A_997, %swap3A_998, %swap3A_999] {strides = array<i32>} : memref<2x80x128xf32, #tpu.memory_space<vmem>>, vector<1x1x16xf32>,
        %swap3A_1001 = vector.shape_cast %swap3A_1000 : vector<1x1x16xf32> to vector<16xf32>
        %swap3A_1002 = vector.shape_cast %mul3A_993 : vector<16xf32> to vector<1x1x16xf32>
        tpu.vector_store %arg9[%swap3A_997, %swap3A_998, %swap3A_999], %swap3A_1002 {strides = array<i32>} : memref<2x80x128xf32, #tpu.memory_space<vmem>>, vector<1x1x16xf32>,
        %add3A_1003 = arith.constant 3 : i32
        %add3A_1004 = arith.addi %mul3A_276, %add3A_1003 : i32
        %get3A_1005 = arith.constant 0 : i32
        %get3A_1006 = arith.index_cast %get3A_1005 : i32 to index
        %get3A_1007 = arith.index_cast %add3A_1004 : i32 to index
        %get3A_1008 = arith.constant 64 : index
        %get3A_1009 = tpu.vector_load %arg9[%get3A_1006, %get3A_1007, %get3A_1008] {strides = array<i32>} : memref<2x80x128xf32, #tpu.memory_space<vmem>>, vector<1x1x16xf32>,
        %get3A_1010 = vector.shape_cast %get3A_1009 : vector<1x1x16xf32> to vector<16xf32>
        %add3A_1011 = arith.constant 3 : i32
        %add3A_1012 = arith.addi %mul3A_276, %add3A_1011 : i32
        %get3A_1013 = arith.constant 0 : i32
        %get3A_1014 = arith.index_cast %get3A_1013 : i32 to index
        %get3A_1015 = arith.index_cast %add3A_1012 : i32 to index
        %get3A_1016 = arith.constant 64 : index
        %get3A_1017 = tpu.vector_load %arg10[%get3A_1014, %get3A_1015, %get3A_1016] {strides = array<i32>} : memref<2x80x128xf32, #tpu.memory_space<vmem>>, vector<1x1x16xf32>,
        %get3A_1018 = vector.shape_cast %get3A_1017 : vector<1x1x16xf32> to vector<16xf32>
        %mul3A_1019 = arith.mulf %get3A_1010, %get3A_1018 : vector<16xf32>
        %add3A_1020 = arith.constant 3 : i32
        %add3A_1021 = arith.addi %mul3A_276, %add3A_1020 : i32
        %swap3A_1022 = arith.constant 0 : i32
        %swap3A_1023 = arith.index_cast %swap3A_1022 : i32 to index
        %swap3A_1024 = arith.index_cast %add3A_1021 : i32 to index
        %swap3A_1025 = arith.constant 64 : index
        %swap3A_1026 = tpu.vector_load %arg9[%swap3A_1023, %swap3A_1024, %swap3A_1025] {strides = array<i32>} : memref<2x80x128xf32, #tpu.memory_space<vmem>>, vector<1x1x16xf32>,
        %swap3A_1027 = vector.shape_cast %swap3A_1026 : vector<1x1x16xf32> to vector<16xf32>
        %swap3A_1028 = vector.shape_cast %mul3A_1019 : vector<16xf32> to vector<1x1x16xf32>
        tpu.vector_store %arg9[%swap3A_1023, %swap3A_1024, %swap3A_1025], %swap3A_1028 {strides = array<i32>} : memref<2x80x128xf32, #tpu.memory_space<vmem>>, vector<1x1x16xf32>,
        %add3A_1029 = arith.constant 3 : i32
        %add3A_1030 = arith.addi %mul3A_276, %add3A_1029 : i32
        %get3A_1031 = arith.constant 0 : i32
        %get3A_1032 = arith.index_cast %get3A_1031 : i32 to index
        %get3A_1033 = arith.index_cast %add3A_1030 : i32 to index
        %get3A_1034 = arith.constant 80 : index
        %get3A_1035 = tpu.vector_load %arg9[%get3A_1032, %get3A_1033, %get3A_1034] {strides = array<i32>} : memref<2x80x128xf32, #tpu.memory_space<vmem>>, vector<1x1x16xf32>,
        %get3A_1036 = vector.shape_cast %get3A_1035 : vector<1x1x16xf32> to vector<16xf32>
        %add3A_1037 = arith.constant 3 : i32
        %add3A_1038 = arith.addi %mul3A_276, %add3A_1037 : i32
        %get3A_1039 = arith.constant 0 : i32
        %get3A_1040 = arith.index_cast %get3A_1039 : i32 to index
        %get3A_1041 = arith.index_cast %add3A_1038 : i32 to index
        %get3A_1042 = arith.constant 80 : index
        %get3A_1043 = tpu.vector_load %arg10[%get3A_1040, %get3A_1041, %get3A_1042] {strides = array<i32>} : memref<2x80x128xf32, #tpu.memory_space<vmem>>, vector<1x1x16xf32>,
        %get3A_1044 = vector.shape_cast %get3A_1043 : vector<1x1x16xf32> to vector<16xf32>
        %mul3A_1045 = arith.mulf %get3A_1036, %get3A_1044 : vector<16xf32>
        %add3A_1046 = arith.constant 3 : i32
        %add3A_1047 = arith.addi %mul3A_276, %add3A_1046 : i32
        %swap3A_1048 = arith.constant 0 : i32
        %swap3A_1049 = arith.index_cast %swap3A_1048 : i32 to index
        %swap3A_1050 = arith.index_cast %add3A_1047 : i32 to index
        %swap3A_1051 = arith.constant 80 : index
        %swap3A_1052 = tpu.vector_load %arg9[%swap3A_1049, %swap3A_1050, %swap3A_1051] {strides = array<i32>} : memref<2x80x128xf32, #tpu.memory_space<vmem>>, vector<1x1x16xf32>,
        %swap3A_1053 = vector.shape_cast %swap3A_1052 : vector<1x1x16xf32> to vector<16xf32>
        %swap3A_1054 = vector.shape_cast %mul3A_1045 : vector<16xf32> to vector<1x1x16xf32>
        tpu.vector_store %arg9[%swap3A_1049, %swap3A_1050, %swap3A_1051], %swap3A_1054 {strides = array<i32>} : memref<2x80x128xf32, #tpu.memory_space<vmem>>, vector<1x1x16xf32>,
        %add3A_1055 = arith.constant 3 : i32
        %add3A_1056 = arith.addi %mul3A_276, %add3A_1055 : i32
        %get3A_1057 = arith.constant 0 : i32
        %get3A_1058 = arith.index_cast %get3A_1057 : i32 to index
        %get3A_1059 = arith.index_cast %add3A_1056 : i32 to index
        %get3A_1060 = arith.constant 96 : index
        %get3A_1061 = tpu.vector_load %arg9[%get3A_1058, %get3A_1059, %get3A_1060] {strides = array<i32>} : memref<2x80x128xf32, #tpu.memory_space<vmem>>, vector<1x1x16xf32>,
        %get3A_1062 = vector.shape_cast %get3A_1061 : vector<1x1x16xf32> to vector<16xf32>
        %add3A_1063 = arith.constant 3 : i32
        %add3A_1064 = arith.addi %mul3A_276, %add3A_1063 : i32
        %get3A_1065 = arith.constant 0 : i32
        %get3A_1066 = arith.index_cast %get3A_1065 : i32 to index
        %get3A_1067 = arith.index_cast %add3A_1064 : i32 to index
        %get3A_1068 = arith.constant 96 : index
        %get3A_1069 = tpu.vector_load %arg10[%get3A_1066, %get3A_1067, %get3A_1068] {strides = array<i32>} : memref<2x80x128xf32, #tpu.memory_space<vmem>>, vector<1x1x16xf32>,
        %get3A_1070 = vector.shape_cast %get3A_1069 : vector<1x1x16xf32> to vector<16xf32>
        %mul3A_1071 = arith.mulf %get3A_1062, %get3A_1070 : vector<16xf32>
        %add3A_1072 = arith.constant 3 : i32
        %add3A_1073 = arith.addi %mul3A_276, %add3A_1072 : i32
        %swap3A_1074 = arith.constant 0 : i32
        %swap3A_1075 = arith.index_cast %swap3A_1074 : i32 to index
        %swap3A_1076 = arith.index_cast %add3A_1073 : i32 to index
        %swap3A_1077 = arith.constant 96 : index
        %swap3A_1078 = tpu.vector_load %arg9[%swap3A_1075, %swap3A_1076, %swap3A_1077] {strides = array<i32>} : memref<2x80x128xf32, #tpu.memory_space<vmem>>, vector<1x1x16xf32>,
        %swap3A_1079 = vector.shape_cast %swap3A_1078 : vector<1x1x16xf32> to vector<16xf32>
        %swap3A_1080 = vector.shape_cast %mul3A_1071 : vector<16xf32> to vector<1x1x16xf32>
        tpu.vector_store %arg9[%swap3A_1075, %swap3A_1076, %swap3A_1077], %swap3A_1080 {strides = array<i32>} : memref<2x80x128xf32, #tpu.memory_space<vmem>>, vector<1x1x16xf32>,
        %add3A_1081 = arith.constant 3 : i32
        %add3A_1082 = arith.addi %mul3A_276, %add3A_1081 : i32
        %get3A_1083 = arith.constant 0 : i32
        %get3A_1084 = arith.index_cast %get3A_1083 : i32 to index
        %get3A_1085 = arith.index_cast %add3A_1082 : i32 to index
        %get3A_1086 = arith.constant 112 : index
        %get3A_1087 = tpu.vector_load %arg9[%get3A_1084, %get3A_1085, %get3A_1086] {strides = array<i32>} : memref<2x80x128xf32, #tpu.memory_space<vmem>>, vector<1x1x16xf32>,
        %get3A_1088 = vector.shape_cast %get3A_1087 : vector<1x1x16xf32> to vector<16xf32>
        %add3A_1089 = arith.constant 3 : i32
        %add3A_1090 = arith.addi %mul3A_276, %add3A_1089 : i32
        %get3A_1091 = arith.constant 0 : i32
        %get3A_1092 = arith.index_cast %get3A_1091 : i32 to index
        %get3A_1093 = arith.index_cast %add3A_1090 : i32 to index
        %get3A_1094 = arith.constant 112 : index
        %get3A_1095 = tpu.vector_load %arg10[%get3A_1092, %get3A_1093, %get3A_1094] {strides = array<i32>} : memref<2x80x128xf32, #tpu.memory_space<vmem>>, vector<1x1x16xf32>,
        %get3A_1096 = vector.shape_cast %get3A_1095 : vector<1x1x16xf32> to vector<16xf32>
        %mul3A_1097 = arith.mulf %get3A_1088, %get3A_1096 : vector<16xf32>
        %add3A_1098 = arith.constant 3 : i32
        %add3A_1099 = arith.addi %mul3A_276, %add3A_1098 : i32
        %swap3A_1100 = arith.constant 0 : i32
        %swap3A_1101 = arith.index_cast %swap3A_1100 : i32 to index
        %swap3A_1102 = arith.index_cast %add3A_1099 : i32 to index
        %swap3A_1103 = arith.constant 112 : index
        %swap3A_1104 = tpu.vector_load %arg9[%swap3A_1101, %swap3A_1102, %swap3A_1103] {strides = array<i32>} : memref<2x80x128xf32, #tpu.memory_space<vmem>>, vector<1x1x16xf32>,
        %swap3A_1105 = vector.shape_cast %swap3A_1104 : vector<1x1x16xf32> to vector<16xf32>
        %swap3A_1106 = vector.shape_cast %mul3A_1097 : vector<16xf32> to vector<1x1x16xf32>
        tpu.vector_store %arg9[%swap3A_1101, %swap3A_1102, %swap3A_1103], %swap3A_1106 {strides = array<i32>} : memref<2x80x128xf32, #tpu.memory_space<vmem>>, vector<1x1x16xf32>,
      }
      %scan3A_226 = arith.constant 20 : i32
      %run_scoped3A_227 = arith.constant 0 : i32
      %run_scoped3A_228 = arith.constant 0 : i32
      "tpu.region"() ({
        %run_scoped3A_274 = tpu.sem_alloc : memref<!tpu.dma_semaphore, #tpu.memory_space<semaphore_mem>>
        %dma_start3A_275 = arith.constant 0 : i32
        %dma_start3A_276 = arith.constant 0 : i32
        %dma_start3A_277 = tpu.memref_slice %arg9[%run_scoped3A_227, %dma_start3A_275, %dma_start3A_276] : memref<2x80x128xf32, #tpu.memory_space<vmem>> -> memref<1x80x128xf32, #tpu.memory_space<vmem>>
        %dma_start3A_278 = tpu.memref_squeeze %dma_start3A_277 : memref<1x80x128xf32, #tpu.memory_space<vmem>> -> memref<80x128xf32, #tpu.memory_space<vmem>>
        %dma_start3A_279 = arith.constant 0 : i32
        %dma_start3A_280 = tpu.memref_slice %arg8[%run_scoped3A_228, %dma_start3A_279] : memref<2x80xi32, #tpu.memory_space<vmem>> -> memref<1x80xi32, #tpu.memory_space<vmem>>
        %dma_start3A_281 = tpu.memref_squeeze %dma_start3A_280 : memref<1x80xi32, #tpu.memory_space<vmem>> -> memref<80xi32, #tpu.memory_space<vmem>>
        %dma_start3A_282 = arith.constant 0 : i32
        %dma_start3A_283 = arith.constant 0 : i32
        %dma_start3A_284 = tpu.memref_slice %arg11[%dma_start3A_282, %dma_start3A_283] : memref<10240x128xf32, #tpu.memory_space<vmem_shared>> -> memref<10240x128xf32, #tpu.memory_space<vmem_shared>>
        tpu.enqueue_indirect_dma source(%dma_start3A_278 : memref<80x128xf32, #tpu.memory_space<vmem>>) target(%dma_start3A_284 : memref<10240x128xf32, #tpu.memory_space<vmem_shared>>) offsets(%dma_start3A_281 : memref<80xi32, #tpu.memory_space<vmem>>) semaphore(%run_scoped3A_274 : memref<!tpu.dma_semaphore, #tpu.memory_space<semaphore_mem>>) {add = true}
        %dma_wait3A_285 = arith.constant 0 : i32
        %dma_wait3A_286 = arith.constant 0 : i32
        %dma_wait3A_287 = tpu.memref_slice %arg9[%run_scoped3A_227, %dma_wait3A_285, %dma_wait3A_286] : memref<2x80x128xf32, #tpu.memory_space<vmem>> -> memref<1x80x128xf32, #tpu.memory_space<vmem>>
        %dma_wait3A_288 = tpu.memref_squeeze %dma_wait3A_287 : memref<1x80x128xf32, #tpu.memory_space<vmem>> -> memref<80x128xf32, #tpu.memory_space<vmem>>
        %dma_wait3A_289 = arith.constant 0 : i32
        %dma_wait3A_290 = tpu.memref_slice %arg8[%run_scoped3A_228, %dma_wait3A_289] : memref<2x80xi32, #tpu.memory_space<vmem>> -> memref<1x80xi32, #tpu.memory_space<vmem>>
        %dma_wait3A_291 = tpu.memref_squeeze %dma_wait3A_290 : memref<1x80xi32, #tpu.memory_space<vmem>> -> memref<80xi32, #tpu.memory_space<vmem>>
        %dma_wait3A_292 = arith.constant 0 : i32
        %dma_wait3A_293 = arith.constant 0 : i32
        %dma_wait3A_294 = tpu.memref_slice %arg11[%dma_wait3A_292, %dma_wait3A_293] : memref<10240x128xf32, #tpu.memory_space<vmem_shared>> -> memref<10240x128xf32, #tpu.memory_space<vmem_shared>>
        tpu.wait_indirect_dma semaphore(%run_scoped3A_274 : memref<!tpu.dma_semaphore, #tpu.memory_space<semaphore_mem>>) src(%dma_wait3A_288 : memref<80x128xf32, #tpu.memory_space<vmem>>) dst(%dma_wait3A_294 : memref<10240x128xf32, #tpu.memory_space<vmem_shared>>)
        tpu.yield
      }) : () -> ()
      %add3A_229 = arith.constant 2 : i32
      %add3A_230 = arith.addi %add3A_204, %add3A_229 : i32
      %lt3A_231 = arith.constant 126 : i32
      %lt3A_232 = arith.cmpi slt, %add3A_230, %lt3A_231 : i32
      %convert_element_type3A_233 = arith.extui %lt3A_232 : i1 to i32
      %cond3A_234 = arith.constant 0 : i32
      %cond3A_235 = arith.cmpi ne, %convert_element_type3A_233, %cond3A_234 : i32
      scf.if %cond3A_235 {
        %add3A_274 = arith.constant 2 : i32
        %add3A_275 = arith.addi %add3A_204, %add3A_274 : i32
        %mul3A_276 = arith.constant 32 : i32
        %mul3A_277 = arith.muli %add3A_275, %mul3A_276 : i32
        %add3A_278 = arith.addi %mul3A_277, %add3A : i32
        %mul3A_279 = arith.constant 80 : i32
        %mul3A_280 = arith.muli %add3A_278, %mul3A_279 : i32
        %dma_start3A_281 = arith.constant 0 : i32
        %dma_start3A_282 = arith.constant 0 : i32
        %dma_start3A_283 = tpu.memref_slice %arg7[%dma_start3A_281, %dma_start3A_282] : memref<2x80xi32, #tpu.memory_space<vmem>> -> memref<1x80xi32, #tpu.memory_space<vmem>>
        %dma_start3A_284 = tpu.memref_squeeze %dma_start3A_283 : memref<1x80xi32, #tpu.memory_space<vmem>> -> memref<80xi32, #tpu.memory_space<vmem>>
        %dma_start3A_285 = tpu.memref_slice %arg4[%mul3A_280] : memref<322560xi32, #tpu.memory_space<hbm>> -> memref<80xi32, #tpu.memory_space<hbm>>
        %dma_start3A_286 = arith.constant 0 : i32
        %dma_start3A_287 = tpu.memref_slice %arg7[%dma_start3A_281, %dma_start3A_286] : memref<2x80xi32, #tpu.memory_space<vmem>> -> memref<1x80xi32, #tpu.memory_space<vmem>>
        %dma_start3A_288 = tpu.memref_squeeze %dma_start3A_287 : memref<1x80xi32, #tpu.memory_space<vmem>> -> memref<80xi32, #tpu.memory_space<vmem>>
        %dma_start3A_289 = tpu.memref_slice %arg4[%mul3A_280] : memref<322560xi32, #tpu.memory_space<hbm>> -> memref<80xi32, #tpu.memory_space<hbm>>
        tpu.enqueue_dma source(%dma_start3A_289 : memref<80xi32, #tpu.memory_space<hbm>>) target(%dma_start3A_288 : memref<80xi32, #tpu.memory_space<vmem>>) target_semaphore(%arg12 : memref<!tpu.dma_semaphore, #tpu.memory_space<semaphore_mem>>)
        %dma_start3A_290 = arith.constant 0 : i32
        %dma_start3A_291 = arith.constant 0 : i32
        %dma_start3A_292 = tpu.memref_slice %arg8[%dma_start3A_290, %dma_start3A_291] : memref<2x80xi32, #tpu.memory_space<vmem>> -> memref<1x80xi32, #tpu.memory_space<vmem>>
        %dma_start3A_293 = tpu.memref_squeeze %dma_start3A_292 : memref<1x80xi32, #tpu.memory_space<vmem>> -> memref<80xi32, #tpu.memory_space<vmem>>
        %dma_start3A_294 = tpu.memref_slice %arg5[%mul3A_280] : memref<322560xi32, #tpu.memory_space<hbm>> -> memref<80xi32, #tpu.memory_space<hbm>>
        %dma_start3A_295 = arith.constant 0 : i32
        %dma_start3A_296 = tpu.memref_slice %arg8[%dma_start3A_290, %dma_start3A_295] : memref<2x80xi32, #tpu.memory_space<vmem>> -> memref<1x80xi32, #tpu.memory_space<vmem>>
        %dma_start3A_297 = tpu.memref_squeeze %dma_start3A_296 : memref<1x80xi32, #tpu.memory_space<vmem>> -> memref<80xi32, #tpu.memory_space<vmem>>
        %dma_start3A_298 = tpu.memref_slice %arg5[%mul3A_280] : memref<322560xi32, #tpu.memory_space<hbm>> -> memref<80xi32, #tpu.memory_space<hbm>>
        tpu.enqueue_dma source(%dma_start3A_298 : memref<80xi32, #tpu.memory_space<hbm>>) target(%dma_start3A_297 : memref<80xi32, #tpu.memory_space<vmem>>) target_semaphore(%arg12 : memref<!tpu.dma_semaphore, #tpu.memory_space<semaphore_mem>>)
        %dma_start3A_299 = arith.constant 0 : i32
        %dma_start3A_300 = arith.constant 0 : i32
        %dma_start3A_301 = arith.constant 0 : i32
        %dma_start3A_302 = tpu.memref_slice %arg10[%dma_start3A_299, %dma_start3A_300, %dma_start3A_301] : memref<2x80x128xf32, #tpu.memory_space<vmem>> -> memref<1x80x128xf32, #tpu.memory_space<vmem>>
        %dma_start3A_303 = tpu.memref_squeeze %dma_start3A_302 : memref<1x80x128xf32, #tpu.memory_space<vmem>> -> memref<80x128xf32, #tpu.memory_space<vmem>>
        %dma_start3A_304 = arith.constant 0 : i32
        %dma_start3A_305 = tpu.memref_slice %arg3[%mul3A_280, %dma_start3A_304] : memref<322560x128xf32, #tpu.memory_space<hbm>> -> memref<80x128xf32, #tpu.memory_space<hbm>>
        %dma_start3A_306 = arith.constant 0 : i32
        %dma_start3A_307 = arith.constant 0 : i32
        %dma_start3A_308 = tpu.memref_slice %arg10[%dma_start3A_299, %dma_start3A_306, %dma_start3A_307] : memref<2x80x128xf32, #tpu.memory_space<vmem>> -> memref<1x80x128xf32, #tpu.memory_space<vmem>>
        %dma_start3A_309 = tpu.memref_squeeze %dma_start3A_308 : memref<1x80x128xf32, #tpu.memory_space<vmem>> -> memref<80x128xf32, #tpu.memory_space<vmem>>
        %dma_start3A_310 = arith.constant 0 : i32
        %dma_start3A_311 = tpu.memref_slice %arg3[%mul3A_280, %dma_start3A_310] : memref<322560x128xf32, #tpu.memory_space<hbm>> -> memref<80x128xf32, #tpu.memory_space<hbm>>
        tpu.enqueue_dma source(%dma_start3A_311 : memref<80x128xf32, #tpu.memory_space<hbm>>) target(%dma_start3A_309 : memref<80x128xf32, #tpu.memory_space<vmem>>) target_semaphore(%arg12 : memref<!tpu.dma_semaphore, #tpu.memory_space<semaphore_mem>>)
      } else {
      }
      %mul3A_236 = arith.constant 2 : i32
      %mul3A_237 = arith.muli %scan3A_200, %mul3A_236 : i32
      %add3A_238 = arith.constant 1 : i32
      %add3A_239 = arith.addi %mul3A_237, %add3A_238 : i32
      %add3A_240 = arith.constant 1 : i32
      %add3A_241 = arith.addi %add3A_239, %add3A_240 : i32
      %lt3A_242 = arith.constant 126 : i32
      %lt3A_243 = arith.cmpi slt, %add3A_241, %lt3A_242 : i32
      %convert_element_type3A_244 = arith.extui %lt3A_243 : i1 to i32
      %cond3A_245 = arith.constant 0 : i32
      %cond3A_246 = arith.cmpi ne, %convert_element_type3A_244, %cond3A_245 : i32
      scf.if %cond3A_246 {
        %add3A_274 = arith.constant 1 : i32
        %add3A_275 = arith.addi %add3A_239, %add3A_274 : i32
        %mul3A_276 = arith.constant 32 : i32
        %mul3A_277 = arith.muli %add3A_275, %mul3A_276 : i32
        %add3A_278 = arith.addi %mul3A_277, %add3A : i32
        %mul3A_279 = arith.constant 80 : i32
        %mul3A_280 = arith.muli %add3A_278, %mul3A_279 : i32
        %dma_wait3A_281 = arith.constant 0 : i32
        %dma_wait3A_282 = arith.constant 0 : i32
        %dma_wait3A_283 = tpu.memref_slice %arg7[%dma_wait3A_281, %dma_wait3A_282] : memref<2x80xi32, #tpu.memory_space<vmem>> -> memref<1x80xi32, #tpu.memory_space<vmem>>
        %dma_wait3A_284 = tpu.memref_squeeze %dma_wait3A_283 : memref<1x80xi32, #tpu.memory_space<vmem>> -> memref<80xi32, #tpu.memory_space<vmem>>
        %dma_wait3A_285 = tpu.memref_slice %arg4[%mul3A_280] : memref<322560xi32, #tpu.memory_space<hbm>> -> memref<80xi32, #tpu.memory_space<hbm>>
        %dma_wait3A_286 = arith.constant 0 : i32
        %dma_wait3A_287 = tpu.memref_slice %arg7[%dma_wait3A_281, %dma_wait3A_286] : memref<2x80xi32, #tpu.memory_space<vmem>> -> memref<1x80xi32, #tpu.memory_space<vmem>>
        %dma_wait3A_288 = tpu.memref_squeeze %dma_wait3A_287 : memref<1x80xi32, #tpu.memory_space<vmem>> -> memref<80xi32, #tpu.memory_space<vmem>>
        %dma_wait3A_289 = tpu.memref_slice %arg4[%mul3A_280] : memref<322560xi32, #tpu.memory_space<hbm>> -> memref<80xi32, #tpu.memory_space<hbm>>
        tpu.wait_dma2 semaphore(%arg12 : memref<!tpu.dma_semaphore, #tpu.memory_space<semaphore_mem>>) src(%dma_wait3A_289 : memref<80xi32, #tpu.memory_space<hbm>>) dst(%dma_wait3A_288 : memref<80xi32, #tpu.memory_space<vmem>>)
        %dma_wait3A_290 = arith.constant 0 : i32
        %dma_wait3A_291 = arith.constant 0 : i32
        %dma_wait3A_292 = tpu.memref_slice %arg8[%dma_wait3A_290, %dma_wait3A_291] : memref<2x80xi32, #tpu.memory_space<vmem>> -> memref<1x80xi32, #tpu.memory_space<vmem>>
        %dma_wait3A_293 = tpu.memref_squeeze %dma_wait3A_292 : memref<1x80xi32, #tpu.memory_space<vmem>> -> memref<80xi32, #tpu.memory_space<vmem>>
        %dma_wait3A_294 = tpu.memref_slice %arg5[%mul3A_280] : memref<322560xi32, #tpu.memory_space<hbm>> -> memref<80xi32, #tpu.memory_space<hbm>>
        %dma_wait3A_295 = arith.constant 0 : i32
        %dma_wait3A_296 = tpu.memref_slice %arg8[%dma_wait3A_290, %dma_wait3A_295] : memref<2x80xi32, #tpu.memory_space<vmem>> -> memref<1x80xi32, #tpu.memory_space<vmem>>
        %dma_wait3A_297 = tpu.memref_squeeze %dma_wait3A_296 : memref<1x80xi32, #tpu.memory_space<vmem>> -> memref<80xi32, #tpu.memory_space<vmem>>
        %dma_wait3A_298 = tpu.memref_slice %arg5[%mul3A_280] : memref<322560xi32, #tpu.memory_space<hbm>> -> memref<80xi32, #tpu.memory_space<hbm>>
        tpu.wait_dma2 semaphore(%arg12 : memref<!tpu.dma_semaphore, #tpu.memory_space<semaphore_mem>>) src(%dma_wait3A_298 : memref<80xi32, #tpu.memory_space<hbm>>) dst(%dma_wait3A_297 : memref<80xi32, #tpu.memory_space<vmem>>)
        %dma_wait3A_299 = arith.constant 0 : i32
        %dma_wait3A_300 = arith.constant 0 : i32
        %dma_wait3A_301 = arith.constant 0 : i32
        %dma_wait3A_302 = tpu.memref_slice %arg10[%dma_wait3A_299, %dma_wait3A_300, %dma_wait3A_301] : memref<2x80x128xf32, #tpu.memory_space<vmem>> -> memref<1x80x128xf32, #tpu.memory_space<vmem>>
        %dma_wait3A_303 = tpu.memref_squeeze %dma_wait3A_302 : memref<1x80x128xf32, #tpu.memory_space<vmem>> -> memref<80x128xf32, #tpu.memory_space<vmem>>
        %dma_wait3A_304 = arith.constant 0 : i32
        %dma_wait3A_305 = tpu.memref_slice %arg3[%mul3A_280, %dma_wait3A_304] : memref<322560x128xf32, #tpu.memory_space<hbm>> -> memref<80x128xf32, #tpu.memory_space<hbm>>
        %dma_wait3A_306 = arith.constant 0 : i32
        %dma_wait3A_307 = arith.constant 0 : i32
        %dma_wait3A_308 = tpu.memref_slice %arg10[%dma_wait3A_299, %dma_wait3A_306, %dma_wait3A_307] : memref<2x80x128xf32, #tpu.memory_space<vmem>> -> memref<1x80x128xf32, #tpu.memory_space<vmem>>
        %dma_wait3A_309 = tpu.memref_squeeze %dma_wait3A_308 : memref<1x80x128xf32, #tpu.memory_space<vmem>> -> memref<80x128xf32, #tpu.memory_space<vmem>>
        %dma_wait3A_310 = arith.constant 0 : i32
        %dma_wait3A_311 = tpu.memref_slice %arg3[%mul3A_280, %dma_wait3A_310] : memref<322560x128xf32, #tpu.memory_space<hbm>> -> memref<80x128xf32, #tpu.memory_space<hbm>>
        tpu.wait_dma2 semaphore(%arg12 : memref<!tpu.dma_semaphore, #tpu.memory_space<semaphore_mem>>) src(%dma_wait3A_311 : memref<80x128xf32, #tpu.memory_space<hbm>>) dst(%dma_wait3A_309 : memref<80x128xf32, #tpu.memory_space<vmem>>)
        %dma_start3A_312 = arith.constant 0 : i32
        %dma_start3A_313 = arith.constant 0 : i32
        %dma_start3A_314 = arith.constant 0 : i32
        %dma_start3A_315 = arith.constant 0 : i32
        %dma_start3A_316 = tpu.memref_slice %arg9[%dma_start3A_313, %dma_start3A_314, %dma_start3A_315] : memref<2x80x128xf32, #tpu.memory_space<vmem>> -> memref<1x80x128xf32, #tpu.memory_space<vmem>>
        %dma_start3A_317 = tpu.memref_squeeze %dma_start3A_316 : memref<1x80x128xf32, #tpu.memory_space<vmem>> -> memref<80x128xf32, #tpu.memory_space<vmem>>
        %dma_start3A_318 = arith.constant 0 : i32
        %dma_start3A_319 = tpu.memref_slice %arg7[%dma_start3A_312, %dma_start3A_318] : memref<2x80xi32, #tpu.memory_space<vmem>> -> memref<1x80xi32, #tpu.memory_space<vmem>>
        %dma_start3A_320 = tpu.memref_squeeze %dma_start3A_319 : memref<1x80xi32, #tpu.memory_space<vmem>> -> memref<80xi32, #tpu.memory_space<vmem>>
        %dma_start3A_321 = arith.constant 0 : i32
        %dma_start3A_322 = arith.constant 0 : i32
        %dma_start3A_323 = tpu.memref_slice %arg2[%dma_start3A_321, %dma_start3A_322] : memref<10000x128xf32, #tpu.memory_space<hbm>> -> memref<10000x128xf32, #tpu.memory_space<hbm>>
        tpu.enqueue_indirect_dma source(%dma_start3A_323 : memref<10000x128xf32, #tpu.memory_space<hbm>>) target(%dma_start3A_317 : memref<80x128xf32, #tpu.memory_space<vmem>>) offsets(%dma_start3A_320 : memref<80xi32, #tpu.memory_space<vmem>>) semaphore(%arg14 : memref<!tpu.dma_semaphore, #tpu.memory_space<semaphore_mem>>)
      } else {
      }
      %dma_wait3A_247 = arith.constant 1 : i32
      %dma_wait3A_248 = arith.constant 1 : i32
      %dma_wait3A_249 = arith.constant 0 : i32
      %dma_wait3A_250 = arith.constant 0 : i32
      %dma_wait3A_251 = tpu.memref_slice %arg9[%dma_wait3A_248, %dma_wait3A_249, %dma_wait3A_250] : memref<2x80x128xf32, #tpu.memory_space<vmem>> -> memref<1x80x128xf32, #tpu.memory_space<vmem>>
      %dma_wait3A_252 = tpu.memref_squeeze %dma_wait3A_251 : memref<1x80x128xf32, #tpu.memory_space<vmem>> -> memref<80x128xf32, #tpu.memory_space<vmem>>
      %dma_wait3A_253 = arith.constant 0 : i32
      %dma_wait3A_254 = tpu.memref_slice %arg7[%dma_wait3A_247, %dma_wait3A_253] : memref<2x80xi32, #tpu.memory_space<vmem>> -> memref<1x80xi32, #tpu.memory_space<vmem>>
      %dma_wait3A_255 = tpu.memref_squeeze %dma_wait3A_254 : memref<1x80xi32, #tpu.memory_space<vmem>> -> memref<80xi32, #tpu.memory_space<vmem>>
      %dma_wait3A_256 = arith.constant 0 : i32
      %dma_wait3A_257 = arith.constant 0 : i32
      %dma_wait3A_258 = tpu.memref_slice %arg2[%dma_wait3A_256, %dma_wait3A_257] : memref<10000x128xf32, #tpu.memory_space<hbm>> -> memref<10000x128xf32, #tpu.memory_space<hbm>>
      tpu.wait_indirect_dma semaphore(%arg15 : memref<!tpu.dma_semaphore, #tpu.memory_space<semaphore_mem>>) src(%dma_wait3A_258 : memref<10000x128xf32, #tpu.memory_space<hbm>>) dst(%dma_wait3A_252 : memref<80x128xf32, #tpu.memory_space<vmem>>)
      %scan3A_259 = arith.constant 0 : i32
      %scan3A_260 = arith.constant 0 : i32
      %scan3A_261 = arith.constant 20 : i32
      %scan3A_262 = arith.addi %scan3A_260, %scan3A_261 : i32
      %scan3A_263 = arith.constant 1 : i32
      scf.for %scan3A_274 = %scan3A_260 to %scan3A_262 step %scan3A_263  : i32 {
        %mul3A_275 = arith.constant 4 : i32
        %mul3A_276 = arith.muli %scan3A_274, %mul3A_275 : i32
        %add3A_277 = arith.constant 0 : i32
        %add3A_278 = arith.addi %mul3A_276, %add3A_277 : i32
        %get3A = arith.constant 1 : i32
        %get3A_279 = arith.index_cast %get3A : i32 to index
        %get3A_280 = arith.index_cast %add3A_278 : i32 to index
        %get3A_281 = arith.constant 0 : index
        %get3A_282 = tpu.vector_load %arg9[%get3A_279, %get3A_280, %get3A_281] {strides = array<i32>} : memref<2x80x128xf32, #tpu.memory_space<vmem>>, vector<1x1x16xf32>,
        %get3A_283 = vector.shape_cast %get3A_282 : vector<1x1x16xf32> to vector<16xf32>
        %add3A_284 = arith.constant 0 : i32
        %add3A_285 = arith.addi %mul3A_276, %add3A_284 : i32
        %get3A_286 = arith.constant 1 : i32
        %get3A_287 = arith.index_cast %get3A_286 : i32 to index
        %get3A_288 = arith.index_cast %add3A_285 : i32 to index
        %get3A_289 = arith.constant 0 : index
        %get3A_290 = tpu.vector_load %arg10[%get3A_287, %get3A_288, %get3A_289] {strides = array<i32>} : memref<2x80x128xf32, #tpu.memory_space<vmem>>, vector<1x1x16xf32>,
        %get3A_291 = vector.shape_cast %get3A_290 : vector<1x1x16xf32> to vector<16xf32>
        %mul3A_292 = arith.mulf %get3A_283, %get3A_291 : vector<16xf32>
        %add3A_293 = arith.constant 0 : i32
        %add3A_294 = arith.addi %mul3A_276, %add3A_293 : i32
        %swap3A = arith.constant 1 : i32
        %swap3A_295 = arith.index_cast %swap3A : i32 to index
        %swap3A_296 = arith.index_cast %add3A_294 : i32 to index
        %swap3A_297 = arith.constant 0 : index
        %swap3A_298 = tpu.vector_load %arg9[%swap3A_295, %swap3A_296, %swap3A_297] {strides = array<i32>} : memref<2x80x128xf32, #tpu.memory_space<vmem>>, vector<1x1x16xf32>,
        %swap3A_299 = vector.shape_cast %swap3A_298 : vector<1x1x16xf32> to vector<16xf32>
        %swap3A_300 = vector.shape_cast %mul3A_292 : vector<16xf32> to vector<1x1x16xf32>
        tpu.vector_store %arg9[%swap3A_295, %swap3A_296, %swap3A_297], %swap3A_300 {strides = array<i32>} : memref<2x80x128xf32, #tpu.memory_space<vmem>>, vector<1x1x16xf32>,
        %add3A_301 = arith.constant 0 : i32
        %add3A_302 = arith.addi %mul3A_276, %add3A_301 : i32
        %get3A_303 = arith.constant 1 : i32
        %get3A_304 = arith.index_cast %get3A_303 : i32 to index
        %get3A_305 = arith.index_cast %add3A_302 : i32 to index
        %get3A_306 = arith.constant 16 : index
        %get3A_307 = tpu.vector_load %arg9[%get3A_304, %get3A_305, %get3A_306] {strides = array<i32>} : memref<2x80x128xf32, #tpu.memory_space<vmem>>, vector<1x1x16xf32>,
        %get3A_308 = vector.shape_cast %get3A_307 : vector<1x1x16xf32> to vector<16xf32>
        %add3A_309 = arith.constant 0 : i32
        %add3A_310 = arith.addi %mul3A_276, %add3A_309 : i32
        %get3A_311 = arith.constant 1 : i32
        %get3A_312 = arith.index_cast %get3A_311 : i32 to index
        %get3A_313 = arith.index_cast %add3A_310 : i32 to index
        %get3A_314 = arith.constant 16 : index
        %get3A_315 = tpu.vector_load %arg10[%get3A_312, %get3A_313, %get3A_314] {strides = array<i32>} : memref<2x80x128xf32, #tpu.memory_space<vmem>>, vector<1x1x16xf32>,
        %get3A_316 = vector.shape_cast %get3A_315 : vector<1x1x16xf32> to vector<16xf32>
        %mul3A_317 = arith.mulf %get3A_308, %get3A_316 : vector<16xf32>
        %add3A_318 = arith.constant 0 : i32
        %add3A_319 = arith.addi %mul3A_276, %add3A_318 : i32
        %swap3A_320 = arith.constant 1 : i32
        %swap3A_321 = arith.index_cast %swap3A_320 : i32 to index
        %swap3A_322 = arith.index_cast %add3A_319 : i32 to index
        %swap3A_323 = arith.constant 16 : index
        %swap3A_324 = tpu.vector_load %arg9[%swap3A_321, %swap3A_322, %swap3A_323] {strides = array<i32>} : memref<2x80x128xf32, #tpu.memory_space<vmem>>, vector<1x1x16xf32>,
        %swap3A_325 = vector.shape_cast %swap3A_324 : vector<1x1x16xf32> to vector<16xf32>
        %swap3A_326 = vector.shape_cast %mul3A_317 : vector<16xf32> to vector<1x1x16xf32>
        tpu.vector_store %arg9[%swap3A_321, %swap3A_322, %swap3A_323], %swap3A_326 {strides = array<i32>} : memref<2x80x128xf32, #tpu.memory_space<vmem>>, vector<1x1x16xf32>,
        %add3A_327 = arith.constant 0 : i32
        %add3A_328 = arith.addi %mul3A_276, %add3A_327 : i32
        %get3A_329 = arith.constant 1 : i32
        %get3A_330 = arith.index_cast %get3A_329 : i32 to index
        %get3A_331 = arith.index_cast %add3A_328 : i32 to index
        %get3A_332 = arith.constant 32 : index
        %get3A_333 = tpu.vector_load %arg9[%get3A_330, %get3A_331, %get3A_332] {strides = array<i32>} : memref<2x80x128xf32, #tpu.memory_space<vmem>>, vector<1x1x16xf32>,
        %get3A_334 = vector.shape_cast %get3A_333 : vector<1x1x16xf32> to vector<16xf32>
        %add3A_335 = arith.constant 0 : i32
        %add3A_336 = arith.addi %mul3A_276, %add3A_335 : i32
        %get3A_337 = arith.constant 1 : i32
        %get3A_338 = arith.index_cast %get3A_337 : i32 to index
        %get3A_339 = arith.index_cast %add3A_336 : i32 to index
        %get3A_340 = arith.constant 32 : index
        %get3A_341 = tpu.vector_load %arg10[%get3A_338, %get3A_339, %get3A_340] {strides = array<i32>} : memref<2x80x128xf32, #tpu.memory_space<vmem>>, vector<1x1x16xf32>,
        %get3A_342 = vector.shape_cast %get3A_341 : vector<1x1x16xf32> to vector<16xf32>
        %mul3A_343 = arith.mulf %get3A_334, %get3A_342 : vector<16xf32>
        %add3A_344 = arith.constant 0 : i32
        %add3A_345 = arith.addi %mul3A_276, %add3A_344 : i32
        %swap3A_346 = arith.constant 1 : i32
        %swap3A_347 = arith.index_cast %swap3A_346 : i32 to index
        %swap3A_348 = arith.index_cast %add3A_345 : i32 to index
        %swap3A_349 = arith.constant 32 : index
        %swap3A_350 = tpu.vector_load %arg9[%swap3A_347, %swap3A_348, %swap3A_349] {strides = array<i32>} : memref<2x80x128xf32, #tpu.memory_space<vmem>>, vector<1x1x16xf32>,
        %swap3A_351 = vector.shape_cast %swap3A_350 : vector<1x1x16xf32> to vector<16xf32>
        %swap3A_352 = vector.shape_cast %mul3A_343 : vector<16xf32> to vector<1x1x16xf32>
        tpu.vector_store %arg9[%swap3A_347, %swap3A_348, %swap3A_349], %swap3A_352 {strides = array<i32>} : memref<2x80x128xf32, #tpu.memory_space<vmem>>, vector<1x1x16xf32>,
        %add3A_353 = arith.constant 0 : i32
        %add3A_354 = arith.addi %mul3A_276, %add3A_353 : i32
        %get3A_355 = arith.constant 1 : i32
        %get3A_356 = arith.index_cast %get3A_355 : i32 to index
        %get3A_357 = arith.index_cast %add3A_354 : i32 to index
        %get3A_358 = arith.constant 48 : index
        %get3A_359 = tpu.vector_load %arg9[%get3A_356, %get3A_357, %get3A_358] {strides = array<i32>} : memref<2x80x128xf32, #tpu.memory_space<vmem>>, vector<1x1x16xf32>,
        %get3A_360 = vector.shape_cast %get3A_359 : vector<1x1x16xf32> to vector<16xf32>
        %add3A_361 = arith.constant 0 : i32
        %add3A_362 = arith.addi %mul3A_276, %add3A_361 : i32
        %get3A_363 = arith.constant 1 : i32
        %get3A_364 = arith.index_cast %get3A_363 : i32 to index
        %get3A_365 = arith.index_cast %add3A_362 : i32 to index
        %get3A_366 = arith.constant 48 : index
        %get3A_367 = tpu.vector_load %arg10[%get3A_364, %get3A_365, %get3A_366] {strides = array<i32>} : memref<2x80x128xf32, #tpu.memory_space<vmem>>, vector<1x1x16xf32>,
        %get3A_368 = vector.shape_cast %get3A_367 : vector<1x1x16xf32> to vector<16xf32>
        %mul3A_369 = arith.mulf %get3A_360, %get3A_368 : vector<16xf32>
        %add3A_370 = arith.constant 0 : i32
        %add3A_371 = arith.addi %mul3A_276, %add3A_370 : i32
        %swap3A_372 = arith.constant 1 : i32
        %swap3A_373 = arith.index_cast %swap3A_372 : i32 to index
        %swap3A_374 = arith.index_cast %add3A_371 : i32 to index
        %swap3A_375 = arith.constant 48 : index
        %swap3A_376 = tpu.vector_load %arg9[%swap3A_373, %swap3A_374, %swap3A_375] {strides = array<i32>} : memref<2x80x128xf32, #tpu.memory_space<vmem>>, vector<1x1x16xf32>,
        %swap3A_377 = vector.shape_cast %swap3A_376 : vector<1x1x16xf32> to vector<16xf32>
        %swap3A_378 = vector.shape_cast %mul3A_369 : vector<16xf32> to vector<1x1x16xf32>
        tpu.vector_store %arg9[%swap3A_373, %swap3A_374, %swap3A_375], %swap3A_378 {strides = array<i32>} : memref<2x80x128xf32, #tpu.memory_space<vmem>>, vector<1x1x16xf32>,
        %add3A_379 = arith.constant 0 : i32
        %add3A_380 = arith.addi %mul3A_276, %add3A_379 : i32
        %get3A_381 = arith.constant 1 : i32
        %get3A_382 = arith.index_cast %get3A_381 : i32 to index
        %get3A_383 = arith.index_cast %add3A_380 : i32 to index
        %get3A_384 = arith.constant 64 : index
        %get3A_385 = tpu.vector_load %arg9[%get3A_382, %get3A_383, %get3A_384] {strides = array<i32>} : memref<2x80x128xf32, #tpu.memory_space<vmem>>, vector<1x1x16xf32>,
        %get3A_386 = vector.shape_cast %get3A_385 : vector<1x1x16xf32> to vector<16xf32>
        %add3A_387 = arith.constant 0 : i32
        %add3A_388 = arith.addi %mul3A_276, %add3A_387 : i32
        %get3A_389 = arith.constant 1 : i32
        %get3A_390 = arith.index_cast %get3A_389 : i32 to index
        %get3A_391 = arith.index_cast %add3A_388 : i32 to index
        %get3A_392 = arith.constant 64 : index
        %get3A_393 = tpu.vector_load %arg10[%get3A_390, %get3A_391, %get3A_392] {strides = array<i32>} : memref<2x80x128xf32, #tpu.memory_space<vmem>>, vector<1x1x16xf32>,
        %get3A_394 = vector.shape_cast %get3A_393 : vector<1x1x16xf32> to vector<16xf32>
        %mul3A_395 = arith.mulf %get3A_386, %get3A_394 : vector<16xf32>
        %add3A_396 = arith.constant 0 : i32
        %add3A_397 = arith.addi %mul3A_276, %add3A_396 : i32
        %swap3A_398 = arith.constant 1 : i32
        %swap3A_399 = arith.index_cast %swap3A_398 : i32 to index
        %swap3A_400 = arith.index_cast %add3A_397 : i32 to index
        %swap3A_401 = arith.constant 64 : index
        %swap3A_402 = tpu.vector_load %arg9[%swap3A_399, %swap3A_400, %swap3A_401] {strides = array<i32>} : memref<2x80x128xf32, #tpu.memory_space<vmem>>, vector<1x1x16xf32>,
        %swap3A_403 = vector.shape_cast %swap3A_402 : vector<1x1x16xf32> to vector<16xf32>
        %swap3A_404 = vector.shape_cast %mul3A_395 : vector<16xf32> to vector<1x1x16xf32>
        tpu.vector_store %arg9[%swap3A_399, %swap3A_400, %swap3A_401], %swap3A_404 {strides = array<i32>} : memref<2x80x128xf32, #tpu.memory_space<vmem>>, vector<1x1x16xf32>,
        %add3A_405 = arith.constant 0 : i32
        %add3A_406 = arith.addi %mul3A_276, %add3A_405 : i32
        %get3A_407 = arith.constant 1 : i32
        %get3A_408 = arith.index_cast %get3A_407 : i32 to index
        %get3A_409 = arith.index_cast %add3A_406 : i32 to index
        %get3A_410 = arith.constant 80 : index
        %get3A_411 = tpu.vector_load %arg9[%get3A_408, %get3A_409, %get3A_410] {strides = array<i32>} : memref<2x80x128xf32, #tpu.memory_space<vmem>>, vector<1x1x16xf32>,
        %get3A_412 = vector.shape_cast %get3A_411 : vector<1x1x16xf32> to vector<16xf32>
        %add3A_413 = arith.constant 0 : i32
        %add3A_414 = arith.addi %mul3A_276, %add3A_413 : i32
        %get3A_415 = arith.constant 1 : i32
        %get3A_416 = arith.index_cast %get3A_415 : i32 to index
        %get3A_417 = arith.index_cast %add3A_414 : i32 to index
        %get3A_418 = arith.constant 80 : index
        %get3A_419 = tpu.vector_load %arg10[%get3A_416, %get3A_417, %get3A_418] {strides = array<i32>} : memref<2x80x128xf32, #tpu.memory_space<vmem>>, vector<1x1x16xf32>,
        %get3A_420 = vector.shape_cast %get3A_419 : vector<1x1x16xf32> to vector<16xf32>
        %mul3A_421 = arith.mulf %get3A_412, %get3A_420 : vector<16xf32>
        %add3A_422 = arith.constant 0 : i32
        %add3A_423 = arith.addi %mul3A_276, %add3A_422 : i32
        %swap3A_424 = arith.constant 1 : i32
        %swap3A_425 = arith.index_cast %swap3A_424 : i32 to index
        %swap3A_426 = arith.index_cast %add3A_423 : i32 to index
        %swap3A_427 = arith.constant 80 : index
        %swap3A_428 = tpu.vector_load %arg9[%swap3A_425, %swap3A_426, %swap3A_427] {strides = array<i32>} : memref<2x80x128xf32, #tpu.memory_space<vmem>>, vector<1x1x16xf32>,
        %swap3A_429 = vector.shape_cast %swap3A_428 : vector<1x1x16xf32> to vector<16xf32>
        %swap3A_430 = vector.shape_cast %mul3A_421 : vector<16xf32> to vector<1x1x16xf32>
        tpu.vector_store %arg9[%swap3A_425, %swap3A_426, %swap3A_427], %swap3A_430 {strides = array<i32>} : memref<2x80x128xf32, #tpu.memory_space<vmem>>, vector<1x1x16xf32>,
        %add3A_431 = arith.constant 0 : i32
        %add3A_432 = arith.addi %mul3A_276, %add3A_431 : i32
        %get3A_433 = arith.constant 1 : i32
        %get3A_434 = arith.index_cast %get3A_433 : i32 to index
        %get3A_435 = arith.index_cast %add3A_432 : i32 to index
        %get3A_436 = arith.constant 96 : index
        %get3A_437 = tpu.vector_load %arg9[%get3A_434, %get3A_435, %get3A_436] {strides = array<i32>} : memref<2x80x128xf32, #tpu.memory_space<vmem>>, vector<1x1x16xf32>,
        %get3A_438 = vector.shape_cast %get3A_437 : vector<1x1x16xf32> to vector<16xf32>
        %add3A_439 = arith.constant 0 : i32
        %add3A_440 = arith.addi %mul3A_276, %add3A_439 : i32
        %get3A_441 = arith.constant 1 : i32
        %get3A_442 = arith.index_cast %get3A_441 : i32 to index
        %get3A_443 = arith.index_cast %add3A_440 : i32 to index
        %get3A_444 = arith.constant 96 : index
        %get3A_445 = tpu.vector_load %arg10[%get3A_442, %get3A_443, %get3A_444] {strides = array<i32>} : memref<2x80x128xf32, #tpu.memory_space<vmem>>, vector<1x1x16xf32>,
        %get3A_446 = vector.shape_cast %get3A_445 : vector<1x1x16xf32> to vector<16xf32>
        %mul3A_447 = arith.mulf %get3A_438, %get3A_446 : vector<16xf32>
        %add3A_448 = arith.constant 0 : i32
        %add3A_449 = arith.addi %mul3A_276, %add3A_448 : i32
        %swap3A_450 = arith.constant 1 : i32
        %swap3A_451 = arith.index_cast %swap3A_450 : i32 to index
        %swap3A_452 = arith.index_cast %add3A_449 : i32 to index
        %swap3A_453 = arith.constant 96 : index
        %swap3A_454 = tpu.vector_load %arg9[%swap3A_451, %swap3A_452, %swap3A_453] {strides = array<i32>} : memref<2x80x128xf32, #tpu.memory_space<vmem>>, vector<1x1x16xf32>,
        %swap3A_455 = vector.shape_cast %swap3A_454 : vector<1x1x16xf32> to vector<16xf32>
        %swap3A_456 = vector.shape_cast %mul3A_447 : vector<16xf32> to vector<1x1x16xf32>
        tpu.vector_store %arg9[%swap3A_451, %swap3A_452, %swap3A_453], %swap3A_456 {strides = array<i32>} : memref<2x80x128xf32, #tpu.memory_space<vmem>>, vector<1x1x16xf32>,
        %add3A_457 = arith.constant 0 : i32
        %add3A_458 = arith.addi %mul3A_276, %add3A_457 : i32
        %get3A_459 = arith.constant 1 : i32
        %get3A_460 = arith.index_cast %get3A_459 : i32 to index
        %get3A_461 = arith.index_cast %add3A_458 : i32 to index
        %get3A_462 = arith.constant 112 : index
        %get3A_463 = tpu.vector_load %arg9[%get3A_460, %get3A_461, %get3A_462] {strides = array<i32>} : memref<2x80x128xf32, #tpu.memory_space<vmem>>, vector<1x1x16xf32>,
        %get3A_464 = vector.shape_cast %get3A_463 : vector<1x1x16xf32> to vector<16xf32>
        %add3A_465 = arith.constant 0 : i32
        %add3A_466 = arith.addi %mul3A_276, %add3A_465 : i32
        %get3A_467 = arith.constant 1 : i32
        %get3A_468 = arith.index_cast %get3A_467 : i32 to index
        %get3A_469 = arith.index_cast %add3A_466 : i32 to index
        %get3A_470 = arith.constant 112 : index
        %get3A_471 = tpu.vector_load %arg10[%get3A_468, %get3A_469, %get3A_470] {strides = array<i32>} : memref<2x80x128xf32, #tpu.memory_space<vmem>>, vector<1x1x16xf32>,
        %get3A_472 = vector.shape_cast %get3A_471 : vector<1x1x16xf32> to vector<16xf32>
        %mul3A_473 = arith.mulf %get3A_464, %get3A_472 : vector<16xf32>
        %add3A_474 = arith.constant 0 : i32
        %add3A_475 = arith.addi %mul3A_276, %add3A_474 : i32
        %swap3A_476 = arith.constant 1 : i32
        %swap3A_477 = arith.index_cast %swap3A_476 : i32 to index
        %swap3A_478 = arith.index_cast %add3A_475 : i32 to index
        %swap3A_479 = arith.constant 112 : index
        %swap3A_480 = tpu.vector_load %arg9[%swap3A_477, %swap3A_478, %swap3A_479] {strides = array<i32>} : memref<2x80x128xf32, #tpu.memory_space<vmem>>, vector<1x1x16xf32>,
        %swap3A_481 = vector.shape_cast %swap3A_480 : vector<1x1x16xf32> to vector<16xf32>
        %swap3A_482 = vector.shape_cast %mul3A_473 : vector<16xf32> to vector<1x1x16xf32>
        tpu.vector_store %arg9[%swap3A_477, %swap3A_478, %swap3A_479], %swap3A_482 {strides = array<i32>} : memref<2x80x128xf32, #tpu.memory_space<vmem>>, vector<1x1x16xf32>,
        %add3A_483 = arith.constant 1 : i32
        %add3A_484 = arith.addi %mul3A_276, %add3A_483 : i32
        %get3A_485 = arith.constant 1 : i32
        %get3A_486 = arith.index_cast %get3A_485 : i32 to index
        %get3A_487 = arith.index_cast %add3A_484 : i32 to index
        %get3A_488 = arith.constant 0 : index
        %get3A_489 = tpu.vector_load %arg9[%get3A_486, %get3A_487, %get3A_488] {strides = array<i32>} : memref<2x80x128xf32, #tpu.memory_space<vmem>>, vector<1x1x16xf32>,
        %get3A_490 = vector.shape_cast %get3A_489 : vector<1x1x16xf32> to vector<16xf32>
        %add3A_491 = arith.constant 1 : i32
        %add3A_492 = arith.addi %mul3A_276, %add3A_491 : i32
        %get3A_493 = arith.constant 1 : i32
        %get3A_494 = arith.index_cast %get3A_493 : i32 to index
        %get3A_495 = arith.index_cast %add3A_492 : i32 to index
        %get3A_496 = arith.constant 0 : index
        %get3A_497 = tpu.vector_load %arg10[%get3A_494, %get3A_495, %get3A_496] {strides = array<i32>} : memref<2x80x128xf32, #tpu.memory_space<vmem>>, vector<1x1x16xf32>,
        %get3A_498 = vector.shape_cast %get3A_497 : vector<1x1x16xf32> to vector<16xf32>
        %mul3A_499 = arith.mulf %get3A_490, %get3A_498 : vector<16xf32>
        %add3A_500 = arith.constant 1 : i32
        %add3A_501 = arith.addi %mul3A_276, %add3A_500 : i32
        %swap3A_502 = arith.constant 1 : i32
        %swap3A_503 = arith.index_cast %swap3A_502 : i32 to index
        %swap3A_504 = arith.index_cast %add3A_501 : i32 to index
        %swap3A_505 = arith.constant 0 : index
        %swap3A_506 = tpu.vector_load %arg9[%swap3A_503, %swap3A_504, %swap3A_505] {strides = array<i32>} : memref<2x80x128xf32, #tpu.memory_space<vmem>>, vector<1x1x16xf32>,
        %swap3A_507 = vector.shape_cast %swap3A_506 : vector<1x1x16xf32> to vector<16xf32>
        %swap3A_508 = vector.shape_cast %mul3A_499 : vector<16xf32> to vector<1x1x16xf32>
        tpu.vector_store %arg9[%swap3A_503, %swap3A_504, %swap3A_505], %swap3A_508 {strides = array<i32>} : memref<2x80x128xf32, #tpu.memory_space<vmem>>, vector<1x1x16xf32>,
        %add3A_509 = arith.constant 1 : i32
        %add3A_510 = arith.addi %mul3A_276, %add3A_509 : i32
        %get3A_511 = arith.constant 1 : i32
        %get3A_512 = arith.index_cast %get3A_511 : i32 to index
        %get3A_513 = arith.index_cast %add3A_510 : i32 to index
        %get3A_514 = arith.constant 16 : index
        %get3A_515 = tpu.vector_load %arg9[%get3A_512, %get3A_513, %get3A_514] {strides = array<i32>} : memref<2x80x128xf32, #tpu.memory_space<vmem>>, vector<1x1x16xf32>,
        %get3A_516 = vector.shape_cast %get3A_515 : vector<1x1x16xf32> to vector<16xf32>
        %add3A_517 = arith.constant 1 : i32
        %add3A_518 = arith.addi %mul3A_276, %add3A_517 : i32
        %get3A_519 = arith.constant 1 : i32
        %get3A_520 = arith.index_cast %get3A_519 : i32 to index
        %get3A_521 = arith.index_cast %add3A_518 : i32 to index
        %get3A_522 = arith.constant 16 : index
        %get3A_523 = tpu.vector_load %arg10[%get3A_520, %get3A_521, %get3A_522] {strides = array<i32>} : memref<2x80x128xf32, #tpu.memory_space<vmem>>, vector<1x1x16xf32>,
        %get3A_524 = vector.shape_cast %get3A_523 : vector<1x1x16xf32> to vector<16xf32>
        %mul3A_525 = arith.mulf %get3A_516, %get3A_524 : vector<16xf32>
        %add3A_526 = arith.constant 1 : i32
        %add3A_527 = arith.addi %mul3A_276, %add3A_526 : i32
        %swap3A_528 = arith.constant 1 : i32
        %swap3A_529 = arith.index_cast %swap3A_528 : i32 to index
        %swap3A_530 = arith.index_cast %add3A_527 : i32 to index
        %swap3A_531 = arith.constant 16 : index
        %swap3A_532 = tpu.vector_load %arg9[%swap3A_529, %swap3A_530, %swap3A_531] {strides = array<i32>} : memref<2x80x128xf32, #tpu.memory_space<vmem>>, vector<1x1x16xf32>,
        %swap3A_533 = vector.shape_cast %swap3A_532 : vector<1x1x16xf32> to vector<16xf32>
        %swap3A_534 = vector.shape_cast %mul3A_525 : vector<16xf32> to vector<1x1x16xf32>
        tpu.vector_store %arg9[%swap3A_529, %swap3A_530, %swap3A_531], %swap3A_534 {strides = array<i32>} : memref<2x80x128xf32, #tpu.memory_space<vmem>>, vector<1x1x16xf32>,
        %add3A_535 = arith.constant 1 : i32
        %add3A_536 = arith.addi %mul3A_276, %add3A_535 : i32
        %get3A_537 = arith.constant 1 : i32
        %get3A_538 = arith.index_cast %get3A_537 : i32 to index
        %get3A_539 = arith.index_cast %add3A_536 : i32 to index
        %get3A_540 = arith.constant 32 : index
        %get3A_541 = tpu.vector_load %arg9[%get3A_538, %get3A_539, %get3A_540] {strides = array<i32>} : memref<2x80x128xf32, #tpu.memory_space<vmem>>, vector<1x1x16xf32>,
        %get3A_542 = vector.shape_cast %get3A_541 : vector<1x1x16xf32> to vector<16xf32>
        %add3A_543 = arith.constant 1 : i32
        %add3A_544 = arith.addi %mul3A_276, %add3A_543 : i32
        %get3A_545 = arith.constant 1 : i32
        %get3A_546 = arith.index_cast %get3A_545 : i32 to index
        %get3A_547 = arith.index_cast %add3A_544 : i32 to index
        %get3A_548 = arith.constant 32 : index
        %get3A_549 = tpu.vector_load %arg10[%get3A_546, %get3A_547, %get3A_548] {strides = array<i32>} : memref<2x80x128xf32, #tpu.memory_space<vmem>>, vector<1x1x16xf32>,
        %get3A_550 = vector.shape_cast %get3A_549 : vector<1x1x16xf32> to vector<16xf32>
        %mul3A_551 = arith.mulf %get3A_542, %get3A_550 : vector<16xf32>
        %add3A_552 = arith.constant 1 : i32
        %add3A_553 = arith.addi %mul3A_276, %add3A_552 : i32
        %swap3A_554 = arith.constant 1 : i32
        %swap3A_555 = arith.index_cast %swap3A_554 : i32 to index
        %swap3A_556 = arith.index_cast %add3A_553 : i32 to index
        %swap3A_557 = arith.constant 32 : index
        %swap3A_558 = tpu.vector_load %arg9[%swap3A_555, %swap3A_556, %swap3A_557] {strides = array<i32>} : memref<2x80x128xf32, #tpu.memory_space<vmem>>, vector<1x1x16xf32>,
        %swap3A_559 = vector.shape_cast %swap3A_558 : vector<1x1x16xf32> to vector<16xf32>
        %swap3A_560 = vector.shape_cast %mul3A_551 : vector<16xf32> to vector<1x1x16xf32>
        tpu.vector_store %arg9[%swap3A_555, %swap3A_556, %swap3A_557], %swap3A_560 {strides = array<i32>} : memref<2x80x128xf32, #tpu.memory_space<vmem>>, vector<1x1x16xf32>,
        %add3A_561 = arith.constant 1 : i32
        %add3A_562 = arith.addi %mul3A_276, %add3A_561 : i32
        %get3A_563 = arith.constant 1 : i32
        %get3A_564 = arith.index_cast %get3A_563 : i32 to index
        %get3A_565 = arith.index_cast %add3A_562 : i32 to index
        %get3A_566 = arith.constant 48 : index
        %get3A_567 = tpu.vector_load %arg9[%get3A_564, %get3A_565, %get3A_566] {strides = array<i32>} : memref<2x80x128xf32, #tpu.memory_space<vmem>>, vector<1x1x16xf32>,
        %get3A_568 = vector.shape_cast %get3A_567 : vector<1x1x16xf32> to vector<16xf32>
        %add3A_569 = arith.constant 1 : i32
        %add3A_570 = arith.addi %mul3A_276, %add3A_569 : i32
        %get3A_571 = arith.constant 1 : i32
        %get3A_572 = arith.index_cast %get3A_571 : i32 to index
        %get3A_573 = arith.index_cast %add3A_570 : i32 to index
        %get3A_574 = arith.constant 48 : index
        %get3A_575 = tpu.vector_load %arg10[%get3A_572, %get3A_573, %get3A_574] {strides = array<i32>} : memref<2x80x128xf32, #tpu.memory_space<vmem>>, vector<1x1x16xf32>,
        %get3A_576 = vector.shape_cast %get3A_575 : vector<1x1x16xf32> to vector<16xf32>
        %mul3A_577 = arith.mulf %get3A_568, %get3A_576 : vector<16xf32>
        %add3A_578 = arith.constant 1 : i32
        %add3A_579 = arith.addi %mul3A_276, %add3A_578 : i32
        %swap3A_580 = arith.constant 1 : i32
        %swap3A_581 = arith.index_cast %swap3A_580 : i32 to index
        %swap3A_582 = arith.index_cast %add3A_579 : i32 to index
        %swap3A_583 = arith.constant 48 : index
        %swap3A_584 = tpu.vector_load %arg9[%swap3A_581, %swap3A_582, %swap3A_583] {strides = array<i32>} : memref<2x80x128xf32, #tpu.memory_space<vmem>>, vector<1x1x16xf32>,
        %swap3A_585 = vector.shape_cast %swap3A_584 : vector<1x1x16xf32> to vector<16xf32>
        %swap3A_586 = vector.shape_cast %mul3A_577 : vector<16xf32> to vector<1x1x16xf32>
        tpu.vector_store %arg9[%swap3A_581, %swap3A_582, %swap3A_583], %swap3A_586 {strides = array<i32>} : memref<2x80x128xf32, #tpu.memory_space<vmem>>, vector<1x1x16xf32>,
        %add3A_587 = arith.constant 1 : i32
        %add3A_588 = arith.addi %mul3A_276, %add3A_587 : i32
        %get3A_589 = arith.constant 1 : i32
        %get3A_590 = arith.index_cast %get3A_589 : i32 to index
        %get3A_591 = arith.index_cast %add3A_588 : i32 to index
        %get3A_592 = arith.constant 64 : index
        %get3A_593 = tpu.vector_load %arg9[%get3A_590, %get3A_591, %get3A_592] {strides = array<i32>} : memref<2x80x128xf32, #tpu.memory_space<vmem>>, vector<1x1x16xf32>,
        %get3A_594 = vector.shape_cast %get3A_593 : vector<1x1x16xf32> to vector<16xf32>
        %add3A_595 = arith.constant 1 : i32
        %add3A_596 = arith.addi %mul3A_276, %add3A_595 : i32
        %get3A_597 = arith.constant 1 : i32
        %get3A_598 = arith.index_cast %get3A_597 : i32 to index
        %get3A_599 = arith.index_cast %add3A_596 : i32 to index
        %get3A_600 = arith.constant 64 : index
        %get3A_601 = tpu.vector_load %arg10[%get3A_598, %get3A_599, %get3A_600] {strides = array<i32>} : memref<2x80x128xf32, #tpu.memory_space<vmem>>, vector<1x1x16xf32>,
        %get3A_602 = vector.shape_cast %get3A_601 : vector<1x1x16xf32> to vector<16xf32>
        %mul3A_603 = arith.mulf %get3A_594, %get3A_602 : vector<16xf32>
        %add3A_604 = arith.constant 1 : i32
        %add3A_605 = arith.addi %mul3A_276, %add3A_604 : i32
        %swap3A_606 = arith.constant 1 : i32
        %swap3A_607 = arith.index_cast %swap3A_606 : i32 to index
        %swap3A_608 = arith.index_cast %add3A_605 : i32 to index
        %swap3A_609 = arith.constant 64 : index
        %swap3A_610 = tpu.vector_load %arg9[%swap3A_607, %swap3A_608, %swap3A_609] {strides = array<i32>} : memref<2x80x128xf32, #tpu.memory_space<vmem>>, vector<1x1x16xf32>,
        %swap3A_611 = vector.shape_cast %swap3A_610 : vector<1x1x16xf32> to vector<16xf32>
        %swap3A_612 = vector.shape_cast %mul3A_603 : vector<16xf32> to vector<1x1x16xf32>
        tpu.vector_store %arg9[%swap3A_607, %swap3A_608, %swap3A_609], %swap3A_612 {strides = array<i32>} : memref<2x80x128xf32, #tpu.memory_space<vmem>>, vector<1x1x16xf32>,
        %add3A_613 = arith.constant 1 : i32
        %add3A_614 = arith.addi %mul3A_276, %add3A_613 : i32
        %get3A_615 = arith.constant 1 : i32
        %get3A_616 = arith.index_cast %get3A_615 : i32 to index
        %get3A_617 = arith.index_cast %add3A_614 : i32 to index
        %get3A_618 = arith.constant 80 : index
        %get3A_619 = tpu.vector_load %arg9[%get3A_616, %get3A_617, %get3A_618] {strides = array<i32>} : memref<2x80x128xf32, #tpu.memory_space<vmem>>, vector<1x1x16xf32>,
        %get3A_620 = vector.shape_cast %get3A_619 : vector<1x1x16xf32> to vector<16xf32>
        %add3A_621 = arith.constant 1 : i32
        %add3A_622 = arith.addi %mul3A_276, %add3A_621 : i32
        %get3A_623 = arith.constant 1 : i32
        %get3A_624 = arith.index_cast %get3A_623 : i32 to index
        %get3A_625 = arith.index_cast %add3A_622 : i32 to index
        %get3A_626 = arith.constant 80 : index
        %get3A_627 = tpu.vector_load %arg10[%get3A_624, %get3A_625, %get3A_626] {strides = array<i32>} : memref<2x80x128xf32, #tpu.memory_space<vmem>>, vector<1x1x16xf32>,
        %get3A_628 = vector.shape_cast %get3A_627 : vector<1x1x16xf32> to vector<16xf32>
        %mul3A_629 = arith.mulf %get3A_620, %get3A_628 : vector<16xf32>
        %add3A_630 = arith.constant 1 : i32
        %add3A_631 = arith.addi %mul3A_276, %add3A_630 : i32
        %swap3A_632 = arith.constant 1 : i32
        %swap3A_633 = arith.index_cast %swap3A_632 : i32 to index
        %swap3A_634 = arith.index_cast %add3A_631 : i32 to index
        %swap3A_635 = arith.constant 80 : index
        %swap3A_636 = tpu.vector_load %arg9[%swap3A_633, %swap3A_634, %swap3A_635] {strides = array<i32>} : memref<2x80x128xf32, #tpu.memory_space<vmem>>, vector<1x1x16xf32>,
        %swap3A_637 = vector.shape_cast %swap3A_636 : vector<1x1x16xf32> to vector<16xf32>
        %swap3A_638 = vector.shape_cast %mul3A_629 : vector<16xf32> to vector<1x1x16xf32>
        tpu.vector_store %arg9[%swap3A_633, %swap3A_634, %swap3A_635], %swap3A_638 {strides = array<i32>} : memref<2x80x128xf32, #tpu.memory_space<vmem>>, vector<1x1x16xf32>,
        %add3A_639 = arith.constant 1 : i32
        %add3A_640 = arith.addi %mul3A_276, %add3A_639 : i32
        %get3A_641 = arith.constant 1 : i32
        %get3A_642 = arith.index_cast %get3A_641 : i32 to index
        %get3A_643 = arith.index_cast %add3A_640 : i32 to index
        %get3A_644 = arith.constant 96 : index
        %get3A_645 = tpu.vector_load %arg9[%get3A_642, %get3A_643, %get3A_644] {strides = array<i32>} : memref<2x80x128xf32, #tpu.memory_space<vmem>>, vector<1x1x16xf32>,
        %get3A_646 = vector.shape_cast %get3A_645 : vector<1x1x16xf32> to vector<16xf32>
        %add3A_647 = arith.constant 1 : i32
        %add3A_648 = arith.addi %mul3A_276, %add3A_647 : i32
        %get3A_649 = arith.constant 1 : i32
        %get3A_650 = arith.index_cast %get3A_649 : i32 to index
        %get3A_651 = arith.index_cast %add3A_648 : i32 to index
        %get3A_652 = arith.constant 96 : index
        %get3A_653 = tpu.vector_load %arg10[%get3A_650, %get3A_651, %get3A_652] {strides = array<i32>} : memref<2x80x128xf32, #tpu.memory_space<vmem>>, vector<1x1x16xf32>,
        %get3A_654 = vector.shape_cast %get3A_653 : vector<1x1x16xf32> to vector<16xf32>
        %mul3A_655 = arith.mulf %get3A_646, %get3A_654 : vector<16xf32>
        %add3A_656 = arith.constant 1 : i32
        %add3A_657 = arith.addi %mul3A_276, %add3A_656 : i32
        %swap3A_658 = arith.constant 1 : i32
        %swap3A_659 = arith.index_cast %swap3A_658 : i32 to index
        %swap3A_660 = arith.index_cast %add3A_657 : i32 to index
        %swap3A_661 = arith.constant 96 : index
        %swap3A_662 = tpu.vector_load %arg9[%swap3A_659, %swap3A_660, %swap3A_661] {strides = array<i32>} : memref<2x80x128xf32, #tpu.memory_space<vmem>>, vector<1x1x16xf32>,
        %swap3A_663 = vector.shape_cast %swap3A_662 : vector<1x1x16xf32> to vector<16xf32>
        %swap3A_664 = vector.shape_cast %mul3A_655 : vector<16xf32> to vector<1x1x16xf32>
        tpu.vector_store %arg9[%swap3A_659, %swap3A_660, %swap3A_661], %swap3A_664 {strides = array<i32>} : memref<2x80x128xf32, #tpu.memory_space<vmem>>, vector<1x1x16xf32>,
        %add3A_665 = arith.constant 1 : i32
        %add3A_666 = arith.addi %mul3A_276, %add3A_665 : i32
        %get3A_667 = arith.constant 1 : i32
        %get3A_668 = arith.index_cast %get3A_667 : i32 to index
        %get3A_669 = arith.index_cast %add3A_666 : i32 to index
        %get3A_670 = arith.constant 112 : index
        %get3A_671 = tpu.vector_load %arg9[%get3A_668, %get3A_669, %get3A_670] {strides = array<i32>} : memref<2x80x128xf32, #tpu.memory_space<vmem>>, vector<1x1x16xf32>,
        %get3A_672 = vector.shape_cast %get3A_671 : vector<1x1x16xf32> to vector<16xf32>
        %add3A_673 = arith.constant 1 : i32
        %add3A_674 = arith.addi %mul3A_276, %add3A_673 : i32
        %get3A_675 = arith.constant 1 : i32
        %get3A_676 = arith.index_cast %get3A_675 : i32 to index
        %get3A_677 = arith.index_cast %add3A_674 : i32 to index
        %get3A_678 = arith.constant 112 : index
        %get3A_679 = tpu.vector_load %arg10[%get3A_676, %get3A_677, %get3A_678] {strides = array<i32>} : memref<2x80x128xf32, #tpu.memory_space<vmem>>, vector<1x1x16xf32>,
        %get3A_680 = vector.shape_cast %get3A_679 : vector<1x1x16xf32> to vector<16xf32>
        %mul3A_681 = arith.mulf %get3A_672, %get3A_680 : vector<16xf32>
        %add3A_682 = arith.constant 1 : i32
        %add3A_683 = arith.addi %mul3A_276, %add3A_682 : i32
        %swap3A_684 = arith.constant 1 : i32
        %swap3A_685 = arith.index_cast %swap3A_684 : i32 to index
        %swap3A_686 = arith.index_cast %add3A_683 : i32 to index
        %swap3A_687 = arith.constant 112 : index
        %swap3A_688 = tpu.vector_load %arg9[%swap3A_685, %swap3A_686, %swap3A_687] {strides = array<i32>} : memref<2x80x128xf32, #tpu.memory_space<vmem>>, vector<1x1x16xf32>,
        %swap3A_689 = vector.shape_cast %swap3A_688 : vector<1x1x16xf32> to vector<16xf32>
        %swap3A_690 = vector.shape_cast %mul3A_681 : vector<16xf32> to vector<1x1x16xf32>
        tpu.vector_store %arg9[%swap3A_685, %swap3A_686, %swap3A_687], %swap3A_690 {strides = array<i32>} : memref<2x80x128xf32, #tpu.memory_space<vmem>>, vector<1x1x16xf32>,
        %add3A_691 = arith.constant 2 : i32
        %add3A_692 = arith.addi %mul3A_276, %add3A_691 : i32
        %get3A_693 = arith.constant 1 : i32
        %get3A_694 = arith.index_cast %get3A_693 : i32 to index
        %get3A_695 = arith.index_cast %add3A_692 : i32 to index
        %get3A_696 = arith.constant 0 : index
        %get3A_697 = tpu.vector_load %arg9[%get3A_694, %get3A_695, %get3A_696] {strides = array<i32>} : memref<2x80x128xf32, #tpu.memory_space<vmem>>, vector<1x1x16xf32>,
        %get3A_698 = vector.shape_cast %get3A_697 : vector<1x1x16xf32> to vector<16xf32>
        %add3A_699 = arith.constant 2 : i32
        %add3A_700 = arith.addi %mul3A_276, %add3A_699 : i32
        %get3A_701 = arith.constant 1 : i32
        %get3A_702 = arith.index_cast %get3A_701 : i32 to index
        %get3A_703 = arith.index_cast %add3A_700 : i32 to index
        %get3A_704 = arith.constant 0 : index
        %get3A_705 = tpu.vector_load %arg10[%get3A_702, %get3A_703, %get3A_704] {strides = array<i32>} : memref<2x80x128xf32, #tpu.memory_space<vmem>>, vector<1x1x16xf32>,
        %get3A_706 = vector.shape_cast %get3A_705 : vector<1x1x16xf32> to vector<16xf32>
        %mul3A_707 = arith.mulf %get3A_698, %get3A_706 : vector<16xf32>
        %add3A_708 = arith.constant 2 : i32
        %add3A_709 = arith.addi %mul3A_276, %add3A_708 : i32
        %swap3A_710 = arith.constant 1 : i32
        %swap3A_711 = arith.index_cast %swap3A_710 : i32 to index
        %swap3A_712 = arith.index_cast %add3A_709 : i32 to index
        %swap3A_713 = arith.constant 0 : index
        %swap3A_714 = tpu.vector_load %arg9[%swap3A_711, %swap3A_712, %swap3A_713] {strides = array<i32>} : memref<2x80x128xf32, #tpu.memory_space<vmem>>, vector<1x1x16xf32>,
        %swap3A_715 = vector.shape_cast %swap3A_714 : vector<1x1x16xf32> to vector<16xf32>
        %swap3A_716 = vector.shape_cast %mul3A_707 : vector<16xf32> to vector<1x1x16xf32>
        tpu.vector_store %arg9[%swap3A_711, %swap3A_712, %swap3A_713], %swap3A_716 {strides = array<i32>} : memref<2x80x128xf32, #tpu.memory_space<vmem>>, vector<1x1x16xf32>,
        %add3A_717 = arith.constant 2 : i32
        %add3A_718 = arith.addi %mul3A_276, %add3A_717 : i32
        %get3A_719 = arith.constant 1 : i32
        %get3A_720 = arith.index_cast %get3A_719 : i32 to index
        %get3A_721 = arith.index_cast %add3A_718 : i32 to index
        %get3A_722 = arith.constant 16 : index
        %get3A_723 = tpu.vector_load %arg9[%get3A_720, %get3A_721, %get3A_722] {strides = array<i32>} : memref<2x80x128xf32, #tpu.memory_space<vmem>>, vector<1x1x16xf32>,
        %get3A_724 = vector.shape_cast %get3A_723 : vector<1x1x16xf32> to vector<16xf32>
        %add3A_725 = arith.constant 2 : i32
        %add3A_726 = arith.addi %mul3A_276, %add3A_725 : i32
        %get3A_727 = arith.constant 1 : i32
        %get3A_728 = arith.index_cast %get3A_727 : i32 to index
        %get3A_729 = arith.index_cast %add3A_726 : i32 to index
        %get3A_730 = arith.constant 16 : index
        %get3A_731 = tpu.vector_load %arg10[%get3A_728, %get3A_729, %get3A_730] {strides = array<i32>} : memref<2x80x128xf32, #tpu.memory_space<vmem>>, vector<1x1x16xf32>,
        %get3A_732 = vector.shape_cast %get3A_731 : vector<1x1x16xf32> to vector<16xf32>
        %mul3A_733 = arith.mulf %get3A_724, %get3A_732 : vector<16xf32>
        %add3A_734 = arith.constant 2 : i32
        %add3A_735 = arith.addi %mul3A_276, %add3A_734 : i32
        %swap3A_736 = arith.constant 1 : i32
        %swap3A_737 = arith.index_cast %swap3A_736 : i32 to index
        %swap3A_738 = arith.index_cast %add3A_735 : i32 to index
        %swap3A_739 = arith.constant 16 : index
        %swap3A_740 = tpu.vector_load %arg9[%swap3A_737, %swap3A_738, %swap3A_739] {strides = array<i32>} : memref<2x80x128xf32, #tpu.memory_space<vmem>>, vector<1x1x16xf32>,
        %swap3A_741 = vector.shape_cast %swap3A_740 : vector<1x1x16xf32> to vector<16xf32>
        %swap3A_742 = vector.shape_cast %mul3A_733 : vector<16xf32> to vector<1x1x16xf32>
        tpu.vector_store %arg9[%swap3A_737, %swap3A_738, %swap3A_739], %swap3A_742 {strides = array<i32>} : memref<2x80x128xf32, #tpu.memory_space<vmem>>, vector<1x1x16xf32>,
        %add3A_743 = arith.constant 2 : i32
        %add3A_744 = arith.addi %mul3A_276, %add3A_743 : i32
        %get3A_745 = arith.constant 1 : i32
        %get3A_746 = arith.index_cast %get3A_745 : i32 to index
        %get3A_747 = arith.index_cast %add3A_744 : i32 to index
        %get3A_748 = arith.constant 32 : index
        %get3A_749 = tpu.vector_load %arg9[%get3A_746, %get3A_747, %get3A_748] {strides = array<i32>} : memref<2x80x128xf32, #tpu.memory_space<vmem>>, vector<1x1x16xf32>,
        %get3A_750 = vector.shape_cast %get3A_749 : vector<1x1x16xf32> to vector<16xf32>
        %add3A_751 = arith.constant 2 : i32
        %add3A_752 = arith.addi %mul3A_276, %add3A_751 : i32
        %get3A_753 = arith.constant 1 : i32
        %get3A_754 = arith.index_cast %get3A_753 : i32 to index
        %get3A_755 = arith.index_cast %add3A_752 : i32 to index
        %get3A_756 = arith.constant 32 : index
        %get3A_757 = tpu.vector_load %arg10[%get3A_754, %get3A_755, %get3A_756] {strides = array<i32>} : memref<2x80x128xf32, #tpu.memory_space<vmem>>, vector<1x1x16xf32>,
        %get3A_758 = vector.shape_cast %get3A_757 : vector<1x1x16xf32> to vector<16xf32>
        %mul3A_759 = arith.mulf %get3A_750, %get3A_758 : vector<16xf32>
        %add3A_760 = arith.constant 2 : i32
        %add3A_761 = arith.addi %mul3A_276, %add3A_760 : i32
        %swap3A_762 = arith.constant 1 : i32
        %swap3A_763 = arith.index_cast %swap3A_762 : i32 to index
        %swap3A_764 = arith.index_cast %add3A_761 : i32 to index
        %swap3A_765 = arith.constant 32 : index
        %swap3A_766 = tpu.vector_load %arg9[%swap3A_763, %swap3A_764, %swap3A_765] {strides = array<i32>} : memref<2x80x128xf32, #tpu.memory_space<vmem>>, vector<1x1x16xf32>,
        %swap3A_767 = vector.shape_cast %swap3A_766 : vector<1x1x16xf32> to vector<16xf32>
        %swap3A_768 = vector.shape_cast %mul3A_759 : vector<16xf32> to vector<1x1x16xf32>
        tpu.vector_store %arg9[%swap3A_763, %swap3A_764, %swap3A_765], %swap3A_768 {strides = array<i32>} : memref<2x80x128xf32, #tpu.memory_space<vmem>>, vector<1x1x16xf32>,
        %add3A_769 = arith.constant 2 : i32
        %add3A_770 = arith.addi %mul3A_276, %add3A_769 : i32
        %get3A_771 = arith.constant 1 : i32
        %get3A_772 = arith.index_cast %get3A_771 : i32 to index
        %get3A_773 = arith.index_cast %add3A_770 : i32 to index
        %get3A_774 = arith.constant 48 : index
        %get3A_775 = tpu.vector_load %arg9[%get3A_772, %get3A_773, %get3A_774] {strides = array<i32>} : memref<2x80x128xf32, #tpu.memory_space<vmem>>, vector<1x1x16xf32>,
        %get3A_776 = vector.shape_cast %get3A_775 : vector<1x1x16xf32> to vector<16xf32>
        %add3A_777 = arith.constant 2 : i32
        %add3A_778 = arith.addi %mul3A_276, %add3A_777 : i32
        %get3A_779 = arith.constant 1 : i32
        %get3A_780 = arith.index_cast %get3A_779 : i32 to index
        %get3A_781 = arith.index_cast %add3A_778 : i32 to index
        %get3A_782 = arith.constant 48 : index
        %get3A_783 = tpu.vector_load %arg10[%get3A_780, %get3A_781, %get3A_782] {strides = array<i32>} : memref<2x80x128xf32, #tpu.memory_space<vmem>>, vector<1x1x16xf32>,
        %get3A_784 = vector.shape_cast %get3A_783 : vector<1x1x16xf32> to vector<16xf32>
        %mul3A_785 = arith.mulf %get3A_776, %get3A_784 : vector<16xf32>
        %add3A_786 = arith.constant 2 : i32
        %add3A_787 = arith.addi %mul3A_276, %add3A_786 : i32
        %swap3A_788 = arith.constant 1 : i32
        %swap3A_789 = arith.index_cast %swap3A_788 : i32 to index
        %swap3A_790 = arith.index_cast %add3A_787 : i32 to index
        %swap3A_791 = arith.constant 48 : index
        %swap3A_792 = tpu.vector_load %arg9[%swap3A_789, %swap3A_790, %swap3A_791] {strides = array<i32>} : memref<2x80x128xf32, #tpu.memory_space<vmem>>, vector<1x1x16xf32>,
        %swap3A_793 = vector.shape_cast %swap3A_792 : vector<1x1x16xf32> to vector<16xf32>
        %swap3A_794 = vector.shape_cast %mul3A_785 : vector<16xf32> to vector<1x1x16xf32>
        tpu.vector_store %arg9[%swap3A_789, %swap3A_790, %swap3A_791], %swap3A_794 {strides = array<i32>} : memref<2x80x128xf32, #tpu.memory_space<vmem>>, vector<1x1x16xf32>,
        %add3A_795 = arith.constant 2 : i32
        %add3A_796 = arith.addi %mul3A_276, %add3A_795 : i32
        %get3A_797 = arith.constant 1 : i32
        %get3A_798 = arith.index_cast %get3A_797 : i32 to index
        %get3A_799 = arith.index_cast %add3A_796 : i32 to index
        %get3A_800 = arith.constant 64 : index
        %get3A_801 = tpu.vector_load %arg9[%get3A_798, %get3A_799, %get3A_800] {strides = array<i32>} : memref<2x80x128xf32, #tpu.memory_space<vmem>>, vector<1x1x16xf32>,
        %get3A_802 = vector.shape_cast %get3A_801 : vector<1x1x16xf32> to vector<16xf32>
        %add3A_803 = arith.constant 2 : i32
        %add3A_804 = arith.addi %mul3A_276, %add3A_803 : i32
        %get3A_805 = arith.constant 1 : i32
        %get3A_806 = arith.index_cast %get3A_805 : i32 to index
        %get3A_807 = arith.index_cast %add3A_804 : i32 to index
        %get3A_808 = arith.constant 64 : index
        %get3A_809 = tpu.vector_load %arg10[%get3A_806, %get3A_807, %get3A_808] {strides = array<i32>} : memref<2x80x128xf32, #tpu.memory_space<vmem>>, vector<1x1x16xf32>,
        %get3A_810 = vector.shape_cast %get3A_809 : vector<1x1x16xf32> to vector<16xf32>
        %mul3A_811 = arith.mulf %get3A_802, %get3A_810 : vector<16xf32>
        %add3A_812 = arith.constant 2 : i32
        %add3A_813 = arith.addi %mul3A_276, %add3A_812 : i32
        %swap3A_814 = arith.constant 1 : i32
        %swap3A_815 = arith.index_cast %swap3A_814 : i32 to index
        %swap3A_816 = arith.index_cast %add3A_813 : i32 to index
        %swap3A_817 = arith.constant 64 : index
        %swap3A_818 = tpu.vector_load %arg9[%swap3A_815, %swap3A_816, %swap3A_817] {strides = array<i32>} : memref<2x80x128xf32, #tpu.memory_space<vmem>>, vector<1x1x16xf32>,
        %swap3A_819 = vector.shape_cast %swap3A_818 : vector<1x1x16xf32> to vector<16xf32>
        %swap3A_820 = vector.shape_cast %mul3A_811 : vector<16xf32> to vector<1x1x16xf32>
        tpu.vector_store %arg9[%swap3A_815, %swap3A_816, %swap3A_817], %swap3A_820 {strides = array<i32>} : memref<2x80x128xf32, #tpu.memory_space<vmem>>, vector<1x1x16xf32>,
        %add3A_821 = arith.constant 2 : i32
        %add3A_822 = arith.addi %mul3A_276, %add3A_821 : i32
        %get3A_823 = arith.constant 1 : i32
        %get3A_824 = arith.index_cast %get3A_823 : i32 to index
        %get3A_825 = arith.index_cast %add3A_822 : i32 to index
        %get3A_826 = arith.constant 80 : index
        %get3A_827 = tpu.vector_load %arg9[%get3A_824, %get3A_825, %get3A_826] {strides = array<i32>} : memref<2x80x128xf32, #tpu.memory_space<vmem>>, vector<1x1x16xf32>,
        %get3A_828 = vector.shape_cast %get3A_827 : vector<1x1x16xf32> to vector<16xf32>
        %add3A_829 = arith.constant 2 : i32
        %add3A_830 = arith.addi %mul3A_276, %add3A_829 : i32
        %get3A_831 = arith.constant 1 : i32
        %get3A_832 = arith.index_cast %get3A_831 : i32 to index
        %get3A_833 = arith.index_cast %add3A_830 : i32 to index
        %get3A_834 = arith.constant 80 : index
        %get3A_835 = tpu.vector_load %arg10[%get3A_832, %get3A_833, %get3A_834] {strides = array<i32>} : memref<2x80x128xf32, #tpu.memory_space<vmem>>, vector<1x1x16xf32>,
        %get3A_836 = vector.shape_cast %get3A_835 : vector<1x1x16xf32> to vector<16xf32>
        %mul3A_837 = arith.mulf %get3A_828, %get3A_836 : vector<16xf32>
        %add3A_838 = arith.constant 2 : i32
        %add3A_839 = arith.addi %mul3A_276, %add3A_838 : i32
        %swap3A_840 = arith.constant 1 : i32
        %swap3A_841 = arith.index_cast %swap3A_840 : i32 to index
        %swap3A_842 = arith.index_cast %add3A_839 : i32 to index
        %swap3A_843 = arith.constant 80 : index
        %swap3A_844 = tpu.vector_load %arg9[%swap3A_841, %swap3A_842, %swap3A_843] {strides = array<i32>} : memref<2x80x128xf32, #tpu.memory_space<vmem>>, vector<1x1x16xf32>,
        %swap3A_845 = vector.shape_cast %swap3A_844 : vector<1x1x16xf32> to vector<16xf32>
        %swap3A_846 = vector.shape_cast %mul3A_837 : vector<16xf32> to vector<1x1x16xf32>
        tpu.vector_store %arg9[%swap3A_841, %swap3A_842, %swap3A_843], %swap3A_846 {strides = array<i32>} : memref<2x80x128xf32, #tpu.memory_space<vmem>>, vector<1x1x16xf32>,
        %add3A_847 = arith.constant 2 : i32
        %add3A_848 = arith.addi %mul3A_276, %add3A_847 : i32
        %get3A_849 = arith.constant 1 : i32
        %get3A_850 = arith.index_cast %get3A_849 : i32 to index
        %get3A_851 = arith.index_cast %add3A_848 : i32 to index
        %get3A_852 = arith.constant 96 : index
        %get3A_853 = tpu.vector_load %arg9[%get3A_850, %get3A_851, %get3A_852] {strides = array<i32>} : memref<2x80x128xf32, #tpu.memory_space<vmem>>, vector<1x1x16xf32>,
        %get3A_854 = vector.shape_cast %get3A_853 : vector<1x1x16xf32> to vector<16xf32>
        %add3A_855 = arith.constant 2 : i32
        %add3A_856 = arith.addi %mul3A_276, %add3A_855 : i32
        %get3A_857 = arith.constant 1 : i32
        %get3A_858 = arith.index_cast %get3A_857 : i32 to index
        %get3A_859 = arith.index_cast %add3A_856 : i32 to index
        %get3A_860 = arith.constant 96 : index
        %get3A_861 = tpu.vector_load %arg10[%get3A_858, %get3A_859, %get3A_860] {strides = array<i32>} : memref<2x80x128xf32, #tpu.memory_space<vmem>>, vector<1x1x16xf32>,
        %get3A_862 = vector.shape_cast %get3A_861 : vector<1x1x16xf32> to vector<16xf32>
        %mul3A_863 = arith.mulf %get3A_854, %get3A_862 : vector<16xf32>
        %add3A_864 = arith.constant 2 : i32
        %add3A_865 = arith.addi %mul3A_276, %add3A_864 : i32
        %swap3A_866 = arith.constant 1 : i32
        %swap3A_867 = arith.index_cast %swap3A_866 : i32 to index
        %swap3A_868 = arith.index_cast %add3A_865 : i32 to index
        %swap3A_869 = arith.constant 96 : index
        %swap3A_870 = tpu.vector_load %arg9[%swap3A_867, %swap3A_868, %swap3A_869] {strides = array<i32>} : memref<2x80x128xf32, #tpu.memory_space<vmem>>, vector<1x1x16xf32>,
        %swap3A_871 = vector.shape_cast %swap3A_870 : vector<1x1x16xf32> to vector<16xf32>
        %swap3A_872 = vector.shape_cast %mul3A_863 : vector<16xf32> to vector<1x1x16xf32>
        tpu.vector_store %arg9[%swap3A_867, %swap3A_868, %swap3A_869], %swap3A_872 {strides = array<i32>} : memref<2x80x128xf32, #tpu.memory_space<vmem>>, vector<1x1x16xf32>,
        %add3A_873 = arith.constant 2 : i32
        %add3A_874 = arith.addi %mul3A_276, %add3A_873 : i32
        %get3A_875 = arith.constant 1 : i32
        %get3A_876 = arith.index_cast %get3A_875 : i32 to index
        %get3A_877 = arith.index_cast %add3A_874 : i32 to index
        %get3A_878 = arith.constant 112 : index
        %get3A_879 = tpu.vector_load %arg9[%get3A_876, %get3A_877, %get3A_878] {strides = array<i32>} : memref<2x80x128xf32, #tpu.memory_space<vmem>>, vector<1x1x16xf32>,
        %get3A_880 = vector.shape_cast %get3A_879 : vector<1x1x16xf32> to vector<16xf32>
        %add3A_881 = arith.constant 2 : i32
        %add3A_882 = arith.addi %mul3A_276, %add3A_881 : i32
        %get3A_883 = arith.constant 1 : i32
        %get3A_884 = arith.index_cast %get3A_883 : i32 to index
        %get3A_885 = arith.index_cast %add3A_882 : i32 to index
        %get3A_886 = arith.constant 112 : index
        %get3A_887 = tpu.vector_load %arg10[%get3A_884, %get3A_885, %get3A_886] {strides = array<i32>} : memref<2x80x128xf32, #tpu.memory_space<vmem>>, vector<1x1x16xf32>,
        %get3A_888 = vector.shape_cast %get3A_887 : vector<1x1x16xf32> to vector<16xf32>
        %mul3A_889 = arith.mulf %get3A_880, %get3A_888 : vector<16xf32>
        %add3A_890 = arith.constant 2 : i32
        %add3A_891 = arith.addi %mul3A_276, %add3A_890 : i32
        %swap3A_892 = arith.constant 1 : i32
        %swap3A_893 = arith.index_cast %swap3A_892 : i32 to index
        %swap3A_894 = arith.index_cast %add3A_891 : i32 to index
        %swap3A_895 = arith.constant 112 : index
        %swap3A_896 = tpu.vector_load %arg9[%swap3A_893, %swap3A_894, %swap3A_895] {strides = array<i32>} : memref<2x80x128xf32, #tpu.memory_space<vmem>>, vector<1x1x16xf32>,
        %swap3A_897 = vector.shape_cast %swap3A_896 : vector<1x1x16xf32> to vector<16xf32>
        %swap3A_898 = vector.shape_cast %mul3A_889 : vector<16xf32> to vector<1x1x16xf32>
        tpu.vector_store %arg9[%swap3A_893, %swap3A_894, %swap3A_895], %swap3A_898 {strides = array<i32>} : memref<2x80x128xf32, #tpu.memory_space<vmem>>, vector<1x1x16xf32>,
        %add3A_899 = arith.constant 3 : i32
        %add3A_900 = arith.addi %mul3A_276, %add3A_899 : i32
        %get3A_901 = arith.constant 1 : i32
        %get3A_902 = arith.index_cast %get3A_901 : i32 to index
        %get3A_903 = arith.index_cast %add3A_900 : i32 to index
        %get3A_904 = arith.constant 0 : index
        %get3A_905 = tpu.vector_load %arg9[%get3A_902, %get3A_903, %get3A_904] {strides = array<i32>} : memref<2x80x128xf32, #tpu.memory_space<vmem>>, vector<1x1x16xf32>,
        %get3A_906 = vector.shape_cast %get3A_905 : vector<1x1x16xf32> to vector<16xf32>
        %add3A_907 = arith.constant 3 : i32
        %add3A_908 = arith.addi %mul3A_276, %add3A_907 : i32
        %get3A_909 = arith.constant 1 : i32
        %get3A_910 = arith.index_cast %get3A_909 : i32 to index
        %get3A_911 = arith.index_cast %add3A_908 : i32 to index
        %get3A_912 = arith.constant 0 : index
        %get3A_913 = tpu.vector_load %arg10[%get3A_910, %get3A_911, %get3A_912] {strides = array<i32>} : memref<2x80x128xf32, #tpu.memory_space<vmem>>, vector<1x1x16xf32>,
        %get3A_914 = vector.shape_cast %get3A_913 : vector<1x1x16xf32> to vector<16xf32>
        %mul3A_915 = arith.mulf %get3A_906, %get3A_914 : vector<16xf32>
        %add3A_916 = arith.constant 3 : i32
        %add3A_917 = arith.addi %mul3A_276, %add3A_916 : i32
        %swap3A_918 = arith.constant 1 : i32
        %swap3A_919 = arith.index_cast %swap3A_918 : i32 to index
        %swap3A_920 = arith.index_cast %add3A_917 : i32 to index
        %swap3A_921 = arith.constant 0 : index
        %swap3A_922 = tpu.vector_load %arg9[%swap3A_919, %swap3A_920, %swap3A_921] {strides = array<i32>} : memref<2x80x128xf32, #tpu.memory_space<vmem>>, vector<1x1x16xf32>,
        %swap3A_923 = vector.shape_cast %swap3A_922 : vector<1x1x16xf32> to vector<16xf32>
        %swap3A_924 = vector.shape_cast %mul3A_915 : vector<16xf32> to vector<1x1x16xf32>
        tpu.vector_store %arg9[%swap3A_919, %swap3A_920, %swap3A_921], %swap3A_924 {strides = array<i32>} : memref<2x80x128xf32, #tpu.memory_space<vmem>>, vector<1x1x16xf32>,
        %add3A_925 = arith.constant 3 : i32
        %add3A_926 = arith.addi %mul3A_276, %add3A_925 : i32
        %get3A_927 = arith.constant 1 : i32
        %get3A_928 = arith.index_cast %get3A_927 : i32 to index
        %get3A_929 = arith.index_cast %add3A_926 : i32 to index
        %get3A_930 = arith.constant 16 : index
        %get3A_931 = tpu.vector_load %arg9[%get3A_928, %get3A_929, %get3A_930] {strides = array<i32>} : memref<2x80x128xf32, #tpu.memory_space<vmem>>, vector<1x1x16xf32>,
        %get3A_932 = vector.shape_cast %get3A_931 : vector<1x1x16xf32> to vector<16xf32>
        %add3A_933 = arith.constant 3 : i32
        %add3A_934 = arith.addi %mul3A_276, %add3A_933 : i32
        %get3A_935 = arith.constant 1 : i32
        %get3A_936 = arith.index_cast %get3A_935 : i32 to index
        %get3A_937 = arith.index_cast %add3A_934 : i32 to index
        %get3A_938 = arith.constant 16 : index
        %get3A_939 = tpu.vector_load %arg10[%get3A_936, %get3A_937, %get3A_938] {strides = array<i32>} : memref<2x80x128xf32, #tpu.memory_space<vmem>>, vector<1x1x16xf32>,
        %get3A_940 = vector.shape_cast %get3A_939 : vector<1x1x16xf32> to vector<16xf32>
        %mul3A_941 = arith.mulf %get3A_932, %get3A_940 : vector<16xf32>
        %add3A_942 = arith.constant 3 : i32
        %add3A_943 = arith.addi %mul3A_276, %add3A_942 : i32
        %swap3A_944 = arith.constant 1 : i32
        %swap3A_945 = arith.index_cast %swap3A_944 : i32 to index
        %swap3A_946 = arith.index_cast %add3A_943 : i32 to index
        %swap3A_947 = arith.constant 16 : index
        %swap3A_948 = tpu.vector_load %arg9[%swap3A_945, %swap3A_946, %swap3A_947] {strides = array<i32>} : memref<2x80x128xf32, #tpu.memory_space<vmem>>, vector<1x1x16xf32>,
        %swap3A_949 = vector.shape_cast %swap3A_948 : vector<1x1x16xf32> to vector<16xf32>
        %swap3A_950 = vector.shape_cast %mul3A_941 : vector<16xf32> to vector<1x1x16xf32>
        tpu.vector_store %arg9[%swap3A_945, %swap3A_946, %swap3A_947], %swap3A_950 {strides = array<i32>} : memref<2x80x128xf32, #tpu.memory_space<vmem>>, vector<1x1x16xf32>,
        %add3A_951 = arith.constant 3 : i32
        %add3A_952 = arith.addi %mul3A_276, %add3A_951 : i32
        %get3A_953 = arith.constant 1 : i32
        %get3A_954 = arith.index_cast %get3A_953 : i32 to index
        %get3A_955 = arith.index_cast %add3A_952 : i32 to index
        %get3A_956 = arith.constant 32 : index
        %get3A_957 = tpu.vector_load %arg9[%get3A_954, %get3A_955, %get3A_956] {strides = array<i32>} : memref<2x80x128xf32, #tpu.memory_space<vmem>>, vector<1x1x16xf32>,
        %get3A_958 = vector.shape_cast %get3A_957 : vector<1x1x16xf32> to vector<16xf32>
        %add3A_959 = arith.constant 3 : i32
        %add3A_960 = arith.addi %mul3A_276, %add3A_959 : i32
        %get3A_961 = arith.constant 1 : i32
        %get3A_962 = arith.index_cast %get3A_961 : i32 to index
        %get3A_963 = arith.index_cast %add3A_960 : i32 to index
        %get3A_964 = arith.constant 32 : index
        %get3A_965 = tpu.vector_load %arg10[%get3A_962, %get3A_963, %get3A_964] {strides = array<i32>} : memref<2x80x128xf32, #tpu.memory_space<vmem>>, vector<1x1x16xf32>,
        %get3A_966 = vector.shape_cast %get3A_965 : vector<1x1x16xf32> to vector<16xf32>
        %mul3A_967 = arith.mulf %get3A_958, %get3A_966 : vector<16xf32>
        %add3A_968 = arith.constant 3 : i32
        %add3A_969 = arith.addi %mul3A_276, %add3A_968 : i32
        %swap3A_970 = arith.constant 1 : i32
        %swap3A_971 = arith.index_cast %swap3A_970 : i32 to index
        %swap3A_972 = arith.index_cast %add3A_969 : i32 to index
        %swap3A_973 = arith.constant 32 : index
        %swap3A_974 = tpu.vector_load %arg9[%swap3A_971, %swap3A_972, %swap3A_973] {strides = array<i32>} : memref<2x80x128xf32, #tpu.memory_space<vmem>>, vector<1x1x16xf32>,
        %swap3A_975 = vector.shape_cast %swap3A_974 : vector<1x1x16xf32> to vector<16xf32>
        %swap3A_976 = vector.shape_cast %mul3A_967 : vector<16xf32> to vector<1x1x16xf32>
        tpu.vector_store %arg9[%swap3A_971, %swap3A_972, %swap3A_973], %swap3A_976 {strides = array<i32>} : memref<2x80x128xf32, #tpu.memory_space<vmem>>, vector<1x1x16xf32>,
        %add3A_977 = arith.constant 3 : i32
        %add3A_978 = arith.addi %mul3A_276, %add3A_977 : i32
        %get3A_979 = arith.constant 1 : i32
        %get3A_980 = arith.index_cast %get3A_979 : i32 to index
        %get3A_981 = arith.index_cast %add3A_978 : i32 to index
        %get3A_982 = arith.constant 48 : index
        %get3A_983 = tpu.vector_load %arg9[%get3A_980, %get3A_981, %get3A_982] {strides = array<i32>} : memref<2x80x128xf32, #tpu.memory_space<vmem>>, vector<1x1x16xf32>,
        %get3A_984 = vector.shape_cast %get3A_983 : vector<1x1x16xf32> to vector<16xf32>
        %add3A_985 = arith.constant 3 : i32
        %add3A_986 = arith.addi %mul3A_276, %add3A_985 : i32
        %get3A_987 = arith.constant 1 : i32
        %get3A_988 = arith.index_cast %get3A_987 : i32 to index
        %get3A_989 = arith.index_cast %add3A_986 : i32 to index
        %get3A_990 = arith.constant 48 : index
        %get3A_991 = tpu.vector_load %arg10[%get3A_988, %get3A_989, %get3A_990] {strides = array<i32>} : memref<2x80x128xf32, #tpu.memory_space<vmem>>, vector<1x1x16xf32>,
        %get3A_992 = vector.shape_cast %get3A_991 : vector<1x1x16xf32> to vector<16xf32>
        %mul3A_993 = arith.mulf %get3A_984, %get3A_992 : vector<16xf32>
        %add3A_994 = arith.constant 3 : i32
        %add3A_995 = arith.addi %mul3A_276, %add3A_994 : i32
        %swap3A_996 = arith.constant 1 : i32
        %swap3A_997 = arith.index_cast %swap3A_996 : i32 to index
        %swap3A_998 = arith.index_cast %add3A_995 : i32 to index
        %swap3A_999 = arith.constant 48 : index
        %swap3A_1000 = tpu.vector_load %arg9[%swap3A_997, %swap3A_998, %swap3A_999] {strides = array<i32>} : memref<2x80x128xf32, #tpu.memory_space<vmem>>, vector<1x1x16xf32>,
        %swap3A_1001 = vector.shape_cast %swap3A_1000 : vector<1x1x16xf32> to vector<16xf32>
        %swap3A_1002 = vector.shape_cast %mul3A_993 : vector<16xf32> to vector<1x1x16xf32>
        tpu.vector_store %arg9[%swap3A_997, %swap3A_998, %swap3A_999], %swap3A_1002 {strides = array<i32>} : memref<2x80x128xf32, #tpu.memory_space<vmem>>, vector<1x1x16xf32>,
        %add3A_1003 = arith.constant 3 : i32
        %add3A_1004 = arith.addi %mul3A_276, %add3A_1003 : i32
        %get3A_1005 = arith.constant 1 : i32
        %get3A_1006 = arith.index_cast %get3A_1005 : i32 to index
        %get3A_1007 = arith.index_cast %add3A_1004 : i32 to index
        %get3A_1008 = arith.constant 64 : index
        %get3A_1009 = tpu.vector_load %arg9[%get3A_1006, %get3A_1007, %get3A_1008] {strides = array<i32>} : memref<2x80x128xf32, #tpu.memory_space<vmem>>, vector<1x1x16xf32>,
        %get3A_1010 = vector.shape_cast %get3A_1009 : vector<1x1x16xf32> to vector<16xf32>
        %add3A_1011 = arith.constant 3 : i32
        %add3A_1012 = arith.addi %mul3A_276, %add3A_1011 : i32
        %get3A_1013 = arith.constant 1 : i32
        %get3A_1014 = arith.index_cast %get3A_1013 : i32 to index
        %get3A_1015 = arith.index_cast %add3A_1012 : i32 to index
        %get3A_1016 = arith.constant 64 : index
        %get3A_1017 = tpu.vector_load %arg10[%get3A_1014, %get3A_1015, %get3A_1016] {strides = array<i32>} : memref<2x80x128xf32, #tpu.memory_space<vmem>>, vector<1x1x16xf32>,
        %get3A_1018 = vector.shape_cast %get3A_1017 : vector<1x1x16xf32> to vector<16xf32>
        %mul3A_1019 = arith.mulf %get3A_1010, %get3A_1018 : vector<16xf32>
        %add3A_1020 = arith.constant 3 : i32
        %add3A_1021 = arith.addi %mul3A_276, %add3A_1020 : i32
        %swap3A_1022 = arith.constant 1 : i32
        %swap3A_1023 = arith.index_cast %swap3A_1022 : i32 to index
        %swap3A_1024 = arith.index_cast %add3A_1021 : i32 to index
        %swap3A_1025 = arith.constant 64 : index
        %swap3A_1026 = tpu.vector_load %arg9[%swap3A_1023, %swap3A_1024, %swap3A_1025] {strides = array<i32>} : memref<2x80x128xf32, #tpu.memory_space<vmem>>, vector<1x1x16xf32>,
        %swap3A_1027 = vector.shape_cast %swap3A_1026 : vector<1x1x16xf32> to vector<16xf32>
        %swap3A_1028 = vector.shape_cast %mul3A_1019 : vector<16xf32> to vector<1x1x16xf32>
        tpu.vector_store %arg9[%swap3A_1023, %swap3A_1024, %swap3A_1025], %swap3A_1028 {strides = array<i32>} : memref<2x80x128xf32, #tpu.memory_space<vmem>>, vector<1x1x16xf32>,
        %add3A_1029 = arith.constant 3 : i32
        %add3A_1030 = arith.addi %mul3A_276, %add3A_1029 : i32
        %get3A_1031 = arith.constant 1 : i32
        %get3A_1032 = arith.index_cast %get3A_1031 : i32 to index
        %get3A_1033 = arith.index_cast %add3A_1030 : i32 to index
        %get3A_1034 = arith.constant 80 : index
        %get3A_1035 = tpu.vector_load %arg9[%get3A_1032, %get3A_1033, %get3A_1034] {strides = array<i32>} : memref<2x80x128xf32, #tpu.memory_space<vmem>>, vector<1x1x16xf32>,
        %get3A_1036 = vector.shape_cast %get3A_1035 : vector<1x1x16xf32> to vector<16xf32>
        %add3A_1037 = arith.constant 3 : i32
        %add3A_1038 = arith.addi %mul3A_276, %add3A_1037 : i32
        %get3A_1039 = arith.constant 1 : i32
        %get3A_1040 = arith.index_cast %get3A_1039 : i32 to index
        %get3A_1041 = arith.index_cast %add3A_1038 : i32 to index
        %get3A_1042 = arith.constant 80 : index
        %get3A_1043 = tpu.vector_load %arg10[%get3A_1040, %get3A_1041, %get3A_1042] {strides = array<i32>} : memref<2x80x128xf32, #tpu.memory_space<vmem>>, vector<1x1x16xf32>,
        %get3A_1044 = vector.shape_cast %get3A_1043 : vector<1x1x16xf32> to vector<16xf32>
        %mul3A_1045 = arith.mulf %get3A_1036, %get3A_1044 : vector<16xf32>
        %add3A_1046 = arith.constant 3 : i32
        %add3A_1047 = arith.addi %mul3A_276, %add3A_1046 : i32
        %swap3A_1048 = arith.constant 1 : i32
        %swap3A_1049 = arith.index_cast %swap3A_1048 : i32 to index
        %swap3A_1050 = arith.index_cast %add3A_1047 : i32 to index
        %swap3A_1051 = arith.constant 80 : index
        %swap3A_1052 = tpu.vector_load %arg9[%swap3A_1049, %swap3A_1050, %swap3A_1051] {strides = array<i32>} : memref<2x80x128xf32, #tpu.memory_space<vmem>>, vector<1x1x16xf32>,
        %swap3A_1053 = vector.shape_cast %swap3A_1052 : vector<1x1x16xf32> to vector<16xf32>
        %swap3A_1054 = vector.shape_cast %mul3A_1045 : vector<16xf32> to vector<1x1x16xf32>
        tpu.vector_store %arg9[%swap3A_1049, %swap3A_1050, %swap3A_1051], %swap3A_1054 {strides = array<i32>} : memref<2x80x128xf32, #tpu.memory_space<vmem>>, vector<1x1x16xf32>,
        %add3A_1055 = arith.constant 3 : i32
        %add3A_1056 = arith.addi %mul3A_276, %add3A_1055 : i32
        %get3A_1057 = arith.constant 1 : i32
        %get3A_1058 = arith.index_cast %get3A_1057 : i32 to index
        %get3A_1059 = arith.index_cast %add3A_1056 : i32 to index
        %get3A_1060 = arith.constant 96 : index
        %get3A_1061 = tpu.vector_load %arg9[%get3A_1058, %get3A_1059, %get3A_1060] {strides = array<i32>} : memref<2x80x128xf32, #tpu.memory_space<vmem>>, vector<1x1x16xf32>,
        %get3A_1062 = vector.shape_cast %get3A_1061 : vector<1x1x16xf32> to vector<16xf32>
        %add3A_1063 = arith.constant 3 : i32
        %add3A_1064 = arith.addi %mul3A_276, %add3A_1063 : i32
        %get3A_1065 = arith.constant 1 : i32
        %get3A_1066 = arith.index_cast %get3A_1065 : i32 to index
        %get3A_1067 = arith.index_cast %add3A_1064 : i32 to index
        %get3A_1068 = arith.constant 96 : index
        %get3A_1069 = tpu.vector_load %arg10[%get3A_1066, %get3A_1067, %get3A_1068] {strides = array<i32>} : memref<2x80x128xf32, #tpu.memory_space<vmem>>, vector<1x1x16xf32>,
        %get3A_1070 = vector.shape_cast %get3A_1069 : vector<1x1x16xf32> to vector<16xf32>
        %mul3A_1071 = arith.mulf %get3A_1062, %get3A_1070 : vector<16xf32>
        %add3A_1072 = arith.constant 3 : i32
        %add3A_1073 = arith.addi %mul3A_276, %add3A_1072 : i32
        %swap3A_1074 = arith.constant 1 : i32
        %swap3A_1075 = arith.index_cast %swap3A_1074 : i32 to index
        %swap3A_1076 = arith.index_cast %add3A_1073 : i32 to index
        %swap3A_1077 = arith.constant 96 : index
        %swap3A_1078 = tpu.vector_load %arg9[%swap3A_1075, %swap3A_1076, %swap3A_1077] {strides = array<i32>} : memref<2x80x128xf32, #tpu.memory_space<vmem>>, vector<1x1x16xf32>,
        %swap3A_1079 = vector.shape_cast %swap3A_1078 : vector<1x1x16xf32> to vector<16xf32>
        %swap3A_1080 = vector.shape_cast %mul3A_1071 : vector<16xf32> to vector<1x1x16xf32>
        tpu.vector_store %arg9[%swap3A_1075, %swap3A_1076, %swap3A_1077], %swap3A_1080 {strides = array<i32>} : memref<2x80x128xf32, #tpu.memory_space<vmem>>, vector<1x1x16xf32>,
        %add3A_1081 = arith.constant 3 : i32
        %add3A_1082 = arith.addi %mul3A_276, %add3A_1081 : i32
        %get3A_1083 = arith.constant 1 : i32
        %get3A_1084 = arith.index_cast %get3A_1083 : i32 to index
        %get3A_1085 = arith.index_cast %add3A_1082 : i32 to index
        %get3A_1086 = arith.constant 112 : index
        %get3A_1087 = tpu.vector_load %arg9[%get3A_1084, %get3A_1085, %get3A_1086] {strides = array<i32>} : memref<2x80x128xf32, #tpu.memory_space<vmem>>, vector<1x1x16xf32>,
        %get3A_1088 = vector.shape_cast %get3A_1087 : vector<1x1x16xf32> to vector<16xf32>
        %add3A_1089 = arith.constant 3 : i32
        %add3A_1090 = arith.addi %mul3A_276, %add3A_1089 : i32
        %get3A_1091 = arith.constant 1 : i32
        %get3A_1092 = arith.index_cast %get3A_1091 : i32 to index
        %get3A_1093 = arith.index_cast %add3A_1090 : i32 to index
        %get3A_1094 = arith.constant 112 : index
        %get3A_1095 = tpu.vector_load %arg10[%get3A_1092, %get3A_1093, %get3A_1094] {strides = array<i32>} : memref<2x80x128xf32, #tpu.memory_space<vmem>>, vector<1x1x16xf32>,
        %get3A_1096 = vector.shape_cast %get3A_1095 : vector<1x1x16xf32> to vector<16xf32>
        %mul3A_1097 = arith.mulf %get3A_1088, %get3A_1096 : vector<16xf32>
        %add3A_1098 = arith.constant 3 : i32
        %add3A_1099 = arith.addi %mul3A_276, %add3A_1098 : i32
        %swap3A_1100 = arith.constant 1 : i32
        %swap3A_1101 = arith.index_cast %swap3A_1100 : i32 to index
        %swap3A_1102 = arith.index_cast %add3A_1099 : i32 to index
        %swap3A_1103 = arith.constant 112 : index
        %swap3A_1104 = tpu.vector_load %arg9[%swap3A_1101, %swap3A_1102, %swap3A_1103] {strides = array<i32>} : memref<2x80x128xf32, #tpu.memory_space<vmem>>, vector<1x1x16xf32>,
        %swap3A_1105 = vector.shape_cast %swap3A_1104 : vector<1x1x16xf32> to vector<16xf32>
        %swap3A_1106 = vector.shape_cast %mul3A_1097 : vector<16xf32> to vector<1x1x16xf32>
        tpu.vector_store %arg9[%swap3A_1101, %swap3A_1102, %swap3A_1103], %swap3A_1106 {strides = array<i32>} : memref<2x80x128xf32, #tpu.memory_space<vmem>>, vector<1x1x16xf32>,
      }
      %scan3A_264 = arith.constant 20 : i32
      %run_scoped3A_265 = arith.constant 1 : i32
      %run_scoped3A_266 = arith.constant 1 : i32
      "tpu.region"() ({
        %run_scoped3A_274 = tpu.sem_alloc : memref<!tpu.dma_semaphore, #tpu.memory_space<semaphore_mem>>
        %dma_start3A_275 = arith.constant 0 : i32
        %dma_start3A_276 = arith.constant 0 : i32
        %dma_start3A_277 = tpu.memref_slice %arg9[%run_scoped3A_265, %dma_start3A_275, %dma_start3A_276] : memref<2x80x128xf32, #tpu.memory_space<vmem>> -> memref<1x80x128xf32, #tpu.memory_space<vmem>>
        %dma_start3A_278 = tpu.memref_squeeze %dma_start3A_277 : memref<1x80x128xf32, #tpu.memory_space<vmem>> -> memref<80x128xf32, #tpu.memory_space<vmem>>
        %dma_start3A_279 = arith.constant 0 : i32
        %dma_start3A_280 = tpu.memref_slice %arg8[%run_scoped3A_266, %dma_start3A_279] : memref<2x80xi32, #tpu.memory_space<vmem>> -> memref<1x80xi32, #tpu.memory_space<vmem>>
        %dma_start3A_281 = tpu.memref_squeeze %dma_start3A_280 : memref<1x80xi32, #tpu.memory_space<vmem>> -> memref<80xi32, #tpu.memory_space<vmem>>
        %dma_start3A_282 = arith.constant 0 : i32
        %dma_start3A_283 = arith.constant 0 : i32
        %dma_start3A_284 = tpu.memref_slice %arg11[%dma_start3A_282, %dma_start3A_283] : memref<10240x128xf32, #tpu.memory_space<vmem_shared>> -> memref<10240x128xf32, #tpu.memory_space<vmem_shared>>
        tpu.enqueue_indirect_dma source(%dma_start3A_278 : memref<80x128xf32, #tpu.memory_space<vmem>>) target(%dma_start3A_284 : memref<10240x128xf32, #tpu.memory_space<vmem_shared>>) offsets(%dma_start3A_281 : memref<80xi32, #tpu.memory_space<vmem>>) semaphore(%run_scoped3A_274 : memref<!tpu.dma_semaphore, #tpu.memory_space<semaphore_mem>>) {add = true}
        %dma_wait3A_285 = arith.constant 0 : i32
        %dma_wait3A_286 = arith.constant 0 : i32
        %dma_wait3A_287 = tpu.memref_slice %arg9[%run_scoped3A_265, %dma_wait3A_285, %dma_wait3A_286] : memref<2x80x128xf32, #tpu.memory_space<vmem>> -> memref<1x80x128xf32, #tpu.memory_space<vmem>>
        %dma_wait3A_288 = tpu.memref_squeeze %dma_wait3A_287 : memref<1x80x128xf32, #tpu.memory_space<vmem>> -> memref<80x128xf32, #tpu.memory_space<vmem>>
        %dma_wait3A_289 = arith.constant 0 : i32
        %dma_wait3A_290 = tpu.memref_slice %arg8[%run_scoped3A_266, %dma_wait3A_289] : memref<2x80xi32, #tpu.memory_space<vmem>> -> memref<1x80xi32, #tpu.memory_space<vmem>>
        %dma_wait3A_291 = tpu.memref_squeeze %dma_wait3A_290 : memref<1x80xi32, #tpu.memory_space<vmem>> -> memref<80xi32, #tpu.memory_space<vmem>>
        %dma_wait3A_292 = arith.constant 0 : i32
        %dma_wait3A_293 = arith.constant 0 : i32
        %dma_wait3A_294 = tpu.memref_slice %arg11[%dma_wait3A_292, %dma_wait3A_293] : memref<10240x128xf32, #tpu.memory_space<vmem_shared>> -> memref<10240x128xf32, #tpu.memory_space<vmem_shared>>
        tpu.wait_indirect_dma semaphore(%run_scoped3A_274 : memref<!tpu.dma_semaphore, #tpu.memory_space<semaphore_mem>>) src(%dma_wait3A_288 : memref<80x128xf32, #tpu.memory_space<vmem>>) dst(%dma_wait3A_294 : memref<10240x128xf32, #tpu.memory_space<vmem_shared>>)
        tpu.yield
      }) : () -> ()
      %add3A_267 = arith.constant 2 : i32
      %add3A_268 = arith.addi %add3A_239, %add3A_267 : i32
      %lt3A_269 = arith.constant 126 : i32
      %lt3A_270 = arith.cmpi slt, %add3A_268, %lt3A_269 : i32
      %convert_element_type3A_271 = arith.extui %lt3A_270 : i1 to i32
      %cond3A_272 = arith.constant 0 : i32
      %cond3A_273 = arith.cmpi ne, %convert_element_type3A_271, %cond3A_272 : i32
      scf.if %cond3A_273 {
        %add3A_274 = arith.constant 2 : i32
        %add3A_275 = arith.addi %add3A_239, %add3A_274 : i32
        %mul3A_276 = arith.constant 32 : i32
        %mul3A_277 = arith.muli %add3A_275, %mul3A_276 : i32
        %add3A_278 = arith.addi %mul3A_277, %add3A : i32
        %mul3A_279 = arith.constant 80 : i32
        %mul3A_280 = arith.muli %add3A_278, %mul3A_279 : i32
        %dma_start3A_281 = arith.constant 1 : i32
        %dma_start3A_282 = arith.constant 0 : i32
        %dma_start3A_283 = tpu.memref_slice %arg7[%dma_start3A_281, %dma_start3A_282] : memref<2x80xi32, #tpu.memory_space<vmem>> -> memref<1x80xi32, #tpu.memory_space<vmem>>
        %dma_start3A_284 = tpu.memref_squeeze %dma_start3A_283 : memref<1x80xi32, #tpu.memory_space<vmem>> -> memref<80xi32, #tpu.memory_space<vmem>>
        %dma_start3A_285 = tpu.memref_slice %arg4[%mul3A_280] : memref<322560xi32, #tpu.memory_space<hbm>> -> memref<80xi32, #tpu.memory_space<hbm>>
        %dma_start3A_286 = arith.constant 0 : i32
        %dma_start3A_287 = tpu.memref_slice %arg7[%dma_start3A_281, %dma_start3A_286] : memref<2x80xi32, #tpu.memory_space<vmem>> -> memref<1x80xi32, #tpu.memory_space<vmem>>
        %dma_start3A_288 = tpu.memref_squeeze %dma_start3A_287 : memref<1x80xi32, #tpu.memory_space<vmem>> -> memref<80xi32, #tpu.memory_space<vmem>>
        %dma_start3A_289 = tpu.memref_slice %arg4[%mul3A_280] : memref<322560xi32, #tpu.memory_space<hbm>> -> memref<80xi32, #tpu.memory_space<hbm>>
        tpu.enqueue_dma source(%dma_start3A_289 : memref<80xi32, #tpu.memory_space<hbm>>) target(%dma_start3A_288 : memref<80xi32, #tpu.memory_space<vmem>>) target_semaphore(%arg13 : memref<!tpu.dma_semaphore, #tpu.memory_space<semaphore_mem>>)
        %dma_start3A_290 = arith.constant 1 : i32
        %dma_start3A_291 = arith.constant 0 : i32
        %dma_start3A_292 = tpu.memref_slice %arg8[%dma_start3A_290, %dma_start3A_291] : memref<2x80xi32, #tpu.memory_space<vmem>> -> memref<1x80xi32, #tpu.memory_space<vmem>>
        %dma_start3A_293 = tpu.memref_squeeze %dma_start3A_292 : memref<1x80xi32, #tpu.memory_space<vmem>> -> memref<80xi32, #tpu.memory_space<vmem>>
        %dma_start3A_294 = tpu.memref_slice %arg5[%mul3A_280] : memref<322560xi32, #tpu.memory_space<hbm>> -> memref<80xi32, #tpu.memory_space<hbm>>
        %dma_start3A_295 = arith.constant 0 : i32
        %dma_start3A_296 = tpu.memref_slice %arg8[%dma_start3A_290, %dma_start3A_295] : memref<2x80xi32, #tpu.memory_space<vmem>> -> memref<1x80xi32, #tpu.memory_space<vmem>>
        %dma_start3A_297 = tpu.memref_squeeze %dma_start3A_296 : memref<1x80xi32, #tpu.memory_space<vmem>> -> memref<80xi32, #tpu.memory_space<vmem>>
        %dma_start3A_298 = tpu.memref_slice %arg5[%mul3A_280] : memref<322560xi32, #tpu.memory_space<hbm>> -> memref<80xi32, #tpu.memory_space<hbm>>
        tpu.enqueue_dma source(%dma_start3A_298 : memref<80xi32, #tpu.memory_space<hbm>>) target(%dma_start3A_297 : memref<80xi32, #tpu.memory_space<vmem>>) target_semaphore(%arg13 : memref<!tpu.dma_semaphore, #tpu.memory_space<semaphore_mem>>)
        %dma_start3A_299 = arith.constant 1 : i32
        %dma_start3A_300 = arith.constant 0 : i32
        %dma_start3A_301 = arith.constant 0 : i32
        %dma_start3A_302 = tpu.memref_slice %arg10[%dma_start3A_299, %dma_start3A_300, %dma_start3A_301] : memref<2x80x128xf32, #tpu.memory_space<vmem>> -> memref<1x80x128xf32, #tpu.memory_space<vmem>>
        %dma_start3A_303 = tpu.memref_squeeze %dma_start3A_302 : memref<1x80x128xf32, #tpu.memory_space<vmem>> -> memref<80x128xf32, #tpu.memory_space<vmem>>
        %dma_start3A_304 = arith.constant 0 : i32
        %dma_start3A_305 = tpu.memref_slice %arg3[%mul3A_280, %dma_start3A_304] : memref<322560x128xf32, #tpu.memory_space<hbm>> -> memref<80x128xf32, #tpu.memory_space<hbm>>
        %dma_start3A_306 = arith.constant 0 : i32
        %dma_start3A_307 = arith.constant 0 : i32
        %dma_start3A_308 = tpu.memref_slice %arg10[%dma_start3A_299, %dma_start3A_306, %dma_start3A_307] : memref<2x80x128xf32, #tpu.memory_space<vmem>> -> memref<1x80x128xf32, #tpu.memory_space<vmem>>
        %dma_start3A_309 = tpu.memref_squeeze %dma_start3A_308 : memref<1x80x128xf32, #tpu.memory_space<vmem>> -> memref<80x128xf32, #tpu.memory_space<vmem>>
        %dma_start3A_310 = arith.constant 0 : i32
        %dma_start3A_311 = tpu.memref_slice %arg3[%mul3A_280, %dma_start3A_310] : memref<322560x128xf32, #tpu.memory_space<hbm>> -> memref<80x128xf32, #tpu.memory_space<hbm>>
        tpu.enqueue_dma source(%dma_start3A_311 : memref<80x128xf32, #tpu.memory_space<hbm>>) target(%dma_start3A_309 : memref<80x128xf32, #tpu.memory_space<vmem>>) target_semaphore(%arg13 : memref<!tpu.dma_semaphore, #tpu.memory_space<semaphore_mem>>)
      } else {
      }
    }
    %scan3A_166 = arith.constant 63 : i32
    %barrier3A_167 = arith.constant 0 : index
    tpu.barrier barrier_id(%barrier3A_167)
    %mul3A_168 = arith.constant 640 : i32
    %mul3A_169 = arith.muli %arg1, %mul3A_168 : i32
    %add3A_170 = arith.constant 0 : i32
    %add3A_171 = arith.addi %mul3A_169, %add3A_170 : i32
    "tpu.region"() ({
      %run_scoped3A_200 = tpu.sem_alloc : memref<!tpu.dma_semaphore, #tpu.memory_space<semaphore_mem>>
      %dma_start3A_201 = arith.constant 0 : i32
      %dma_start3A_202 = tpu.memref_slice %arg6[%arg0, %add3A_171, %dma_start3A_201] : memref<2x10240x128xf32, #tpu.memory_space<hbm>> -> memref<1x80x128xf32, #tpu.memory_space<hbm>>
      %dma_start3A_203 = tpu.memref_squeeze %dma_start3A_202 : memref<1x80x128xf32, #tpu.memory_space<hbm>> -> memref<80x128xf32, #tpu.memory_space<hbm>>
      %dma_start3A_204 = arith.constant 0 : i32
      %dma_start3A_205 = tpu.memref_slice %arg11[%add3A_171, %dma_start3A_204] : memref<10240x128xf32, #tpu.memory_space<vmem_shared>> -> memref<80x128xf32, #tpu.memory_space<vmem_shared>>
      tpu.enqueue_dma source(%dma_start3A_205 : memref<80x128xf32, #tpu.memory_space<vmem_shared>>) target(%dma_start3A_203 : memref<80x128xf32, #tpu.memory_space<hbm>>) target_semaphore(%run_scoped3A_200 : memref<!tpu.dma_semaphore, #tpu.memory_space<semaphore_mem>>)
      %dma_wait3A_206 = arith.constant 0 : i32
      %dma_wait3A_207 = tpu.memref_slice %arg6[%arg0, %add3A_171, %dma_wait3A_206] : memref<2x10240x128xf32, #tpu.memory_space<hbm>> -> memref<1x80x128xf32, #tpu.memory_space<hbm>>
      %dma_wait3A_208 = tpu.memref_squeeze %dma_wait3A_207 : memref<1x80x128xf32, #tpu.memory_space<hbm>> -> memref<80x128xf32, #tpu.memory_space<hbm>>
      %dma_wait3A_209 = arith.constant 0 : i32
      %dma_wait3A_210 = tpu.memref_slice %arg11[%add3A_171, %dma_wait3A_209] : memref<10240x128xf32, #tpu.memory_space<vmem_shared>> -> memref<80x128xf32, #tpu.memory_space<vmem_shared>>
      tpu.wait_dma2 semaphore(%run_scoped3A_200 : memref<!tpu.dma_semaphore, #tpu.memory_space<semaphore_mem>>) src(%dma_wait3A_210 : memref<80x128xf32, #tpu.memory_space<vmem_shared>>) dst(%dma_wait3A_208 : memref<80x128xf32, #tpu.memory_space<hbm>>)
      tpu.yield
    }) : () -> ()
    %mul3A_172 = arith.constant 640 : i32
    %mul3A_173 = arith.muli %arg1, %mul3A_172 : i32
    %add3A_174 = arith.constant 80 : i32
    %add3A_175 = arith.addi %mul3A_173, %add3A_174 : i32
    "tpu.region"() ({
      %run_scoped3A_200 = tpu.sem_alloc : memref<!tpu.dma_semaphore, #tpu.memory_space<semaphore_mem>>
      %dma_start3A_201 = arith.constant 0 : i32
      %dma_start3A_202 = tpu.memref_slice %arg6[%arg0, %add3A_175, %dma_start3A_201] : memref<2x10240x128xf32, #tpu.memory_space<hbm>> -> memref<1x80x128xf32, #tpu.memory_space<hbm>>
      %dma_start3A_203 = tpu.memref_squeeze %dma_start3A_202 : memref<1x80x128xf32, #tpu.memory_space<hbm>> -> memref<80x128xf32, #tpu.memory_space<hbm>>
      %dma_start3A_204 = arith.constant 0 : i32
      %dma_start3A_205 = tpu.memref_slice %arg11[%add3A_175, %dma_start3A_204] : memref<10240x128xf32, #tpu.memory_space<vmem_shared>> -> memref<80x128xf32, #tpu.memory_space<vmem_shared>>
      tpu.enqueue_dma source(%dma_start3A_205 : memref<80x128xf32, #tpu.memory_space<vmem_shared>>) target(%dma_start3A_203 : memref<80x128xf32, #tpu.memory_space<hbm>>) target_semaphore(%run_scoped3A_200 : memref<!tpu.dma_semaphore, #tpu.memory_space<semaphore_mem>>)
      %dma_wait3A_206 = arith.constant 0 : i32
      %dma_wait3A_207 = tpu.memref_slice %arg6[%arg0, %add3A_175, %dma_wait3A_206] : memref<2x10240x128xf32, #tpu.memory_space<hbm>> -> memref<1x80x128xf32, #tpu.memory_space<hbm>>
      %dma_wait3A_208 = tpu.memref_squeeze %dma_wait3A_207 : memref<1x80x128xf32, #tpu.memory_space<hbm>> -> memref<80x128xf32, #tpu.memory_space<hbm>>
      %dma_wait3A_209 = arith.constant 0 : i32
      %dma_wait3A_210 = tpu.memref_slice %arg11[%add3A_175, %dma_wait3A_209] : memref<10240x128xf32, #tpu.memory_space<vmem_shared>> -> memref<80x128xf32, #tpu.memory_space<vmem_shared>>
      tpu.wait_dma2 semaphore(%run_scoped3A_200 : memref<!tpu.dma_semaphore, #tpu.memory_space<semaphore_mem>>) src(%dma_wait3A_210 : memref<80x128xf32, #tpu.memory_space<vmem_shared>>) dst(%dma_wait3A_208 : memref<80x128xf32, #tpu.memory_space<hbm>>)
      tpu.yield
    }) : () -> ()
    %mul3A_176 = arith.constant 640 : i32
    %mul3A_177 = arith.muli %arg1, %mul3A_176 : i32
    %add3A_178 = arith.constant 160 : i32
    %add3A_179 = arith.addi %mul3A_177, %add3A_178 : i32
    "tpu.region"() ({
      %run_scoped3A_200 = tpu.sem_alloc : memref<!tpu.dma_semaphore, #tpu.memory_space<semaphore_mem>>
      %dma_start3A_201 = arith.constant 0 : i32
      %dma_start3A_202 = tpu.memref_slice %arg6[%arg0, %add3A_179, %dma_start3A_201] : memref<2x10240x128xf32, #tpu.memory_space<hbm>> -> memref<1x80x128xf32, #tpu.memory_space<hbm>>
      %dma_start3A_203 = tpu.memref_squeeze %dma_start3A_202 : memref<1x80x128xf32, #tpu.memory_space<hbm>> -> memref<80x128xf32, #tpu.memory_space<hbm>>
      %dma_start3A_204 = arith.constant 0 : i32
      %dma_start3A_205 = tpu.memref_slice %arg11[%add3A_179, %dma_start3A_204] : memref<10240x128xf32, #tpu.memory_space<vmem_shared>> -> memref<80x128xf32, #tpu.memory_space<vmem_shared>>
      tpu.enqueue_dma source(%dma_start3A_205 : memref<80x128xf32, #tpu.memory_space<vmem_shared>>) target(%dma_start3A_203 : memref<80x128xf32, #tpu.memory_space<hbm>>) target_semaphore(%run_scoped3A_200 : memref<!tpu.dma_semaphore, #tpu.memory_space<semaphore_mem>>)
      %dma_wait3A_206 = arith.constant 0 : i32
      %dma_wait3A_207 = tpu.memref_slice %arg6[%arg0, %add3A_179, %dma_wait3A_206] : memref<2x10240x128xf32, #tpu.memory_space<hbm>> -> memref<1x80x128xf32, #tpu.memory_space<hbm>>
      %dma_wait3A_208 = tpu.memref_squeeze %dma_wait3A_207 : memref<1x80x128xf32, #tpu.memory_space<hbm>> -> memref<80x128xf32, #tpu.memory_space<hbm>>
      %dma_wait3A_209 = arith.constant 0 : i32
      %dma_wait3A_210 = tpu.memref_slice %arg11[%add3A_179, %dma_wait3A_209] : memref<10240x128xf32, #tpu.memory_space<vmem_shared>> -> memref<80x128xf32, #tpu.memory_space<vmem_shared>>
      tpu.wait_dma2 semaphore(%run_scoped3A_200 : memref<!tpu.dma_semaphore, #tpu.memory_space<semaphore_mem>>) src(%dma_wait3A_210 : memref<80x128xf32, #tpu.memory_space<vmem_shared>>) dst(%dma_wait3A_208 : memref<80x128xf32, #tpu.memory_space<hbm>>)
      tpu.yield
    }) : () -> ()
    %mul3A_180 = arith.constant 640 : i32
    %mul3A_181 = arith.muli %arg1, %mul3A_180 : i32
    %add3A_182 = arith.constant 240 : i32
    %add3A_183 = arith.addi %mul3A_181, %add3A_182 : i32
    "tpu.region"() ({
      %run_scoped3A_200 = tpu.sem_alloc : memref<!tpu.dma_semaphore, #tpu.memory_space<semaphore_mem>>
      %dma_start3A_201 = arith.constant 0 : i32
      %dma_start3A_202 = tpu.memref_slice %arg6[%arg0, %add3A_183, %dma_start3A_201] : memref<2x10240x128xf32, #tpu.memory_space<hbm>> -> memref<1x80x128xf32, #tpu.memory_space<hbm>>
      %dma_start3A_203 = tpu.memref_squeeze %dma_start3A_202 : memref<1x80x128xf32, #tpu.memory_space<hbm>> -> memref<80x128xf32, #tpu.memory_space<hbm>>
      %dma_start3A_204 = arith.constant 0 : i32
      %dma_start3A_205 = tpu.memref_slice %arg11[%add3A_183, %dma_start3A_204] : memref<10240x128xf32, #tpu.memory_space<vmem_shared>> -> memref<80x128xf32, #tpu.memory_space<vmem_shared>>
      tpu.enqueue_dma source(%dma_start3A_205 : memref<80x128xf32, #tpu.memory_space<vmem_shared>>) target(%dma_start3A_203 : memref<80x128xf32, #tpu.memory_space<hbm>>) target_semaphore(%run_scoped3A_200 : memref<!tpu.dma_semaphore, #tpu.memory_space<semaphore_mem>>)
      %dma_wait3A_206 = arith.constant 0 : i32
      %dma_wait3A_207 = tpu.memref_slice %arg6[%arg0, %add3A_183, %dma_wait3A_206] : memref<2x10240x128xf32, #tpu.memory_space<hbm>> -> memref<1x80x128xf32, #tpu.memory_space<hbm>>
      %dma_wait3A_208 = tpu.memref_squeeze %dma_wait3A_207 : memref<1x80x128xf32, #tpu.memory_space<hbm>> -> memref<80x128xf32, #tpu.memory_space<hbm>>
      %dma_wait3A_209 = arith.constant 0 : i32
      %dma_wait3A_210 = tpu.memref_slice %arg11[%add3A_183, %dma_wait3A_209] : memref<10240x128xf32, #tpu.memory_space<vmem_shared>> -> memref<80x128xf32, #tpu.memory_space<vmem_shared>>
      tpu.wait_dma2 semaphore(%run_scoped3A_200 : memref<!tpu.dma_semaphore, #tpu.memory_space<semaphore_mem>>) src(%dma_wait3A_210 : memref<80x128xf32, #tpu.memory_space<vmem_shared>>) dst(%dma_wait3A_208 : memref<80x128xf32, #tpu.memory_space<hbm>>)
      tpu.yield
    }) : () -> ()
    %mul3A_184 = arith.constant 640 : i32
    %mul3A_185 = arith.muli %arg1, %mul3A_184 : i32
    %add3A_186 = arith.constant 320 : i32
    %add3A_187 = arith.addi %mul3A_185, %add3A_186 : i32
    "tpu.region"() ({
      %run_scoped3A_200 = tpu.sem_alloc : memref<!tpu.dma_semaphore, #tpu.memory_space<semaphore_mem>>
      %dma_start3A_201 = arith.constant 0 : i32
      %dma_start3A_202 = tpu.memref_slice %arg6[%arg0, %add3A_187, %dma_start3A_201] : memref<2x10240x128xf32, #tpu.memory_space<hbm>> -> memref<1x80x128xf32, #tpu.memory_space<hbm>>
      %dma_start3A_203 = tpu.memref_squeeze %dma_start3A_202 : memref<1x80x128xf32, #tpu.memory_space<hbm>> -> memref<80x128xf32, #tpu.memory_space<hbm>>
      %dma_start3A_204 = arith.constant 0 : i32
      %dma_start3A_205 = tpu.memref_slice %arg11[%add3A_187, %dma_start3A_204] : memref<10240x128xf32, #tpu.memory_space<vmem_shared>> -> memref<80x128xf32, #tpu.memory_space<vmem_shared>>
      tpu.enqueue_dma source(%dma_start3A_205 : memref<80x128xf32, #tpu.memory_space<vmem_shared>>) target(%dma_start3A_203 : memref<80x128xf32, #tpu.memory_space<hbm>>) target_semaphore(%run_scoped3A_200 : memref<!tpu.dma_semaphore, #tpu.memory_space<semaphore_mem>>)
      %dma_wait3A_206 = arith.constant 0 : i32
      %dma_wait3A_207 = tpu.memref_slice %arg6[%arg0, %add3A_187, %dma_wait3A_206] : memref<2x10240x128xf32, #tpu.memory_space<hbm>> -> memref<1x80x128xf32, #tpu.memory_space<hbm>>
      %dma_wait3A_208 = tpu.memref_squeeze %dma_wait3A_207 : memref<1x80x128xf32, #tpu.memory_space<hbm>> -> memref<80x128xf32, #tpu.memory_space<hbm>>
      %dma_wait3A_209 = arith.constant 0 : i32
      %dma_wait3A_210 = tpu.memref_slice %arg11[%add3A_187, %dma_wait3A_209] : memref<10240x128xf32, #tpu.memory_space<vmem_shared>> -> memref<80x128xf32, #tpu.memory_space<vmem_shared>>
      tpu.wait_dma2 semaphore(%run_scoped3A_200 : memref<!tpu.dma_semaphore, #tpu.memory_space<semaphore_mem>>) src(%dma_wait3A_210 : memref<80x128xf32, #tpu.memory_space<vmem_shared>>) dst(%dma_wait3A_208 : memref<80x128xf32, #tpu.memory_space<hbm>>)
      tpu.yield
    }) : () -> ()
    %mul3A_188 = arith.constant 640 : i32
    %mul3A_189 = arith.muli %arg1, %mul3A_188 : i32
    %add3A_190 = arith.constant 400 : i32
    %add3A_191 = arith.addi %mul3A_189, %add3A_190 : i32
    "tpu.region"() ({
      %run_scoped3A_200 = tpu.sem_alloc : memref<!tpu.dma_semaphore, #tpu.memory_space<semaphore_mem>>
      %dma_start3A_201 = arith.constant 0 : i32
      %dma_start3A_202 = tpu.memref_slice %arg6[%arg0, %add3A_191, %dma_start3A_201] : memref<2x10240x128xf32, #tpu.memory_space<hbm>> -> memref<1x80x128xf32, #tpu.memory_space<hbm>>
      %dma_start3A_203 = tpu.memref_squeeze %dma_start3A_202 : memref<1x80x128xf32, #tpu.memory_space<hbm>> -> memref<80x128xf32, #tpu.memory_space<hbm>>
      %dma_start3A_204 = arith.constant 0 : i32
      %dma_start3A_205 = tpu.memref_slice %arg11[%add3A_191, %dma_start3A_204] : memref<10240x128xf32, #tpu.memory_space<vmem_shared>> -> memref<80x128xf32, #tpu.memory_space<vmem_shared>>
      tpu.enqueue_dma source(%dma_start3A_205 : memref<80x128xf32, #tpu.memory_space<vmem_shared>>) target(%dma_start3A_203 : memref<80x128xf32, #tpu.memory_space<hbm>>) target_semaphore(%run_scoped3A_200 : memref<!tpu.dma_semaphore, #tpu.memory_space<semaphore_mem>>)
      %dma_wait3A_206 = arith.constant 0 : i32
      %dma_wait3A_207 = tpu.memref_slice %arg6[%arg0, %add3A_191, %dma_wait3A_206] : memref<2x10240x128xf32, #tpu.memory_space<hbm>> -> memref<1x80x128xf32, #tpu.memory_space<hbm>>
      %dma_wait3A_208 = tpu.memref_squeeze %dma_wait3A_207 : memref<1x80x128xf32, #tpu.memory_space<hbm>> -> memref<80x128xf32, #tpu.memory_space<hbm>>
      %dma_wait3A_209 = arith.constant 0 : i32
      %dma_wait3A_210 = tpu.memref_slice %arg11[%add3A_191, %dma_wait3A_209] : memref<10240x128xf32, #tpu.memory_space<vmem_shared>> -> memref<80x128xf32, #tpu.memory_space<vmem_shared>>
      tpu.wait_dma2 semaphore(%run_scoped3A_200 : memref<!tpu.dma_semaphore, #tpu.memory_space<semaphore_mem>>) src(%dma_wait3A_210 : memref<80x128xf32, #tpu.memory_space<vmem_shared>>) dst(%dma_wait3A_208 : memref<80x128xf32, #tpu.memory_space<hbm>>)
      tpu.yield
    }) : () -> ()
    %mul3A_192 = arith.constant 640 : i32
    %mul3A_193 = arith.muli %arg1, %mul3A_192 : i32
    %add3A_194 = arith.constant 480 : i32
    %add3A_195 = arith.addi %mul3A_193, %add3A_194 : i32
    "tpu.region"() ({
      %run_scoped3A_200 = tpu.sem_alloc : memref<!tpu.dma_semaphore, #tpu.memory_space<semaphore_mem>>
      %dma_start3A_201 = arith.constant 0 : i32
      %dma_start3A_202 = tpu.memref_slice %arg6[%arg0, %add3A_195, %dma_start3A_201] : memref<2x10240x128xf32, #tpu.memory_space<hbm>> -> memref<1x80x128xf32, #tpu.memory_space<hbm>>
      %dma_start3A_203 = tpu.memref_squeeze %dma_start3A_202 : memref<1x80x128xf32, #tpu.memory_space<hbm>> -> memref<80x128xf32, #tpu.memory_space<hbm>>
      %dma_start3A_204 = arith.constant 0 : i32
      %dma_start3A_205 = tpu.memref_slice %arg11[%add3A_195, %dma_start3A_204] : memref<10240x128xf32, #tpu.memory_space<vmem_shared>> -> memref<80x128xf32, #tpu.memory_space<vmem_shared>>
      tpu.enqueue_dma source(%dma_start3A_205 : memref<80x128xf32, #tpu.memory_space<vmem_shared>>) target(%dma_start3A_203 : memref<80x128xf32, #tpu.memory_space<hbm>>) target_semaphore(%run_scoped3A_200 : memref<!tpu.dma_semaphore, #tpu.memory_space<semaphore_mem>>)
      %dma_wait3A_206 = arith.constant 0 : i32
      %dma_wait3A_207 = tpu.memref_slice %arg6[%arg0, %add3A_195, %dma_wait3A_206] : memref<2x10240x128xf32, #tpu.memory_space<hbm>> -> memref<1x80x128xf32, #tpu.memory_space<hbm>>
      %dma_wait3A_208 = tpu.memref_squeeze %dma_wait3A_207 : memref<1x80x128xf32, #tpu.memory_space<hbm>> -> memref<80x128xf32, #tpu.memory_space<hbm>>
      %dma_wait3A_209 = arith.constant 0 : i32
      %dma_wait3A_210 = tpu.memref_slice %arg11[%add3A_195, %dma_wait3A_209] : memref<10240x128xf32, #tpu.memory_space<vmem_shared>> -> memref<80x128xf32, #tpu.memory_space<vmem_shared>>
      tpu.wait_dma2 semaphore(%run_scoped3A_200 : memref<!tpu.dma_semaphore, #tpu.memory_space<semaphore_mem>>) src(%dma_wait3A_210 : memref<80x128xf32, #tpu.memory_space<vmem_shared>>) dst(%dma_wait3A_208 : memref<80x128xf32, #tpu.memory_space<hbm>>)
      tpu.yield
    }) : () -> ()
    %mul3A_196 = arith.constant 640 : i32
    %mul3A_197 = arith.muli %arg1, %mul3A_196 : i32
    %add3A_198 = arith.constant 560 : i32
    %add3A_199 = arith.addi %mul3A_197, %add3A_198 : i32
    "tpu.region"() ({
      %run_scoped3A_200 = tpu.sem_alloc : memref<!tpu.dma_semaphore, #tpu.memory_space<semaphore_mem>>
      %dma_start3A_201 = arith.constant 0 : i32
      %dma_start3A_202 = tpu.memref_slice %arg6[%arg0, %add3A_199, %dma_start3A_201] : memref<2x10240x128xf32, #tpu.memory_space<hbm>> -> memref<1x80x128xf32, #tpu.memory_space<hbm>>
      %dma_start3A_203 = tpu.memref_squeeze %dma_start3A_202 : memref<1x80x128xf32, #tpu.memory_space<hbm>> -> memref<80x128xf32, #tpu.memory_space<hbm>>
      %dma_start3A_204 = arith.constant 0 : i32
      %dma_start3A_205 = tpu.memref_slice %arg11[%add3A_199, %dma_start3A_204] : memref<10240x128xf32, #tpu.memory_space<vmem_shared>> -> memref<80x128xf32, #tpu.memory_space<vmem_shared>>
      tpu.enqueue_dma source(%dma_start3A_205 : memref<80x128xf32, #tpu.memory_space<vmem_shared>>) target(%dma_start3A_203 : memref<80x128xf32, #tpu.memory_space<hbm>>) target_semaphore(%run_scoped3A_200 : memref<!tpu.dma_semaphore, #tpu.memory_space<semaphore_mem>>)
      %dma_wait3A_206 = arith.constant 0 : i32
      %dma_wait3A_207 = tpu.memref_slice %arg6[%arg0, %add3A_199, %dma_wait3A_206] : memref<2x10240x128xf32, #tpu.memory_space<hbm>> -> memref<1x80x128xf32, #tpu.memory_space<hbm>>
      %dma_wait3A_208 = tpu.memref_squeeze %dma_wait3A_207 : memref<1x80x128xf32, #tpu.memory_space<hbm>> -> memref<80x128xf32, #tpu.memory_space<hbm>>
      %dma_wait3A_209 = arith.constant 0 : i32
      %dma_wait3A_210 = tpu.memref_slice %arg11[%add3A_199, %dma_wait3A_209] : memref<10240x128xf32, #tpu.memory_space<vmem_shared>> -> memref<80x128xf32, #tpu.memory_space<vmem_shared>>
      tpu.wait_dma2 semaphore(%run_scoped3A_200 : memref<!tpu.dma_semaphore, #tpu.memory_space<semaphore_mem>>) src(%dma_wait3A_210 : memref<80x128xf32, #tpu.memory_space<vmem_shared>>) dst(%dma_wait3A_208 : memref<80x128xf32, #tpu.memory_space<hbm>>)
      tpu.yield
    }) : () -> ()
    return
  }
}

module attributes {stable_mosaic.version = 14 : i64} {
  func.func @_xd_body(%arg0: memref<10000x128xf32, #tpu.memory_space<vmem>>, %arg1: memref<128x128xf32, #tpu.memory_space<vmem>>, %arg2: memref<128xf32, #tpu.memory_space<vmem>>, %arg3: memref<10000x128xf32, #tpu.memory_space<vmem>>) attributes {dimension_semantics = [], scalar_prefetch = 0 : i64, scratch_operands = 0 : i64, tpu.core_type = #tpu.core_type<tc>} {
    %get3A = arith.constant 0 : index
    %get3A_0 = arith.constant 0 : index
    %get3A_1 = vector.load %arg0[%get3A, %get3A_0] : memref<10000x128xf32, #tpu.memory_space<vmem>>, vector<10000x128xf32>
    %get3A_2 = arith.constant 0 : index
    %get3A_3 = arith.constant 0 : index
    %get3A_4 = vector.load %arg1[%get3A_2, %get3A_3] : memref<128x128xf32, #tpu.memory_space<vmem>>, vector<128x128xf32>
    %dot_general3A = arith.constant dense<0.000000e+00> : vector<10000x128xf32>
    %dot_general3A_5 = tpu.matmul %get3A_1, %get3A_4, %dot_general3A {dimension_numbers = #tpu.dot_dimension_numbers<[1], [0], [0], [1], [0, 0, 1, 1], [], []>, transpose_lhs_hint = false} : vector<10000x128xf32>, vector<128x128xf32>, vector<10000x128xf32> -> vector<10000x128xf32>
    %get3A_6 = arith.constant 0 : index
    %get3A_7 = vector.load %arg2[%get3A_6] : memref<128xf32, #tpu.memory_space<vmem>>, vector<128xf32>
    %broadcast_in_dim3A = vector.shape_cast %get3A_7 : vector<128xf32> to vector<1x128xf32>
    %add3A = vector.broadcast %broadcast_in_dim3A : vector<1x128xf32> to vector<10000x128xf32>
    %add3A_8 = arith.addf %dot_general3A_5, %add3A : vector<10000x128xf32>
    %swap3A = arith.constant 0 : index
    %swap3A_9 = arith.constant 0 : index
    %swap3A_10 = vector.load %arg3[%swap3A, %swap3A_9] : memref<10000x128xf32, #tpu.memory_space<vmem>>, vector<10000x128xf32>
    tpu.vector_store %arg3[%swap3A, %swap3A_9], %add3A_8 {strides = array<i32>} : memref<10000x128xf32, #tpu.memory_space<vmem>>, vector<10000x128xf32>,
    return
  }
}

module attributes {stable_mosaic.version = 14 : i64} {
  func.func @_filters_body(%arg0: i32, %arg1: memref<6400x16xf32, #tpu.memory_space<vmem>>, %arg2: memref<16x128xf32, #tpu.memory_space<vmem>>, %arg3: memref<128xf32, #tpu.memory_space<vmem>>, %arg4: memref<128x128xf32, #tpu.memory_space<vmem>>, %arg5: memref<128xf32, #tpu.memory_space<vmem>>, %arg6: memref<6400x128xf32, #tpu.memory_space<vmem>>) attributes {dimension_semantics = [#tpu.dimension_semantics<arbitrary>], iteration_bounds = array<i64: 50>, scalar_prefetch = 0 : i64, scratch_operands = 0 : i64, tpu.core_type = #tpu.core_type<tc>, window_params = [{transform_indices = @transform_0, window_bounds = array<i64: 6400, 16>}, {pipeline_mode = #tpu.pipeline_mode<synchronous>, transform_indices = @transform_1, window_bounds = array<i64: 16, 128>}, {pipeline_mode = #tpu.pipeline_mode<synchronous>, transform_indices = @transform_2, window_bounds = array<i64: 128>}, {pipeline_mode = #tpu.pipeline_mode<synchronous>, transform_indices = @transform_3, window_bounds = array<i64: 128, 128>}, {pipeline_mode = #tpu.pipeline_mode<synchronous>, transform_indices = @transform_4, window_bounds = array<i64: 128>}, {transform_indices = @transform_5, window_bounds = array<i64: 6400, 128>}]} {
    %get3A = arith.constant 0 : index
    %get3A_0 = arith.constant 0 : index
    %get3A_1 = vector.load %arg1[%get3A, %get3A_0] : memref<6400x16xf32, #tpu.memory_space<vmem>>, vector<6400x16xf32>
    %get3A_2 = arith.constant 0 : index
    %get3A_3 = arith.constant 0 : index
    %get3A_4 = vector.load %arg2[%get3A_2, %get3A_3] : memref<16x128xf32, #tpu.memory_space<vmem>>, vector<16x128xf32>
    %dot_general3A = arith.constant dense<0.000000e+00> : vector<6400x128xf32>
    %dot_general3A_5 = tpu.matmul %get3A_1, %get3A_4, %dot_general3A {dimension_numbers = #tpu.dot_dimension_numbers<[1], [0], [0], [1], [0, 0, 1, 1], [], []>, transpose_lhs_hint = false} : vector<6400x16xf32>, vector<16x128xf32>, vector<6400x128xf32> -> vector<6400x128xf32>
    %get3A_6 = arith.constant 0 : index
    %get3A_7 = vector.load %arg3[%get3A_6] : memref<128xf32, #tpu.memory_space<vmem>>, vector<128xf32>
    %broadcast_in_dim3A = vector.shape_cast %get3A_7 : vector<128xf32> to vector<1x128xf32>
    %add3A = vector.broadcast %broadcast_in_dim3A : vector<1x128xf32> to vector<6400x128xf32>
    %add3A_8 = arith.addf %dot_general3A_5, %add3A : vector<6400x128xf32>
    %logistic3A = arith.negf %add3A_8 : vector<6400x128xf32>
    %logistic3A_9 = math.exp %logistic3A : vector<6400x128xf32>
    %logistic3A_10 = arith.constant 1.000000e+00 : f32
    %logistic3A_11 = vector.broadcast %logistic3A_10 : f32 to vector<6400x128xf32>
    %logistic3A_12 = arith.addf %logistic3A_11, %logistic3A_9 : vector<6400x128xf32>
    %logistic3A_13 = arith.divf %logistic3A_11, %logistic3A_12 : vector<6400x128xf32>
    %mul3A = arith.mulf %add3A_8, %logistic3A_13 : vector<6400x128xf32>
    %get3A_14 = arith.constant 0 : index
    %get3A_15 = arith.constant 0 : index
    %get3A_16 = vector.load %arg4[%get3A_14, %get3A_15] : memref<128x128xf32, #tpu.memory_space<vmem>>, vector<128x128xf32>
    %dot_general3A_17 = arith.constant dense<0.000000e+00> : vector<6400x128xf32>
    %dot_general3A_18 = tpu.matmul %mul3A, %get3A_16, %dot_general3A_17 {dimension_numbers = #tpu.dot_dimension_numbers<[1], [0], [0], [1], [0, 0, 1, 1], [], []>, transpose_lhs_hint = false} : vector<6400x128xf32>, vector<128x128xf32>, vector<6400x128xf32> -> vector<6400x128xf32>
    %get3A_19 = arith.constant 0 : index
    %get3A_20 = vector.load %arg5[%get3A_19] : memref<128xf32, #tpu.memory_space<vmem>>, vector<128xf32>
    %broadcast_in_dim3A_21 = vector.shape_cast %get3A_20 : vector<128xf32> to vector<1x128xf32>
    %add3A_22 = vector.broadcast %broadcast_in_dim3A_21 : vector<1x128xf32> to vector<6400x128xf32>
    %add3A_23 = arith.addf %dot_general3A_18, %add3A_22 : vector<6400x128xf32>
    %swap3A = arith.constant 0 : index
    %swap3A_24 = arith.constant 0 : index
    %swap3A_25 = vector.load %arg6[%swap3A, %swap3A_24] : memref<6400x128xf32, #tpu.memory_space<vmem>>, vector<6400x128xf32>
    tpu.vector_store %arg6[%swap3A, %swap3A_24], %add3A_23 {strides = array<i32>} : memref<6400x128xf32, #tpu.memory_space<vmem>>, vector<6400x128xf32>,
    return
  }
  func.func @transform_0(%arg0: i32) -> (i32, i32) {
    %c0_i32 = arith.constant 0 : i32
    %c0_i32_0 = arith.constant 0 : i32
    return %arg0, %c0_i32 : i32, i32
  }
  func.func @transform_1(%arg0: i32) -> (i32, i32) {
    %c0_i32 = arith.constant 0 : i32
    %c0_i32_0 = arith.constant 0 : i32
    %c0_i32_1 = arith.constant 0 : i32
    return %c0_i32, %c0_i32_0 : i32, i32
  }
  func.func @transform_2(%arg0: i32) -> i32 {
    %c0_i32 = arith.constant 0 : i32
    %c0_i32_0 = arith.constant 0 : i32
    return %c0_i32 : i32
  }
  func.func @transform_3(%arg0: i32) -> (i32, i32) {
    %c0_i32 = arith.constant 0 : i32
    %c0_i32_0 = arith.constant 0 : i32
    %c0_i32_1 = arith.constant 0 : i32
    return %c0_i32, %c0_i32_0 : i32, i32
  }
  func.func @transform_4(%arg0: i32) -> i32 {
    %c0_i32 = arith.constant 0 : i32
    %c0_i32_0 = arith.constant 0 : i32
    return %c0_i32 : i32
  }
  func.func @transform_5(%arg0: i32) -> (i32, i32) {
    %c0_i32 = arith.constant 0 : i32
    %c0_i32_0 = arith.constant 0 : i32
    return %arg0, %c0_i32 : i32, i32
  }
}

module attributes {stable_mosaic.version = 14 : i64} {
  func.func @_update_body(%arg0: memref<10000x128xf32, #tpu.memory_space<vmem>>, %arg1: memref<2x10240x128xf32, #tpu.memory_space<vmem>>, %arg2: memref<128x128xf32, #tpu.memory_space<vmem>>, %arg3: memref<128xf32, #tpu.memory_space<vmem>>, %arg4: memref<128x128xf32, #tpu.memory_space<vmem>>, %arg5: memref<128xf32, #tpu.memory_space<vmem>>, %arg6: memref<10000x128xf32, #tpu.memory_space<vmem>>) attributes {dimension_semantics = [], scalar_prefetch = 0 : i64, scratch_operands = 0 : i64, tpu.core_type = #tpu.core_type<tc>} {
    %get3A = arith.constant 0 : index
    %get3A_0 = arith.constant 0 : index
    %get3A_1 = arith.constant 0 : index
    %get3A_2 = vector.load %arg1[%get3A, %get3A_0, %get3A_1] : memref<2x10240x128xf32, #tpu.memory_space<vmem>>, vector<1x10000x128xf32>
    %get3A_3 = vector.shape_cast %get3A_2 : vector<1x10000x128xf32> to vector<10000x128xf32>
    %get3A_4 = arith.constant 1 : index
    %get3A_5 = arith.constant 0 : index
    %get3A_6 = arith.constant 0 : index
    %get3A_7 = vector.load %arg1[%get3A_4, %get3A_5, %get3A_6] : memref<2x10240x128xf32, #tpu.memory_space<vmem>>, vector<1x10000x128xf32>
    %get3A_8 = vector.shape_cast %get3A_7 : vector<1x10000x128xf32> to vector<10000x128xf32>
    %add3A = arith.addf %get3A_3, %get3A_8 : vector<10000x128xf32>
    %get3A_9 = arith.constant 0 : index
    %get3A_10 = arith.constant 0 : index
    %get3A_11 = vector.load %arg2[%get3A_9, %get3A_10] : memref<128x128xf32, #tpu.memory_space<vmem>>, vector<128x128xf32>
    %dot_general3A = arith.constant dense<0.000000e+00> : vector<10000x128xf32>
    %dot_general3A_12 = tpu.matmul %add3A, %get3A_11, %dot_general3A {dimension_numbers = #tpu.dot_dimension_numbers<[1], [0], [0], [1], [0, 0, 1, 1], [], []>, transpose_lhs_hint = false} : vector<10000x128xf32>, vector<128x128xf32>, vector<10000x128xf32> -> vector<10000x128xf32>
    %get3A_13 = arith.constant 0 : index
    %get3A_14 = vector.load %arg3[%get3A_13] : memref<128xf32, #tpu.memory_space<vmem>>, vector<128xf32>
    %broadcast_in_dim3A = vector.shape_cast %get3A_14 : vector<128xf32> to vector<1x128xf32>
    %add3A_15 = vector.broadcast %broadcast_in_dim3A : vector<1x128xf32> to vector<10000x128xf32>
    %add3A_16 = arith.addf %dot_general3A_12, %add3A_15 : vector<10000x128xf32>
    %logistic3A = arith.negf %add3A_16 : vector<10000x128xf32>
    %logistic3A_17 = math.exp %logistic3A : vector<10000x128xf32>
    %logistic3A_18 = arith.constant 1.000000e+00 : f32
    %logistic3A_19 = vector.broadcast %logistic3A_18 : f32 to vector<10000x128xf32>
    %logistic3A_20 = arith.addf %logistic3A_19, %logistic3A_17 : vector<10000x128xf32>
    %logistic3A_21 = arith.divf %logistic3A_19, %logistic3A_20 : vector<10000x128xf32>
    %mul3A = arith.mulf %add3A_16, %logistic3A_21 : vector<10000x128xf32>
    %get3A_22 = arith.constant 0 : index
    %get3A_23 = arith.constant 0 : index
    %get3A_24 = vector.load %arg4[%get3A_22, %get3A_23] : memref<128x128xf32, #tpu.memory_space<vmem>>, vector<128x128xf32>
    %dot_general3A_25 = arith.constant dense<0.000000e+00> : vector<10000x128xf32>
    %dot_general3A_26 = tpu.matmul %mul3A, %get3A_24, %dot_general3A_25 {dimension_numbers = #tpu.dot_dimension_numbers<[1], [0], [0], [1], [0, 0, 1, 1], [], []>, transpose_lhs_hint = false} : vector<10000x128xf32>, vector<128x128xf32>, vector<10000x128xf32> -> vector<10000x128xf32>
    %get3A_27 = arith.constant 0 : index
    %get3A_28 = arith.constant 0 : index
    %get3A_29 = vector.load %arg0[%get3A_27, %get3A_28] : memref<10000x128xf32, #tpu.memory_space<vmem>>, vector<10000x128xf32>
    %add3A_30 = arith.addf %get3A_29, %dot_general3A_26 : vector<10000x128xf32>
    %get3A_31 = arith.constant 0 : index
    %get3A_32 = vector.load %arg5[%get3A_31] : memref<128xf32, #tpu.memory_space<vmem>>, vector<128xf32>
    %broadcast_in_dim3A_33 = vector.shape_cast %get3A_32 : vector<128xf32> to vector<1x128xf32>
    %add3A_34 = vector.broadcast %broadcast_in_dim3A_33 : vector<1x128xf32> to vector<10000x128xf32>
    %add3A_35 = arith.addf %add3A_30, %add3A_34 : vector<10000x128xf32>
    %swap3A = arith.constant 0 : index
    %swap3A_36 = arith.constant 0 : index
    %swap3A_37 = vector.load %arg6[%swap3A, %swap3A_36] : memref<10000x128xf32, #tpu.memory_space<vmem>>, vector<10000x128xf32>
    tpu.vector_store %arg6[%swap3A, %swap3A_36], %add3A_35 {strides = array<i32>} : memref<10000x128xf32, #tpu.memory_space<vmem>>, vector<10000x128xf32>,
    return
  }
}

</mosaic_0001>

<sc_bundles>
// kernel: kernel.6.cloned.1.call-start
scs
__scs_entry_jumppad:
0x0: {  	(pc) =	sbr.rel $0x88, $3  }
0x1: {  	(tag) =	ssettag $0x0;
	lr =	simm.s32 $0x1  }
0x2: {  	[smem:$0x3F94] =	sst lr;
	_ =	strace $0xD0000000  }
0x3: {  	_ = 	snop  }
0x4: {  	_ = 	snop  }
0x5: {  	_ = 	snop  }
0x6: {  	_ = 	snop  }
0x7: {  	_ = 	snop  }
__scs_overlays_trampoline_lowered:
0x8: {  	[smem:$0x3FA3] =	sst s0  }
0x9: {  	[smem:$0x3FA4] =	sst s1  }
0xa: {  	[smem:$0x3FA5] =	sst s2  }
0xb: {  	[smem:$0x3FA6] =	sst s3  }
0xc: {  	[smem:$0x3FA7] =	sst s4  }
0xd: {  	[smem:$0x3FA8] =	sst s5  }
0xe: {  	[smem:$0x3FA9] =	sst s6  }
0xf: {  	[smem:$0x3FAA] =	sst s7  }
0x10: {  	[smem:$0x3FAB] =	sst s8  }
0x11: {  	[smem:$0x3FAC] =	sst s9;
	s0 =	simm.s32 @!p0 $0x0  }
0x12: {  	s1 =	sld [smem:$0x3F92];
	s0 =	simm.s32 @p0 $0x1  }
0x13: {  	[smem:$0x3FAD] =	sst s0;
	s0 =	simm.s32 @!p1 $0x0  }
0x14: {  	s2 =	sld [smem:$0x3F91];
	s0 =	simm.s32 @p1 $0x1  }
0x15: {  	[smem:$0x3FAE] =	sst s0;
	s0 =	simm.s32 @!p2 $0x0  }
0x16: {  	s3 =	sld [smem:$0x3FDB];
	s0 =	simm.s32 @p2 $0x1  }
0x17: {  	s4 =	simm.s32 $0x1BF5;
	[smem:$0x3FB0] =	sst s0  }
0x18: {  	s0 =	sld [smem:$0x3F93];
	_ =	swait.ge [sflag:s4], $0x0  }
0x19: {  	s7 =	sld [smem:$0x3F94]  }
0x1a: {  	s8 =	sadd.s32 $0xFFFFE003, lr  }
0x1b: {  	s9 =	sadd.s32 $0xFFFFFEF7, lr;
	s5 =	simm.s32 $0xFFFFFFFF;
	p2 =	slt.u32 s8, $0xFFFFF086  }
0x1c: {  	p1 =	slt.u32 s9, $0xF7A;
	s5 =	simm.s32 @!p2 $0x0  }
0x1d: {  	s5 =	simm.s32 @p1 $0x1;
	p0 =	seq.s32 s7, s2  }
0x1e: {  	s7 =	smul.u32 @!p0 $0xF7A, s2;
	p2 =	seq.s32 @!p0 s5, $0x0  }
0x1f: {  	s9 =	smul.u32 $0xF7A, s1;
	s8 =	simm.s32 @!p0 $0x1BF5;
	p2 =	por !p2, p0  }
0x20: {  	[sflag:s8] =	ssyncset.s32 @!p0 $0xFFFFF086;
	s6 =	sadd.s32 @!p0 s3, s7;
	s7 =	simm.s32 @!p0 $0x108  }
0x21: {  	s3 =	sadd.s32 s3, s9;
	s6 =	sadd.s32 @!p0 $0x88, s6;
	s7 =	simm.s32 @p2 $0x1082  }
0x22: {  	[simem:s7], [sflag:s8] =	dma.local @!p0 [hbm:s6], $0xF7A  }
0x23: {  	s9 =	sor.u32 $0xD0000000, s2;
	s6 =	simm.s32 $0x108;
	_ =	swait.ge @!p0 [sflag:s8], $0x0  }
0x24: {  	s3 =	sadd.s32 $0x88, s3;
	s6 =	simm.s32 @!p1 $0x1082;
	[sflag:s4] =	ssyncset.s32 $0xFFFFF086  }
0x25: {  	[simem:s6], [sflag:s4] =	dma.local [hbm:s3], $0xF7A  }
0x26: {  	[smem:$0x3F94] =	sst s1;
	(tag) =	ssettag s2;
	_ =	strace s9  }
0x27: {  	s1 =	sld [smem:$0x3FA4]  }
0x28: {  	s2 =	sld [smem:$0x3FA5]  }
0x29: {  	s4 =	sld [smem:$0x3FA7]  }
0x2a: {  	p0 =	seq.s32 s5, $0x0;
	s5 =	sld [smem:$0x3FA8]  }
0x2b: {  	s6 =	sld [smem:$0x3FA9]  }
0x2c: {  	s7 =	sld [smem:$0x3FAA]  }
0x2d: {  	s3 =	simm.s32 $0x108;
	s8 =	sld [smem:$0x3FAB]  }
0x2e: {  	s3 =	simm.s32 @!p0 $0x1082;
	s9 =	sld [smem:$0x3FAC]  }
0x2f: {  	lr =	sadd.s32 s0, s3;
	s0 =	sld [smem:$0x3FA3]  }
0x30: {  	s3 =	sld [smem:$0x3FA6]  }
0x31: {  	[smem:$0x3FAF] =	sst s10  }
0x32: {  	s10 =	sld [smem:$0x3FAD];
	_ =	sdelay $0x3  }
0x33: {  	p0 =	seq.s32 s10, $0x1;
	s10 =	sld [smem:$0x3FAF];
	_ =	sdelay $0x3  }
0x34: {  	[smem:$0x3FAF] =	sst s10  }
0x35: {  	s10 =	sld [smem:$0x3FAE];
	_ =	sdelay $0x3  }
0x36: {  	p1 =	seq.s32 s10, $0x1;
	s10 =	sld [smem:$0x3FAF];
	_ =	sdelay $0x3  }
0x37: {  	[smem:$0x3FAF] =	sst s10  }
0x38: {  	s10 =	sld [smem:$0x3FB0]  }
0x39: {  	_ = 	snop;
	(pc) =	sbr.ind lr, $3  }
0x3a: {  	_ = 	snop  }
0x3b: {  	_ = 	snop  }
0x3c: {  	p2 =	seq.s32 s10, $0x1;
	s10 =	sld [smem:$0x3FAF]  }
0x3d: {  	_ =	shalt  }
0x3e: {  	_ =	shalt  }
0x3f: {  	_ =	shalt  }
0x40: {  	_ =	shalt  }
0x41: {  	_ =	shalt  }
0x42: {  	_ =	shalt  }
0x43: {  	_ =	shalt  }
0x44: {  	_ =	shalt  }
0x45: {  	_ =	shalt  }
0x46: {  	_ =	shalt  }
0x47: {  	_ =	shalt  }
0x48: {  	_ =	shalt  }
0x49: {  	_ =	shalt  }
0x4a: {  	_ =	shalt  }
0x4b: {  	_ =	shalt  }
0x4c: {  	_ =	shalt  }
0x4d: {  	_ =	shalt  }
0x4e: {  	_ =	shalt  }
0x4f: {  	_ =	shalt  }
0x50: {  	_ =	shalt  }
0x51: {  	_ =	shalt  }
0x52: {  	_ =	shalt  }
0x53: {  	_ =	shalt  }
0x54: {  	_ =	shalt  }
0x55: {  	_ =	shalt  }
0x56: {  	_ =	shalt  }
0x57: {  	_ =	shalt  }
0x58: {  	_ =	shalt  }
0x59: {  	_ =	shalt  }
0x5a: {  	_ =	shalt  }
0x5b: {  	_ =	shalt  }
0x5c: {  	_ =	shalt  }
0x5d: {  	_ =	shalt  }
0x5e: {  	_ =	shalt  }
0x5f: {  	_ =	shalt  }
0x60: {  	_ =	shalt  }
0x61: {  	_ =	shalt  }
0x62: {  	_ =	shalt  }
0x63: {  	_ =	shalt  }
0x64: {  	_ =	shalt  }
0x65: {  	_ =	shalt  }
0x66: {  	_ =	shalt  }
0x67: {  	_ =	shalt  }
0x68: {  	_ =	shalt  }
0x69: {  	_ =	shalt  }
0x6a: {  	_ =	shalt  }
0x6b: {  	_ =	shalt  }
0x6c: {  	_ =	shalt  }
0x6d: {  	_ =	shalt  }
0x6e: {  	_ =	shalt  }
0x6f: {  	_ =	shalt  }
0x70: {  	_ =	shalt  }
0x71: {  	_ =	shalt  }
0x72: {  	_ =	shalt  }
0x73: {  	_ =	shalt  }
0x74: {  	_ =	shalt  }
0x75: {  	_ =	shalt  }
0x76: {  	_ =	shalt  }
0x77: {  	_ =	shalt  }
0x78: {  	_ =	shalt  }
0x79: {  	_ =	shalt  }
0x7a: {  	_ =	shalt  }
0x7b: {  	_ =	shalt  }
0x7c: {  	_ =	shalt  }
0x7d: {  	_ =	shalt  }
0x7e: {  	_ =	shalt  }
0x7f: {  	_ =	shalt  }
0x80: {  	_ =	shalt  }
0x81: {  	_ =	shalt  }
0x82: {  	_ =	shalt  }
0x83: {  	_ =	shalt  }
0x84: {  	_ =	shalt  }
0x85: {  	_ =	shalt  }
0x86: {  	_ =	shalt  }
0x87: {  	_ =	shalt  }
.Lfunc_end0:
.L_simem_size_0:
called_computation_lowered:
.L_overlay_start_0:
0x88: {  	s2 =	sld [smem:$0x3FD9]  }
0x89: {  	s3 =	sld [smem:$0x3FFE];
	_ =	sdelay $0x1  }
0x8a: {  	s1 =	srdreg.scid  }
0x8b: {  	s0 =	sand.u32 $0x1, s1  }
0x8c: {  	s17 =	sshll.u32 s0, $0xA;
	s2 =	sadd.s32 s3, s2  }
0x8d: {  	s2 =	sadd.s32 s2, s17  }
0x8e: {  	[smem:$0x3FBB] =	sst s2  }
0x8f: {  	_ = 	snop  }
0x90: {  	s2 =	sld [smem:$0x3FD0];
	(tm) =	ssettm $0x1  }
0x91: {  	s18 =	sld [smem:$0x3FFB];
	_ =	sdelay $0x3  }
0x92: {  	_ =	strace s18  }
0x93: {  	s3 =	sld [smem:$0x3FFC];
	_ =	sdelay $0x3  }
0x94: {  	_ =	strace s3  }
0x95: {  	s3 =	sld [smem:$0x3FFD];
	_ =	sdelay $0x3  }
0x96: {  	_ =	strace s3  }
0x97: {  	_ =	strace $0x8FFFFFFF  }
0x98: {  	s19 =	sld [smem:$0x3FDB];
	_ =	sdelay $0x1  }
0x99: {  	s4 =	simm.s32 $_scs_section_size  }
0x9a: {  	s5 =	simm.s32 $_size__tile_overlayer_lowered;
	s6 =	simm.s32 $_tile_overlayer_lowered  }
0x9b: {  	s22 =	simm.s32 $0x1BFF;
	s21 =	sshll.u32 s6, $0x1;
	s3 =	sadd.s32 s4, s19  }
0x9c: {  	s7 =	simm.s32 $0x0;
	s20 =	sshll.u32 s5, $0x1;
	s5 =	sadd.s32 s21, s3  }
0x9d: {  	[timem:s7], [sflag:s22] =	dma.local [hbm:s5], s20  }
0x9e: {  	_ =	swait.ge [sflag:s22], s20  }
0x9f: {  	s4 =	ssub.s32 $0x0, s20;
	[sflag:s22] =	ssyncset.done $0x0  }
0xa0: {  	[sflag:s22] =	ssyncadd.s32 s4;
	_ =	sdelay $0x1  }
0xa1: {  	s23 =	simm.s32 $0x1B8B  }
0xa2: {  	_ =	swait.ge [sflag:s23], $0x1  }
0xa3: {  	[sflag:s23] =	ssyncset.done $0x0  }
0xa4: {  	s25 =	simm.s32 $0x1B8E;
	s24 =	sld [smem:$0x3FFE];
	[sflag:s23] =	ssyncadd.s32 $0xFFFFFFFF  }
0xa5: {  	s26 =	simm.s32 $execute0_lowered;
	[smem:$0x3FD2] =	sst s25  }
0xa6: {  	s5 =	sshll.u32 s26, $0x1;
	_ =	strace $0x80000046;
	[dreg:$0x1] =	wrdreg $0xFFFFFFFF  }
0xa7: {  	s28 =	simm.s32 $_size_execute0_lowered;
	s3 =	sadd.s32 s3, s5;
	[dreg:$0x0] =	wrdreg $0x0  }
0xa8: {  	s5 =	sshll.u32 s28, $0x1;
	[dreg:$0x2] =	wrdreg s3  }
0xa9: {  	[dreg:$0x3] =	wrdreg s5  }
0xaa: {  	[dreg:$0x4] =	wrdreg $0xC0  }
0xab: {  	_ =	task [dreg:s7], $0x5FFFF  }
0xac: {  	[dreg:$0x1] =	wrdreg $0xFFFFFFFF  }
0xad: {  	[dreg:$0x0] =	wrdreg $0x60  }
0xae: {  	[dreg:$0x2] =	wrdreg s2  }
0xaf: {  	[dreg:$0x3] =	wrdreg s24  }
0xb0: {  	[dreg:$0x4] =	wrdreg $0xA2000  }
0xb1: {  	[dreg:$0x5] =	wrdreg $0x9  }
0xb2: {  	_ =	task.clear_ibuf [dreg:s7], $0x6FFFF;
	_ =	strace $0x90000046  }
0xb3: {  	s29 =	simm.s32 $0x9;
	_ =	strace $0x80000048  }
0xb4: {  	_ =	swait.ge [sflag:s29], $0x1  }
0xb5: {  	[sflag:s29] =	ssyncadd.s32 $0xFFFFFFFF  }
0xb6: {  	_ =	strace $0x90000048  }
0xb7: {  	_ =	sfence  }
0xb8: {  	s30 =	sld [smem:$0x0];
	_ =	sdelay $0x2  }
0xb9: {  	s31 =	sshll.u32 s1, $0xD;
	s1 =	sshrl.u32 s1, $0x2  }
0xba: {  	s3 =	sand.u32 $0x4000, s31;
	s1 =	sadd.s32 s1, s30  }
0xbb: {  	s0 =	sor.u32 s3, s0;
	s1 =	sshll.u32 s1, $0x11  }
0xbc: {  	s0 =	sor.u32 s1, s0  }
0xbd: {  	s0 =	sadd.s32 $0x8F2B, s0  }
0xbe: {  	[sflag:s0] =	ssyncadd.remote.s32 $0x1  }
0xbf: {  	_ =	sfence.sel $0xFFFF  }
0xc0: {  	[dreg:$0x0] =	wrdreg $0xFFFFFFFF;
	(pc) =	sbr.abs _section_cstart, $3  }
0xc1: {  	[dreg:$0x1] =	wrdreg $0xFFFFFFFF  }
0xc2: {  	_ =	task.clear_ibuf [dreg:s7], $0x2FFFF;
	_ =	strace $0x9FFFFFFF  }
0xc3: {  	(tm) =	ssettm $0x7FFFFFFF  }
tec
execute0_lowered:
.L_overlay_start_1:
0x0: {  	(tag) =	ssettag $0x1  }
0x1: {  	s1 =	rddreg [dreg:$0x0]  }
0x2: {  	s0 =	rddreg [dreg:$0x1]  }
0x3: {  	s2 =	rddreg [dreg:$0x2];
	s4 =	simm.s32 $0x0  }
0x4: {  	s3 =	srdreg.scid;
	s10 =	stileid.u32;
	s28 =	simm.s32 $0x4  }
0x5: {  	s29 =	simm.s32 $0x0;
	[smem:$0x7FF] =	sst s4;
	s3 =	sand.u32 $0x1, s3  }
0x6: {  	s5 =	sadd.s32 $0x4F7A00, s0;
	s7 =	smul.u32 $0x50000, s10;
	s9 =	sshll.u32 s10, $0x1  }
0x7: {  	s10 =	smul.u32 $0x14000, s10;
	s11 =	sadd.s32 $0x1E00, s0;
	s6 =	ssub.s32 $0x2, s3  }
0x8: {  	_ =	strace $0x80000047;
	s8 =	sshrl.u32 s6, $0x1;
	s7 =	sshrl.u32 s7, $0x2  }
0x9: {  	s12 =	sadd.s32 $0x5000, s10;
	s13 =	sadd.s32 $0x7800, s10;
	s16 =	sadd.s32 $0xA000, s10  }
0xa: {  	s6 =	ssub.s32 s6, s8;
	s8 =	sor.u32 s3, s9;
	s3 =	smul.u32 $0x140000, s3  }
0xb: {  	s17 =	sadd.s32 $0xC800, s10;
	s22 =	sadd.s32 $0xF000, s10;
	s9 =	sor.u32 $0x2800, s10  }
0xc: {  	s30 =	sadd.s32 s12, s2;
	s31 =	sor.u32 $0x40, s8;
	s14 =	sadd.s32 s10, s3  }
0xd: {  	s15 =	sadd.s32 s3, s9;
	s10 =	sadd.s32 $0x11800, s10;
	s19 =	sadd.s32 s3, s13  }
0xe: {  	s18 =	sadd.s32 s3, s16;
	s23 =	sadd.s32 s3, s17;
	s24 =	sadd.s32 s3, s22  }
0xf: {  	s14 =	sshrl.u32 s14, $0x3;
	s15 =	sshrl.u32 s15, $0x3;
	s18 =	sshrl.u32 s18, $0x3  }
0x10: {  	s14 =	sadd.s32 s11, s14;
	s26 =	sadd.s32 s11, s15;
	s15 =	sadd.s32 s3, s12  }
0x11: {  	s21 =	sadd.s32 s11, s18;
	s3 =	sadd.s32 s3, s10;
	s18 =	sadd.s32 s7, s2  }
0x12: {  	s12 =	smul.u32 $0x50, s8;
	s7 =	simm.s32 $0x5;
	[dreg:$0x4] =	wrdreg s14  }
0x13: {  	[dreg:$0x5] =	wrdreg s26;
	s14 =	sshrl.u32 s15, $0x3;
	s15 =	sshrl.u32 s19, $0x3  }
0x14: {  	[dreg:$0x8] =	wrdreg s21;
	s3 =	sshrl.u32 s3, $0x3;
	s19 =	sadd.s32 s9, s2  }
0x15: {  	s26 =	smul.u32 $0xA, s8;
	s9 =	sadd.s32 s13, s2;
	s13 =	sadd.s32 s17, s2  }
0x16: {  	s17 =	smul.u32 $0x500, s8;
	s14 =	sadd.s32 s11, s14;
	[dreg:$0xc] =	wrdreg s9  }
0x17: {  	s20 =	sadd.s32 s11, s15;
	s15 =	sshrl.u32 s24, $0x3;
	[dreg:$0xe] =	wrdreg s13  }
0x18: {  	s3 =	sadd.s32 s11, s3;
	s9 =	simm.s32 $0x80;
	[dreg:$0x6] =	wrdreg s14  }
0x19: {  	s13 =	simm.s32 $0x50;
	[dreg:$0x7] =	wrdreg s20;
	s14 =	sshrl.u32 s23, $0x3  }
0x1a: {  	s25 =	sadd.s32 s11, s15;
	[dreg:$0xb] =	wrdreg s3;
	s15 =	sadd.s32 $0x4EDC00, s0  }
0x1b: {  	s23 =	sadd.s32 s10, s2;
	s21 =	sadd.s32 s5, s17;
	[dreg:$0xa] =	wrdreg s25  }
0x1c: {  	s3 =	sadd.s32 $0xA00, s12;
	s14 =	sadd.s32 s11, s14;
	[dreg:$0x12] =	wrdreg s21  }
0x1d: {  	s10 =	simm.s32 $0x180;
	s11 =	sadd.s32 s16, s2;
	[dreg:$0x9] =	wrdreg s14  }
0x1e: {  	s12 =	simm.s32 $0x1;
	s16 =	sadd.s32 s22, s2;
	[dreg:$0xd] =	wrdreg s11  }
0x1f: {  	s14 =	sadd.s32 $0x4E3E00, s0;
	[dreg:$0xf] =	wrdreg s16;
	s0 =	sadd.s32 s15, s26  }
0x20: {  	s22 =	sshrl.u32 s3, $0x3;
	s20 =	sadd.s32 s14, s26;
	[dreg:$0x11] =	wrdreg s0  }
0x21: {  	s25 =	sshll.u32 s3, $0x4;
	s24 =	sadd.s32 s14, s22;
	[dreg:$0x10] =	wrdreg s20  }
.Ltmp0:
0x22: {  	s0 =	sadd.s32 s15, s22;
	[dreg:$0x13] =	wrdreg s24;
	(pc) =	sbr.rel .LBB2_1-.Ltmp0, $4  }
0x23: {  	s11 =	simm.s32 $0x7A00;
	s26 =	smax.u32 s6, $0x1;
	[dreg:$0x14] =	wrdreg s0  }
0x24: {  	s6 =	simm.s32 $0x200;
	s0 =	sadd.s32 s5, s25;
	[dreg:$0x16] =	wrdreg s26  }
0x25: {  	s24 =	simm.s32 $0x2;
	s25 =	simm.s32 $0x2A00;
	s26 =	simm.s32 $0x3  }
0x26: {  	v0 =	vimm.f32 $0.0e+00;
	[dreg:$0x15] =	wrdreg s0;
	s0 =	sor.u32 $0x60, s8;
	s8 =	simm.s32 $0x100  }
.LBB2_10:
0x27: {  	s3 =	stileid.u32  }
0x28: {  	[bflag:$0x0] =	sbarrier.arrive $0xFFFF;
	s3 =	sshll.u32 s3, $0x6  }
0x29: {  	s16 =	sshrl.u32 s20, $0x3;
	s17 =	rddreg [dreg:$0x4];
	s3 =	sor.u32 $0x1C05, s3  }
0x2a: {  	[hbm:s17], [sflag:s3] =	dma.local [spmem:s16], $0x500  }
0x2b: {  	_ =	swait.ge [sflag:s7], $0x500  }
0x2c: {  	s18 =	smov.u32 s20;
	[sflag:s7] =	ssyncset.done $0x0  }
0x2d: {  	s17 =	sshrl.u32 s21, $0x3;
	s20 =	rddreg [dreg:$0x5];
	[sflag:s7] =	ssyncadd.s32 $0xFFFFFB00  }
0x2e: {  	[hbm:s20], [sflag:s3] =	dma.local [spmem:s17], $0x500  }
0x2f: {  	_ =	swait.ge [sflag:s7], $0x500  }
0x30: {  	s19 =	smov.u32 s21;
	s30 =	smov.u32 s22;
	[sflag:s7] =	ssyncset.done $0x0  }
0x31: {  	s21 =	sshrl.u32 s22, $0x3;
	s22 =	rddreg [dreg:$0x6];
	[sflag:s7] =	ssyncadd.s32 $0xFFFFFB00  }
0x32: {  	[hbm:s22], [sflag:s3] =	dma.local [spmem:s21], $0x500  }
0x33: {  	_ =	swait.ge [sflag:s7], $0x500  }
0x34: {  	[sflag:s7] =	ssyncset.done $0x0;
	s17 =	rddreg [dreg:$0xc]  }
0x35: {  	s20 =	rddreg [dreg:$0x7];
	[sflag:s7] =	ssyncadd.s32 $0xFFFFFB00;
	s16 =	sshrl.u32 s17, $0x3  }
0x36: {  	[hbm:s20], [sflag:s3] =	dma.local [spmem:s16], $0x500  }
0x37: {  	_ =	swait.ge [sflag:s7], $0x500  }
0x38: {  	[sflag:s7] =	ssyncset.done $0x0;
	s21 =	rddreg [dreg:$0xd]  }
0x39: {  	s22 =	rddreg [dreg:$0x8];
	[sflag:s7] =	ssyncadd.s32 $0xFFFFFB00;
	s16 =	sshrl.u32 s21, $0x3  }
0x3a: {  	[hbm:s22], [sflag:s3] =	dma.local [spmem:s16], $0x500  }
0x3b: {  	_ =	swait.ge [sflag:s7], $0x500  }
0x3c: {  	[sflag:s7] =	ssyncset.done $0x0;
	s17 =	rddreg [dreg:$0xe]  }
0x3d: {  	s20 =	rddreg [dreg:$0x9];
	[sflag:s7] =	ssyncadd.s32 $0xFFFFFB00;
	s16 =	sshrl.u32 s17, $0x3  }
0x3e: {  	[hbm:s20], [sflag:s3] =	dma.local [spmem:s16], $0x500  }
0x3f: {  	_ =	swait.ge [sflag:s7], $0x500  }
0x40: {  	[sflag:s7] =	ssyncset.done $0x0;
	s21 =	rddreg [dreg:$0xf]  }
0x41: {  	s22 =	rddreg [dreg:$0xa];
	[sflag:s7] =	ssyncadd.s32 $0xFFFFFB00;
	s16 =	sshrl.u32 s21, $0x3  }
0x42: {  	[hbm:s22], [sflag:s3] =	dma.local [spmem:s16], $0x500  }
0x43: {  	_ =	swait.ge [sflag:s7], $0x500  }
0x44: {  	[sflag:s7] =	ssyncset.done $0x0  }
0x45: {  	s20 =	sshrl.u32 s23, $0x3;
	s21 =	rddreg [dreg:$0xb];
	[sflag:s7] =	ssyncadd.s32 $0xFFFFFB00  }
0x46: {  	[hbm:s21], [sflag:s3] =	dma.local [spmem:s20], $0x500  }
0x47: {  	_ =	swait.ge [sflag:s7], $0x500  }
0x48: {  	s29 =	sadd.s32 $0x1, s29;
	s22 =	rddreg [dreg:$0x16]  }
0x49: {  	p0 =	sne.s32 s29, s22  }
.Ltmp1:
0x4a: {  	_ = 	snop;
	(pc) =	sbr.rel @!p0 .LBB2_11-.Ltmp1, $3  }
0x4b: {  	_ =	sdelay $0x1  }
0x4c: {  	[sflag:s7] =	ssyncset.done $0x0  }
0x4d: {  	[sflag:s7] =	ssyncadd.s32 $0xFFFFFB00  }
.LBB2_1:
0x4e: {  	s3 =	simm.s32 $0x0;
	s16 =	simm.s32 $0x200  }
.LBB2_2:
0x4f: {  	p0 =	sne.s32 s16, $0x9E00;
	[tilespmem:s3+$0x270] =	vst v0  }
0x50: {  	[tilespmem:s3+$0x200] =	vst v0  }
0x51: {  	[tilespmem:s3+$0x210] =	vst v0  }
.Ltmp2:
0x52: {  	[tilespmem:s3+$0x220] =	vst v0;
	(pc) =	sbr.rel @p0 .LBB2_2-.Ltmp2, $4  }
0x53: {  	[tilespmem:s3+$0x230] =	vst v0  }
0x54: {  	[tilespmem:s3+$0x240] =	vst v0  }
0x55: {  	[tilespmem:s3+$0x250] =	vst v0  }
0x56: {  	[tilespmem:s3+$0x260] =	vst v0;
	s3 =	sshra.s32 s16, $0x2;
	s16 =	sadd.s32 $0x200, s16  }
0x57: {  	[tilespmem:s3+$0x270] =	vst v0  }
0x58: {  	[tilespmem:s3+$0x200] =	vst v0  }
0x59: {  	[tilespmem:s3+$0x210] =	vst v0  }
0x5a: {  	[tilespmem:s3+$0x220] =	vst v0  }
0x5b: {  	[tilespmem:s3+$0x230] =	vst v0  }
0x5c: {  	[tilespmem:s3+$0x240] =	vst v0  }
0x5d: {  	[tilespmem:s3+$0x250] =	vst v0  }
0x5e: {  	[tilespmem:s3+$0x260] =	vst v0  }
0x5f: {  	[spmem:s18] =	stream.linear.scatter [tilespmem:s6], [sflag:$0x5], $0x2800, $0x38;
	[tilespmem:$0x1E200] =	vst v63  }
0x60: {  	_ =	swait.ge [sflag:s7], $0x2800  }
0x61: {  	[sflag:s7] =	ssyncset.done $0x0  }
0x62: {  	[sflag:s7] =	ssyncadd.s32 $0xFFFFD800  }
0x63: {  	[spmem:s19] =	stream.linear.scatter [tilespmem:s6], [sflag:$0x5], $0x2800, $0x38;
	[tilespmem:$0x1E200] =	vst v63  }
0x64: {  	_ =	swait.ge [sflag:s7], $0x2800  }
0x65: {  	[sflag:s7] =	ssyncset.done $0x0  }
0x66: {  	[sflag:s7] =	ssyncadd.s32 $0xFFFFD800  }
0x67: {  	[spmem:s30] =	stream.linear.scatter [tilespmem:s6], [sflag:$0x5], $0x2800, $0x38;
	[tilespmem:$0x1E200] =	vst v63  }
0x68: {  	_ =	swait.ge [sflag:s7], $0x2800  }
0x69: {  	[sflag:s7] =	ssyncset.done $0x0  }
0x6a: {  	s17 =	rddreg [dreg:$0xc];
	[sflag:s7] =	ssyncadd.s32 $0xFFFFD800  }
0x6b: {  	[spmem:s17] =	stream.linear.scatter [tilespmem:s6], [sflag:$0x5], $0x2800, $0x38;
	[tilespmem:$0x1E200] =	vst v63  }
0x6c: {  	_ =	swait.ge [sflag:s7], $0x2800  }
0x6d: {  	[sflag:s7] =	ssyncset.done $0x0  }
0x6e: {  	s20 =	smov.u32 s18;
	s18 =	rddreg [dreg:$0xd];
	[sflag:s7] =	ssyncadd.s32 $0xFFFFD800  }
0x6f: {  	[spmem:s18] =	stream.linear.scatter [tilespmem:s6], [sflag:$0x5], $0x2800, $0x38;
	[tilespmem:$0x1E200] =	vst v63  }
0x70: {  	_ =	swait.ge [sflag:s7], $0x2800  }
0x71: {  	[sflag:s7] =	ssyncset.done $0x0  }
0x72: {  	s21 =	smov.u32 s19;
	s19 =	rddreg [dreg:$0xe];
	[sflag:s7] =	ssyncadd.s32 $0xFFFFD800  }
0x73: {  	[spmem:s19] =	stream.linear.scatter [tilespmem:s6], [sflag:$0x5], $0x2800, $0x38;
	[tilespmem:$0x1E200] =	vst v63  }
0x74: {  	_ =	swait.ge [sflag:s7], $0x2800  }
0x75: {  	[sflag:s7] =	ssyncset.done $0x0  }
0x76: {  	s16 =	rddreg [dreg:$0xf];
	[sflag:s7] =	ssyncadd.s32 $0xFFFFD800  }
0x77: {  	[spmem:s16] =	stream.linear.scatter [tilespmem:s6], [sflag:$0x5], $0x2800, $0x38;
	[tilespmem:$0x1E200] =	vst v63  }
0x78: {  	_ =	swait.ge [sflag:s7], $0x2800  }
0x79: {  	[sflag:s7] =	ssyncset.done $0x0  }
0x7a: {  	[sflag:s7] =	ssyncadd.s32 $0xFFFFD800  }
0x7b: {  	[spmem:s23] =	stream.linear.scatter [tilespmem:s6], [sflag:$0x5], $0x2800, $0x38;
	[tilespmem:$0x1E200] =	vst v63  }
0x7c: {  	_ =	swait.ge [sflag:s7], $0x2800  }
0x7d: {  	[sflag:s7] =	ssyncset.done $0x0  }
0x7e: {  	[sflag:s7] =	ssyncadd.s32 $0xFFFFD800  }
0x7f: {  	[bflag:$0x0] =	sbarrier.arrive $0xFFFF  }
0x80: {  	s22 =	smov.u32 s30;
	s30 =	simm.s32 $0x0;
	s17 =	rddreg [dreg:$0x10]  }
0x81: {  	[tilespmem:s30], [sflag:$0x1] =	stream.linear.gather [hbm4b:s17+s30], $0x50, $0x38;
	[tilespmem:$0x1E200] =	vst v63  }
0x82: {  	s18 =	rddreg [dreg:$0x11]  }
0x83: {  	[tilespmem:s8], [sflag:$0x1] =	stream.linear.gather [hbm4b:s18+s30], $0x50, $0x38;
	[tilespmem:$0x1E200] =	vst v63  }
0x84: {  	s16 =	simm.s32 $0x5200;
	s19 =	rddreg [dreg:$0x12]  }
0x85: {  	[tilespmem:s16], [sflag:$0x1] =	stream.linear.gather [hbm4b:s19+s30], $0x2800, $0x38;
	[tilespmem:$0x1E200] =	vst v63  }
0x86: {  	s17 =	rddreg [dreg:$0x13]  }
0x87: {  	[tilespmem:s9], [sflag:$0x2] =	stream.linear.gather [hbm4b:s17+s30], $0x50, $0x38;
	[tilespmem:$0x1E200] =	vst v63  }
0x88: {  	s18 =	rddreg [dreg:$0x14]  }
0x89: {  	[tilespmem:s10], [sflag:$0x2] =	stream.linear.gather [hbm4b:s18+s30], $0x50, $0x38;
	[tilespmem:$0x1E200] =	vst v63  }
0x8a: {  	s19 =	rddreg [dreg:$0x15]  }
0x8b: {  	[tilespmem:s11], [sflag:$0x2] =	stream.linear.gather [hbm4b:s19+s30], $0x2800, $0x38;
	[tilespmem:$0x1E200] =	vst v63  }
0x8c: {  	_ =	swait.ge [sflag:s12], $0x50  }
0x8d: {  	[sflag:s12] =	ssyncset.done $0x0  }
0x8e: {  	[sflag:s12] =	ssyncadd.s32 $0xFFFFFFB0  }
0x8f: {  	_ =	swait.ge [sflag:s12], $0x50  }
0x90: {  	[sflag:s12] =	ssyncset.done $0x0  }
0x91: {  	[sflag:s12] =	ssyncadd.s32 $0xFFFFFFB0  }
0x92: {  	_ =	swait.ge [sflag:s12], $0x2800  }
0x93: {  	[sflag:s12] =	ssyncset.done $0x0  }
0x94: {  	[sflag:s12] =	ssyncadd.s32 $0xFFFFD800  }
0x95: {  	[tilespmem:s6], [sflag:$0x3] =	stream.indirect.gather [hbm4b:s1+s13], $0x80, s30, s13, $0xb8;
	[tilespmem:$0x1E200] =	vst v63  }
.LBB2_4:
0x96: {  	_ =	swait.ge [sflag:s24], $0x50  }
0x97: {  	[sflag:s24] =	ssyncset.done $0x0  }
0x98: {  	[sflag:s24] =	ssyncadd.s32 $0xFFFFFFB0  }
0x99: {  	_ =	swait.ge [sflag:s24], $0x50  }
0x9a: {  	[sflag:s24] =	ssyncset.done $0x0  }
0x9b: {  	[sflag:s24] =	ssyncadd.s32 $0xFFFFFFB0  }
0x9c: {  	_ =	swait.ge [sflag:s24], $0x2800  }
0x9d: {  	[sflag:s24] =	ssyncset.done $0x0  }
0x9e: {  	[sflag:s24] =	ssyncadd.s32 $0xFFFFD800  }
0x9f: {  	[tilespmem:s25], [sflag:$0x4] =	stream.indirect.gather [hbm4b:s1+s13], $0x80, s9, s13, $0xb8;
	[tilespmem:$0x1E200] =	vst v63  }
0xa0: {  	_ =	swait.ge [sflag:s26], $0x2800  }
0xa1: {  	[sflag:s26] =	ssyncset.done $0x0  }
0xa2: {  	s3 =	simm.s32 $0x0;
	[sflag:s26] =	ssyncadd.s32 $0xFFFFD800  }
0xa3: {  	v7 =	vld [tilespmem:s3+$0x5200]  }
0xa4: {  	v8 =	vld [tilespmem:s3+$0x5210]  }
0xa5: {  	v9 =	vld [tilespmem:s3+$0x5220]  }
0xa6: {  	v10 =	vld [tilespmem:s3+$0x5230]  }
0xa7: {  	v11 =	vld [tilespmem:s3+$0x5240]  }
0xa8: {  	v12 =	vld [tilespmem:s3+$0x5250]  }
0xa9: {  	v13 =	vld [tilespmem:s3+$0x5260]  }
0xaa: {  	v14 =	vld [tilespmem:s3+$0x5270]  }
0xab: {  	v15 =	vld [tilespmem:s3+$0x5280]  }
0xac: {  	v16 =	vld [tilespmem:s3+$0x5290]  }
0xad: {  	v17 =	vld [tilespmem:s3+$0x52A0]  }
0xae: {  	v18 =	vld [tilespmem:s3+$0x52B0]  }
0xaf: {  	v19 =	vld [tilespmem:s3+$0x52C0]  }
0xb0: {  	v20 =	vld [tilespmem:s3+$0x52D0]  }
0xb1: {  	v21 =	vld [tilespmem:s3+$0x52E0]  }
0xb2: {  	v22 =	vld [tilespmem:s3+$0x52F0]  }
0xb3: {  	v23 =	vld [tilespmem:s3+$0x5300]  }
0xb4: {  	v24 =	vld [tilespmem:s3+$0x5310]  }
0xb5: {  	v25 =	vld [tilespmem:s3+$0x5320]  }
0xb6: {  	v26 =	vld [tilespmem:s3+$0x5330]  }
0xb7: {  	v27 =	vld [tilespmem:s3+$0x5340]  }
0xb8: {  	v28 =	vld [tilespmem:s3+$0x5350]  }
0xb9: {  	v29 =	vld [tilespmem:s3+$0x5360]  }
0xba: {  	v30 =	vld [tilespmem:s3+$0x5370]  }
0xbb: {  	v31 =	vld [tilespmem:s3+$0x5380]  }
0xbc: {  	v32 =	vld [tilespmem:s3+$0x5390]  }
0xbd: {  	v6 =	vld [tilespmem:s3+$0x53A0]  }
0xbe: {  	v5 =	vld [tilespmem:s3+$0x53B0]  }
0xbf: {  	v4 =	vld [tilespmem:s3+$0x53C0]  }
0xc0: {  	v3 =	vld [tilespmem:s3+$0x53D0]  }
0xc1: {  	v2 =	vld [tilespmem:s3+$0x53E0]  }
0xc2: {  	v33 =	vld [tilespmem:s3+$0x200]  }
0xc3: {  	v34 =	vld [tilespmem:s3+$0x210]  }
0xc4: {  	v35 =	vld [tilespmem:s3+$0x220]  }
0xc5: {  	v36 =	vld [tilespmem:s3+$0x230]  }
0xc6: {  	v37 =	vld [tilespmem:s3+$0x240]  }
0xc7: {  	v63 =	vld [tilespmem:s3+$0x250];
	v7 =	vmul.f32 v7, v33  }
0xc8: {  	v38 =	vld [tilespmem:s3+$0x260];
	v8 =	vmul.f32 v8, v34  }
0xc9: {  	v9 =	vmul.f32 v9, v35;
	[tilespmem:s3+$0x200] =	vst v7;
	v7 =	vld [tilespmem:s3+$0x270]  }
0xca: {  	v10 =	vmul.f32 v10, v36;
	[tilespmem:s3+$0x210] =	vst v8;
	v8 =	vld [tilespmem:s3+$0x280]  }
0xcb: {  	v11 =	vmul.f32 v11, v37;
	[tilespmem:s3+$0x220] =	vst v9;
	v9 =	vld [tilespmem:s3+$0x290]  }
0xcc: {  	v12 =	vmul.f32 v12, v63;
	[tilespmem:s3+$0x230] =	vst v10;
	v10 =	vld [tilespmem:s3+$0x2A0]  }
0xcd: {  	v13 =	vmul.f32 v13, v38;
	[tilespmem:s3+$0x240] =	vst v11;
	v11 =	vld [tilespmem:s3+$0x2B0]  }
0xce: {  	[tilespmem:s3+$0x250] =	vst v12;
	v12 =	vld [tilespmem:s3+$0x2C0];
	v7 =	vmul.f32 v14, v7  }
0xcf: {  	[tilespmem:s3+$0x260] =	vst v13;
	v13 =	vld [tilespmem:s3+$0x2D0];
	v8 =	vmul.f32 v15, v8  }
0xd0: {  	v9 =	vmul.f32 v16, v9;
	[tilespmem:s3+$0x270] =	vst v7;
	v7 =	vld [tilespmem:s3+$0x2E0]  }
0xd1: {  	v10 =	vmul.f32 v17, v10;
	[tilespmem:s3+$0x280] =	vst v8;
	v8 =	vld [tilespmem:s3+$0x2F0]  }
0xd2: {  	v11 =	vmul.f32 v18, v11;
	[tilespmem:s3+$0x290] =	vst v9;
	v9 =	vld [tilespmem:s3+$0x300]  }
0xd3: {  	v12 =	vmul.f32 v19, v12;
	[tilespmem:s3+$0x2A0] =	vst v10;
	v10 =	vld [tilespmem:s3+$0x310]  }
0xd4: {  	v13 =	vmul.f32 v20, v13;
	[tilespmem:s3+$0x2B0] =	vst v11;
	v11 =	vld [tilespmem:s3+$0x320]  }
0xd5: {  	[tilespmem:s3+$0x2C0] =	vst v12;
	v12 =	vld [tilespmem:s3+$0x330];
	v7 =	vmul.f32 v21, v7  }
0xd6: {  	[tilespmem:s3+$0x2D0] =	vst v13;
	v13 =	vld [tilespmem:s3+$0x340]  }
0xd7: {  	v8 =	vmul.f32 v22, v8;
	[tilespmem:s3+$0x2E0] =	vst v7;
	v7 =	vld [tilespmem:s3+$0x350]  }
0xd8: {  	v1 =	vld [tilespmem:s3+$0x53F0];
	v9 =	vmul.f32 v23, v9  }
0xd9: {  	[tilespmem:s3+$0x2F0] =	vst v8;
	v8 =	vmul.f32 v24, v10;
	v10 =	vld [tilespmem:s3+$0x370]  }
0xda: {  	v14 =	vld [tilespmem:s3+$0x360];
	[tilespmem:s3+$0x300] =	vst v9;
	v9 =	vmul.f32 v25, v11  }
0xdb: {  	v11 =	vld [tilespmem:s3+$0x380];
	[tilespmem:s3+$0x310] =	vst v8;
	v8 =	vmul.f32 v26, v12  }
0xdc: {  	[tilespmem:s3+$0x320] =	vst v9;
	v12 =	vld [tilespmem:s3+$0x390];
	v9 =	vmul.f32 v27, v13;
	v13 =	vmul.f32 v28, v7  }
0xdd: {  	[tilespmem:s3+$0x330] =	vst v8;
	v8 =	vld [tilespmem:s3+$0x3A0]  }
0xde: {  	v7 =	vld [tilespmem:s3+$0x3B0];
	[tilespmem:s3+$0x350] =	vst v13;
	v13 =	vmul.f32 v30, v10  }
0xdf: {  	v14 =	vmul.f32 v29, v14;
	[tilespmem:s3+$0x340] =	vst v9;
	v9 =	vld [tilespmem:s3+$0x3C0]  }
0xe0: {  	v10 =	vld [tilespmem:s3+$0x3D0];
	[tilespmem:s3+$0x370] =	vst v13;
	v13 =	vmul.f32 v31, v11  }
0xe1: {  	s16 =	simm.s32 $0x800;
	[tilespmem:s3+$0x360] =	vst v14;
	v12 =	vmul.f32 v32, v12;
	v11 =	vld [tilespmem:s3+$0x3E0]  }
.LBB2_5:
0xe2: {  	s17 =	sshra.s32 s16, $0x2;
	p0 =	sne.s32 s16, $0x9800;
	[tilespmem:s3+$0x380] =	vst v13;
	v6 =	vmul.f32 v6, v8;
	v8 =	vld [tilespmem:s3+$0x3F0]  }
0xe3: {  	v13 =	vld [tilespmem:s17+$0x5200];
	[tilespmem:s3+$0x390] =	vst v12;
	v5 =	vmul.f32 v5, v7  }
0xe4: {  	v7 =	vld [tilespmem:s17+$0x5210];
	[tilespmem:s3+$0x3A0] =	vst v6;
	v4 =	vmul.f32 v4, v9  }
0xe5: {  	v9 =	vld [tilespmem:s17+$0x5220];
	[tilespmem:s3+$0x3B0] =	vst v5;
	v3 =	vmul.f32 v3, v10  }
0xe6: {  	v10 =	vld [tilespmem:s17+$0x5230];
	[tilespmem:s3+$0x3C0] =	vst v4;
	v2 =	vmul.f32 v2, v11  }
0xe7: {  	v11 =	vld [tilespmem:s17+$0x5240];
	[tilespmem:s3+$0x3D0] =	vst v3;
	v1 =	vmul.f32 v1, v8  }
0xe8: {  	v8 =	vld [tilespmem:s17+$0x5250];
	[tilespmem:s3+$0x3E0] =	vst v2  }
0xe9: {  	v12 =	vld [tilespmem:s17+$0x5260];
	[tilespmem:s3+$0x3F0] =	vst v1;
	s3 =	smov.u32 s17  }
0xea: {  	v14 =	vld [tilespmem:s3+$0x5270]  }
0xeb: {  	v15 =	vld [tilespmem:s3+$0x5280]  }
0xec: {  	v16 =	vld [tilespmem:s3+$0x5290]  }
0xed: {  	v17 =	vld [tilespmem:s3+$0x52A0]  }
0xee: {  	v18 =	vld [tilespmem:s3+$0x52B0]  }
0xef: {  	v19 =	vld [tilespmem:s3+$0x52C0]  }
0xf0: {  	v20 =	vld [tilespmem:s3+$0x52D0]  }
0xf1: {  	v21 =	vld [tilespmem:s3+$0x52E0]  }
0xf2: {  	v22 =	vld [tilespmem:s3+$0x52F0]  }
0xf3: {  	v23 =	vld [tilespmem:s3+$0x5300]  }
0xf4: {  	v24 =	vld [tilespmem:s3+$0x5310]  }
0xf5: {  	v25 =	vld [tilespmem:s3+$0x5320]  }
0xf6: {  	v26 =	vld [tilespmem:s3+$0x5330]  }
0xf7: {  	v27 =	vld [tilespmem:s3+$0x5340]  }
0xf8: {  	v28 =	vld [tilespmem:s3+$0x5350]  }
0xf9: {  	v29 =	vld [tilespmem:s3+$0x5360]  }
0xfa: {  	v30 =	vld [tilespmem:s3+$0x5370]  }
0xfb: {  	v31 =	vld [tilespmem:s3+$0x5380]  }
0xfc: {  	v32 =	vld [tilespmem:s3+$0x5390]  }
0xfd: {  	v6 =	vld [tilespmem:s3+$0x53A0]  }
0xfe: {  	v5 =	vld [tilespmem:s3+$0x53B0]  }
0xff: {  	v4 =	vld [tilespmem:s3+$0x53C0]  }
0x100: {  	v3 =	vld [tilespmem:s3+$0x53D0]  }
0x101: {  	v2 =	vld [tilespmem:s3+$0x53E0]  }
0x102: {  	v1 =	vld [tilespmem:s3+$0x53F0]  }
0x103: {  	v33 =	vld [tilespmem:s3+$0x200]  }
0x104: {  	v34 =	vld [tilespmem:s3+$0x210]  }
0x105: {  	v35 =	vld [tilespmem:s3+$0x220]  }
0x106: {  	v36 =	vld [tilespmem:s3+$0x230]  }
0x107: {  	v37 =	vld [tilespmem:s3+$0x240]  }
0x108: {  	v13 =	vmul.f32 v13, v33;
	v33 =	vld [tilespmem:s3+$0x250]  }
0x109: {  	v7 =	vmul.f32 v7, v34;
	v34 =	vld [tilespmem:s3+$0x260]  }
0x10a: {  	[tilespmem:s3+$0x200] =	vst v13;
	v9 =	vmul.f32 v9, v35;
	v13 =	vld [tilespmem:s3+$0x270]  }
0x10b: {  	[tilespmem:s3+$0x210] =	vst v7;
	v7 =	vmul.f32 v10, v36;
	v10 =	vld [tilespmem:s3+$0x280]  }
0x10c: {  	[tilespmem:s3+$0x220] =	vst v9;
	v9 =	vmul.f32 v11, v37;
	v11 =	vld [tilespmem:s3+$0x290]  }
0x10d: {  	[tilespmem:s3+$0x230] =	vst v7;
	v7 =	vmul.f32 v8, v33;
	v8 =	vld [tilespmem:s3+$0x2A0]  }
0x10e: {  	[tilespmem:s3+$0x240] =	vst v9;
	v9 =	vmul.f32 v12, v34;
	v12 =	vld [tilespmem:s3+$0x2B0]  }
0x10f: {  	[tilespmem:s3+$0x250] =	vst v7;
	v7 =	vmul.f32 v14, v13;
	v13 =	vld [tilespmem:s3+$0x2C0]  }
0x110: {  	[tilespmem:s3+$0x260] =	vst v9;
	v9 =	vmul.f32 v15, v10;
	v10 =	vld [tilespmem:s3+$0x2D0]  }
0x111: {  	[tilespmem:s3+$0x270] =	vst v7;
	v7 =	vmul.f32 v16, v11;
	v11 =	vld [tilespmem:s3+$0x2E0]  }
0x112: {  	[tilespmem:s3+$0x280] =	vst v9;
	v8 =	vmul.f32 v17, v8;
	v9 =	vld [tilespmem:s3+$0x2F0]  }
0x113: {  	[tilespmem:s3+$0x290] =	vst v7;
	v7 =	vmul.f32 v18, v12;
	v12 =	vld [tilespmem:s3+$0x300]  }
0x114: {  	[tilespmem:s3+$0x2A0] =	vst v8;
	v8 =	vmul.f32 v19, v13;
	v13 =	vld [tilespmem:s3+$0x310]  }
0x115: {  	[tilespmem:s3+$0x2B0] =	vst v7;
	v7 =	vmul.f32 v20, v10;
	v10 =	vld [tilespmem:s3+$0x320]  }
0x116: {  	[tilespmem:s3+$0x2C0] =	vst v8;
	v8 =	vmul.f32 v21, v11;
	v11 =	vld [tilespmem:s3+$0x330]  }
0x117: {  	[tilespmem:s3+$0x2D0] =	vst v7;
	v7 =	vmul.f32 v22, v9;
	v9 =	vld [tilespmem:s3+$0x340]  }
0x118: {  	[tilespmem:s3+$0x2E0] =	vst v8;
	v8 =	vmul.f32 v23, v12;
	v12 =	vld [tilespmem:s3+$0x350]  }
0x119: {  	[tilespmem:s3+$0x2F0] =	vst v7;
	v7 =	vmul.f32 v24, v13;
	v13 =	vld [tilespmem:s3+$0x360]  }
0x11a: {  	[tilespmem:s3+$0x300] =	vst v8;
	v8 =	vmul.f32 v25, v10;
	v10 =	vld [tilespmem:s3+$0x370]  }
0x11b: {  	[tilespmem:s3+$0x310] =	vst v7;
	v7 =	vmul.f32 v26, v11;
	v11 =	vld [tilespmem:s3+$0x380]  }
0x11c: {  	[tilespmem:s3+$0x320] =	vst v8;
	v9 =	vmul.f32 v27, v9;
	v14 =	vld [tilespmem:s3+$0x390]  }
.Ltmp3:
0x11d: {  	[tilespmem:s3+$0x330] =	vst v7;
	v12 =	vmul.f32 v28, v12;
	v8 =	vld [tilespmem:s3+$0x3A0];
	(pc) =	sbr.rel @p0 .LBB2_5-.Ltmp3, $4  }
0x11e: {  	[tilespmem:s3+$0x340] =	vst v9;
	v13 =	vmul.f32 v29, v13;
	v7 =	vld [tilespmem:s3+$0x3B0]  }
0x11f: {  	[tilespmem:s3+$0x350] =	vst v12;
	v12 =	vmul.f32 v30, v10;
	v9 =	vld [tilespmem:s3+$0x3C0]  }
0x120: {  	[tilespmem:s3+$0x360] =	vst v13;
	v13 =	vmul.f32 v31, v11;
	v10 =	vld [tilespmem:s3+$0x3D0]  }
0x121: {  	s16 =	sadd.s32 $0x800, s16;
	[tilespmem:s3+$0x370] =	vst v12;
	v12 =	vmul.f32 v32, v14;
	v11 =	vld [tilespmem:s3+$0x3E0]  }
0x122: {  	[tilespmem:s3+$0x380] =	vst v13;
	v6 =	vmul.f32 v6, v8;
	v8 =	vld [tilespmem:s3+$0x3F0]  }
0x123: {  	[tilespmem:s3+$0x390] =	vst v12;
	v5 =	vmul.f32 v5, v7  }
0x124: {  	[tilespmem:s3+$0x3A0] =	vst v6;
	v4 =	vmul.f32 v4, v9  }
0x125: {  	[tilespmem:s3+$0x3B0] =	vst v5;
	v3 =	vmul.f32 v3, v10  }
0x126: {  	[tilespmem:s3+$0x3C0] =	vst v4;
	v2 =	vmul.f32 v2, v11  }
0x127: {  	[tilespmem:s3+$0x3D0] =	vst v3;
	v1 =	vmul.f32 v1, v8  }
0x128: {  	[tilespmem:s3+$0x3E0] =	vst v2  }
0x129: {  	p0 =	seq.s32 s30, $0x3E;
	[tilespmem:s3+$0x3F0] =	vst v1;
	s3 =	sshll.u32 s30, $0x6  }
0x12a: {  	[spmem:s2] =	stream.indirect.scatter.add.f32 [tilespmem:s6], [sflag:$0x5], $0x80, s8, s13, $0xb8;
	[tilespmem:$0x1E200] =	vst v63  }
0x12b: {  	s16 =	sadd.s32 @!p0 s31, s3  }
0x12c: {  	_ =	swait.ge [sflag:s7], $0x2800;
	s17 =	smul.u32 @!p0 $0xA, s16  }
0x12d: {  	[sflag:s7] =	ssyncset.done $0x0  }
0x12e: {  	s19 =	simm.s32 @!p0 $0x0;
	[sflag:s7] =	ssyncadd.s32 $0xFFFFD800;
	s18 =	sadd.s32 @!p0 s14, s17  }
0x12f: {  	[tilespmem:s19], [sflag:$0x1] =	stream.linear.gather @!p0 [hbm4b:s18+s19], $0x50, $0x38;
	[tilespmem:$0x1E200] =	vst v63  }
0x130: {  	s16 =	smul.u32 @!p0 $0x500, s16;
	s17 =	sadd.s32 @!p0 s15, s17;
	s18 =	simm.s32 @!p0 $0x100  }
0x131: {  	[tilespmem:s18], [sflag:$0x1] =	stream.linear.gather @!p0 [hbm4b:s17+s19], $0x50, $0x38;
	[tilespmem:$0x1E200] =	vst v63  }
0x132: {  	s16 =	sadd.s32 @!p0 s5, s16;
	s17 =	simm.s32 @!p0 $0x5200  }
0x133: {  	[tilespmem:s17], [sflag:$0x1] =	stream.linear.gather @!p0 [hbm4b:s16+s19], $0x2800, $0x38;
	[tilespmem:$0x1E200] =	vst v63  }
0x134: {  	s16 =	simm.s32 @!p0 $0x1  }
0x135: {  	_ =	swait.ge @!p0 [sflag:s16], $0x50  }
0x136: {  	[sflag:s16] =	ssyncset.done @!p0 $0x0  }
0x137: {  	[sflag:s16] =	ssyncadd.s32 @!p0 $0xFFFFFFB0  }
0x138: {  	_ =	swait.ge @!p0 [sflag:s16], $0x50  }
0x139: {  	[sflag:s16] =	ssyncset.done @!p0 $0x0  }
0x13a: {  	[sflag:s16] =	ssyncadd.s32 @!p0 $0xFFFFFFB0  }
0x13b: {  	_ =	swait.ge @!p0 [sflag:s16], $0x2800  }
0x13c: {  	[sflag:s16] =	ssyncset.done @!p0 $0x0  }
0x13d: {  	s17 =	simm.s32 @!p0 $0x200;
	[sflag:s16] =	ssyncadd.s32 @!p0 $0xFFFFD800;
	s16 =	simm.s32 @!p0 $0x50  }
0x13e: {  	[tilespmem:s17], [sflag:$0x3] =	stream.indirect.gather @!p0 [hbm4b:s1+s16], $0x80, s19, s16, $0xb8;
	[tilespmem:$0x1E200] =	vst v63  }
0x13f: {  	_ =	swait.ge [sflag:s28], $0x2800  }
0x140: {  	[sflag:s28] =	ssyncset.done $0x0  }
0x141: {  	s16 =	simm.s32 $0x0;
	[sflag:s28] =	ssyncadd.s32 $0xFFFFD800  }
0x142: {  	v7 =	vld [tilespmem:s16+$0x7A00]  }
0x143: {  	v8 =	vld [tilespmem:s16+$0x7A10]  }
0x144: {  	v9 =	vld [tilespmem:s16+$0x7A20]  }
0x145: {  	v10 =	vld [tilespmem:s16+$0x7A30]  }
0x146: {  	v11 =	vld [tilespmem:s16+$0x7A40]  }
0x147: {  	v12 =	vld [tilespmem:s16+$0x7A50]  }
0x148: {  	v13 =	vld [tilespmem:s16+$0x7A60]  }
0x149: {  	v14 =	vld [tilespmem:s16+$0x7A70]  }
0x14a: {  	v15 =	vld [tilespmem:s16+$0x7A80]  }
0x14b: {  	v16 =	vld [tilespmem:s16+$0x7A90]  }
0x14c: {  	v17 =	vld [tilespmem:s16+$0x7AA0]  }
0x14d: {  	v18 =	vld [tilespmem:s16+$0x7AB0]  }
0x14e: {  	v19 =	vld [tilespmem:s16+$0x7AC0]  }
0x14f: {  	v20 =	vld [tilespmem:s16+$0x7AD0]  }
0x150: {  	v21 =	vld [tilespmem:s16+$0x7AE0]  }
0x151: {  	v22 =	vld [tilespmem:s16+$0x7AF0]  }
0x152: {  	v23 =	vld [tilespmem:s16+$0x7B00]  }
0x153: {  	v24 =	vld [tilespmem:s16+$0x7B10]  }
0x154: {  	v25 =	vld [tilespmem:s16+$0x7B20]  }
0x155: {  	v26 =	vld [tilespmem:s16+$0x7B30]  }
0x156: {  	v27 =	vld [tilespmem:s16+$0x7B40]  }
0x157: {  	v28 =	vld [tilespmem:s16+$0x7B50]  }
0x158: {  	v29 =	vld [tilespmem:s16+$0x7B60]  }
0x159: {  	v30 =	vld [tilespmem:s16+$0x7B70]  }
0x15a: {  	v31 =	vld [tilespmem:s16+$0x7B80]  }
0x15b: {  	v32 =	vld [tilespmem:s16+$0x7B90]  }
0x15c: {  	v6 =	vld [tilespmem:s16+$0x7BA0]  }
0x15d: {  	v5 =	vld [tilespmem:s16+$0x7BB0]  }
0x15e: {  	v4 =	vld [tilespmem:s16+$0x7BC0]  }
0x15f: {  	v3 =	vld [tilespmem:s16+$0x7BD0]  }
0x160: {  	v2 =	vld [tilespmem:s16+$0x7BE0]  }
0x161: {  	v33 =	vld [tilespmem:s16+$0x2A00]  }
0x162: {  	v34 =	vld [tilespmem:s16+$0x2A10]  }
0x163: {  	v35 =	vld [tilespmem:s16+$0x2A20]  }
0x164: {  	v36 =	vld [tilespmem:s16+$0x2A30]  }
0x165: {  	v37 =	vld [tilespmem:s16+$0x2A40]  }
0x166: {  	v63 =	vld [tilespmem:s16+$0x2A50];
	v7 =	vmul.f32 v7, v33  }
0x167: {  	v38 =	vld [tilespmem:s16+$0x2A60];
	v8 =	vmul.f32 v8, v34  }
0x168: {  	v9 =	vmul.f32 v9, v35;
	[tilespmem:s16+$0x2A00] =	vst v7;
	v7 =	vld [tilespmem:s16+$0x2A70]  }
0x169: {  	v10 =	vmul.f32 v10, v36;
	[tilespmem:s16+$0x2A10] =	vst v8;
	v8 =	vld [tilespmem:s16+$0x2A80]  }
0x16a: {  	v11 =	vmul.f32 v11, v37;
	[tilespmem:s16+$0x2A20] =	vst v9;
	v9 =	vld [tilespmem:s16+$0x2A90]  }
0x16b: {  	v12 =	vmul.f32 v12, v63;
	[tilespmem:s16+$0x2A30] =	vst v10;
	v10 =	vld [tilespmem:s16+$0x2AA0]  }
0x16c: {  	v13 =	vmul.f32 v13, v38;
	[tilespmem:s16+$0x2A40] =	vst v11;
	v11 =	vld [tilespmem:s16+$0x2AB0]  }
0x16d: {  	[tilespmem:s16+$0x2A50] =	vst v12;
	v12 =	vld [tilespmem:s16+$0x2AC0];
	v7 =	vmul.f32 v14, v7  }
0x16e: {  	[tilespmem:s16+$0x2A60] =	vst v13;
	v13 =	vld [tilespmem:s16+$0x2AD0];
	v8 =	vmul.f32 v15, v8  }
0x16f: {  	v9 =	vmul.f32 v16, v9;
	[tilespmem:s16+$0x2A70] =	vst v7;
	v7 =	vld [tilespmem:s16+$0x2AE0]  }
0x170: {  	v10 =	vmul.f32 v17, v10;
	[tilespmem:s16+$0x2A80] =	vst v8;
	v8 =	vld [tilespmem:s16+$0x2AF0]  }
0x171: {  	v11 =	vmul.f32 v18, v11;
	[tilespmem:s16+$0x2A90] =	vst v9;
	v9 =	vld [tilespmem:s16+$0x2B00]  }
0x172: {  	v12 =	vmul.f32 v19, v12;
	[tilespmem:s16+$0x2AA0] =	vst v10;
	v10 =	vld [tilespmem:s16+$0x2B10]  }
0x173: {  	v13 =	vmul.f32 v20, v13;
	[tilespmem:s16+$0x2AB0] =	vst v11;
	v11 =	vld [tilespmem:s16+$0x2B20]  }
0x174: {  	[tilespmem:s16+$0x2AC0] =	vst v12;
	v12 =	vld [tilespmem:s16+$0x2B30];
	v7 =	vmul.f32 v21, v7  }
0x175: {  	[tilespmem:s16+$0x2AD0] =	vst v13;
	v13 =	vld [tilespmem:s16+$0x2B40]  }
0x176: {  	v8 =	vmul.f32 v22, v8;
	[tilespmem:s16+$0x2AE0] =	vst v7;
	v7 =	vld [tilespmem:s16+$0x2B50]  }
0x177: {  	v1 =	vld [tilespmem:s16+$0x7BF0];
	v9 =	vmul.f32 v23, v9  }
0x178: {  	[tilespmem:s16+$0x2AF0] =	vst v8;
	v8 =	vmul.f32 v24, v10;
	v10 =	vld [tilespmem:s16+$0x2B70]  }
0x179: {  	v14 =	vld [tilespmem:s16+$0x2B60];
	[tilespmem:s16+$0x2B00] =	vst v9;
	v9 =	vmul.f32 v25, v11  }
0x17a: {  	v11 =	vld [tilespmem:s16+$0x2B80];
	[tilespmem:s16+$0x2B10] =	vst v8;
	v8 =	vmul.f32 v26, v12  }
0x17b: {  	[tilespmem:s16+$0x2B20] =	vst v9;
	v12 =	vld [tilespmem:s16+$0x2B90];
	v9 =	vmul.f32 v27, v13;
	v13 =	vmul.f32 v28, v7  }
0x17c: {  	[tilespmem:s16+$0x2B30] =	vst v8;
	v8 =	vld [tilespmem:s16+$0x2BA0]  }
0x17d: {  	v7 =	vld [tilespmem:s16+$0x2BB0];
	[tilespmem:s16+$0x2B50] =	vst v13;
	v13 =	vmul.f32 v30, v10  }
0x17e: {  	v14 =	vmul.f32 v29, v14;
	[tilespmem:s16+$0x2B40] =	vst v9;
	v9 =	vld [tilespmem:s16+$0x2BC0]  }
0x17f: {  	v10 =	vld [tilespmem:s16+$0x2BD0];
	[tilespmem:s16+$0x2B70] =	vst v13;
	v13 =	vmul.f32 v31, v11  }
0x180: {  	s17 =	simm.s32 $0x800;
	[tilespmem:s16+$0x2B60] =	vst v14;
	v12 =	vmul.f32 v32, v12;
	v11 =	vld [tilespmem:s16+$0x2BE0]  }
.LBB2_7:
0x181: {  	s18 =	sshra.s32 s17, $0x2;
	p1 =	sne.s32 s17, $0x9800;
	[tilespmem:s16+$0x2B80] =	vst v13;
	v6 =	vmul.f32 v6, v8;
	v8 =	vld [tilespmem:s16+$0x2BF0]  }
0x182: {  	v13 =	vld [tilespmem:s18+$0x7A00];
	[tilespmem:s16+$0x2B90] =	vst v12;
	v5 =	vmul.f32 v5, v7  }
0x183: {  	v7 =	vld [tilespmem:s18+$0x7A10];
	[tilespmem:s16+$0x2BA0] =	vst v6;
	v4 =	vmul.f32 v4, v9  }
0x184: {  	v9 =	vld [tilespmem:s18+$0x7A20];
	[tilespmem:s16+$0x2BB0] =	vst v5;
	v3 =	vmul.f32 v3, v10  }
0x185: {  	v10 =	vld [tilespmem:s18+$0x7A30];
	[tilespmem:s16+$0x2BC0] =	vst v4;
	v2 =	vmul.f32 v2, v11  }
0x186: {  	v11 =	vld [tilespmem:s18+$0x7A40];
	[tilespmem:s16+$0x2BD0] =	vst v3;
	v1 =	vmul.f32 v1, v8  }
0x187: {  	v8 =	vld [tilespmem:s18+$0x7A50];
	[tilespmem:s16+$0x2BE0] =	vst v2  }
0x188: {  	v12 =	vld [tilespmem:s18+$0x7A60];
	[tilespmem:s16+$0x2BF0] =	vst v1;
	s16 =	smov.u32 s18  }
0x189: {  	v14 =	vld [tilespmem:s16+$0x7A70]  }
0x18a: {  	v15 =	vld [tilespmem:s16+$0x7A80]  }
0x18b: {  	v16 =	vld [tilespmem:s16+$0x7A90]  }
0x18c: {  	v17 =	vld [tilespmem:s16+$0x7AA0]  }
0x18d: {  	v18 =	vld [tilespmem:s16+$0x7AB0]  }
0x18e: {  	v19 =	vld [tilespmem:s16+$0x7AC0]  }
0x18f: {  	v20 =	vld [tilespmem:s16+$0x7AD0]  }
0x190: {  	v21 =	vld [tilespmem:s16+$0x7AE0]  }
0x191: {  	v22 =	vld [tilespmem:s16+$0x7AF0]  }
0x192: {  	v23 =	vld [tilespmem:s16+$0x7B00]  }
0x193: {  	v24 =	vld [tilespmem:s16+$0x7B10]  }
0x194: {  	v25 =	vld [tilespmem:s16+$0x7B20]  }
0x195: {  	v26 =	vld [tilespmem:s16+$0x7B30]  }
0x196: {  	v27 =	vld [tilespmem:s16+$0x7B40]  }
0x197: {  	v28 =	vld [tilespmem:s16+$0x7B50]  }
0x198: {  	v29 =	vld [tilespmem:s16+$0x7B60]  }
0x199: {  	v30 =	vld [tilespmem:s16+$0x7B70]  }
0x19a: {  	v31 =	vld [tilespmem:s16+$0x7B80]  }
0x19b: {  	v32 =	vld [tilespmem:s16+$0x7B90]  }
0x19c: {  	v6 =	vld [tilespmem:s16+$0x7BA0]  }
0x19d: {  	v5 =	vld [tilespmem:s16+$0x7BB0]  }
0x19e: {  	v4 =	vld [tilespmem:s16+$0x7BC0]  }
0x19f: {  	v3 =	vld [tilespmem:s16+$0x7BD0]  }
0x1a0: {  	v2 =	vld [tilespmem:s16+$0x7BE0]  }
0x1a1: {  	v1 =	vld [tilespmem:s16+$0x7BF0]  }
0x1a2: {  	v33 =	vld [tilespmem:s16+$0x2A00]  }
0x1a3: {  	v34 =	vld [tilespmem:s16+$0x2A10]  }
0x1a4: {  	v35 =	vld [tilespmem:s16+$0x2A20]  }
0x1a5: {  	v36 =	vld [tilespmem:s16+$0x2A30]  }
0x1a6: {  	v37 =	vld [tilespmem:s16+$0x2A40]  }
0x1a7: {  	v13 =	vmul.f32 v13, v33;
	v33 =	vld [tilespmem:s16+$0x2A50]  }
0x1a8: {  	v7 =	vmul.f32 v7, v34;
	v34 =	vld [tilespmem:s16+$0x2A60]  }
0x1a9: {  	[tilespmem:s16+$0x2A00] =	vst v13;
	v9 =	vmul.f32 v9, v35;
	v13 =	vld [tilespmem:s16+$0x2A70]  }
0x1aa: {  	[tilespmem:s16+$0x2A10] =	vst v7;
	v7 =	vmul.f32 v10, v36;
	v10 =	vld [tilespmem:s16+$0x2A80]  }
0x1ab: {  	[tilespmem:s16+$0x2A20] =	vst v9;
	v9 =	vmul.f32 v11, v37;
	v11 =	vld [tilespmem:s16+$0x2A90]  }
0x1ac: {  	[tilespmem:s16+$0x2A30] =	vst v7;
	v7 =	vmul.f32 v8, v33;
	v8 =	vld [tilespmem:s16+$0x2AA0]  }
0x1ad: {  	[tilespmem:s16+$0x2A40] =	vst v9;
	v9 =	vmul.f32 v12, v34;
	v12 =	vld [tilespmem:s16+$0x2AB0]  }
0x1ae: {  	[tilespmem:s16+$0x2A50] =	vst v7;
	v7 =	vmul.f32 v14, v13;
	v13 =	vld [tilespmem:s16+$0x2AC0]  }
0x1af: {  	[tilespmem:s16+$0x2A60] =	vst v9;
	v9 =	vmul.f32 v15, v10;
	v10 =	vld [tilespmem:s16+$0x2AD0]  }
0x1b0: {  	[tilespmem:s16+$0x2A70] =	vst v7;
	v7 =	vmul.f32 v16, v11;
	v11 =	vld [tilespmem:s16+$0x2AE0]  }
0x1b1: {  	[tilespmem:s16+$0x2A80] =	vst v9;
	v8 =	vmul.f32 v17, v8;
	v9 =	vld [tilespmem:s16+$0x2AF0]  }
0x1b2: {  	[tilespmem:s16+$0x2A90] =	vst v7;
	v7 =	vmul.f32 v18, v12;
	v12 =	vld [tilespmem:s16+$0x2B00]  }
0x1b3: {  	[tilespmem:s16+$0x2AA0] =	vst v8;
	v8 =	vmul.f32 v19, v13;
	v13 =	vld [tilespmem:s16+$0x2B10]  }
0x1b4: {  	[tilespmem:s16+$0x2AB0] =	vst v7;
	v7 =	vmul.f32 v20, v10;
	v10 =	vld [tilespmem:s16+$0x2B20]  }
0x1b5: {  	[tilespmem:s16+$0x2AC0] =	vst v8;
	v8 =	vmul.f32 v21, v11;
	v11 =	vld [tilespmem:s16+$0x2B30]  }
0x1b6: {  	[tilespmem:s16+$0x2AD0] =	vst v7;
	v7 =	vmul.f32 v22, v9;
	v9 =	vld [tilespmem:s16+$0x2B40]  }
0x1b7: {  	[tilespmem:s16+$0x2AE0] =	vst v8;
	v8 =	vmul.f32 v23, v12;
	v12 =	vld [tilespmem:s16+$0x2B50]  }
0x1b8: {  	[tilespmem:s16+$0x2AF0] =	vst v7;
	v7 =	vmul.f32 v24, v13;
	v13 =	vld [tilespmem:s16+$0x2B60]  }
0x1b9: {  	[tilespmem:s16+$0x2B00] =	vst v8;
	v8 =	vmul.f32 v25, v10;
	v10 =	vld [tilespmem:s16+$0x2B70]  }
0x1ba: {  	[tilespmem:s16+$0x2B10] =	vst v7;
	v7 =	vmul.f32 v26, v11;
	v11 =	vld [tilespmem:s16+$0x2B80]  }
0x1bb: {  	[tilespmem:s16+$0x2B20] =	vst v8;
	v9 =	vmul.f32 v27, v9;
	v14 =	vld [tilespmem:s16+$0x2B90]  }
.Ltmp4:
0x1bc: {  	[tilespmem:s16+$0x2B30] =	vst v7;
	v12 =	vmul.f32 v28, v12;
	v8 =	vld [tilespmem:s16+$0x2BA0];
	(pc) =	sbr.rel @p1 .LBB2_7-.Ltmp4, $4  }
0x1bd: {  	[tilespmem:s16+$0x2B40] =	vst v9;
	v13 =	vmul.f32 v29, v13;
	v7 =	vld [tilespmem:s16+$0x2BB0]  }
0x1be: {  	[tilespmem:s16+$0x2B50] =	vst v12;
	v12 =	vmul.f32 v30, v10;
	v9 =	vld [tilespmem:s16+$0x2BC0]  }
0x1bf: {  	[tilespmem:s16+$0x2B60] =	vst v13;
	v13 =	vmul.f32 v31, v11;
	v10 =	vld [tilespmem:s16+$0x2BD0]  }
0x1c0: {  	s17 =	sadd.s32 $0x800, s17;
	[tilespmem:s16+$0x2B70] =	vst v12;
	v12 =	vmul.f32 v32, v14;
	v11 =	vld [tilespmem:s16+$0x2BE0]  }
0x1c1: {  	[tilespmem:s16+$0x2B80] =	vst v13;
	v6 =	vmul.f32 v6, v8;
	v63 =	vld [tilespmem:s16+$0x2BF0]  }
0x1c2: {  	[tilespmem:s16+$0x2B90] =	vst v12;
	v5 =	vmul.f32 v5, v7  }
0x1c3: {  	[tilespmem:s16+$0x2BA0] =	vst v6;
	v4 =	vmul.f32 v4, v9  }
0x1c4: {  	[tilespmem:s16+$0x2BB0] =	vst v5;
	v3 =	vmul.f32 v3, v10  }
0x1c5: {  	[tilespmem:s16+$0x2BC0] =	vst v4;
	v2 =	vmul.f32 v2, v11  }
0x1c6: {  	[tilespmem:s16+$0x2BD0] =	vst v3;
	v1 =	vmul.f32 v1, v63  }
0x1c7: {  	[tilespmem:s16+$0x2BE0] =	vst v2  }
.Ltmp5:
0x1c8: {  	[tilespmem:s16+$0x2BF0] =	vst v1;
	(pc) =	sbr.rel @p0 .LBB2_10-.Ltmp5, $4  }
0x1c9: {  	[spmem:s2] =	stream.indirect.scatter.add.f32 [tilespmem:s25], [sflag:$0x5], $0x80, s10, s13, $0xb8;
	[tilespmem:$0x1E200] =	vst v63  }
0x1ca: {  	_ =	swait.ge [sflag:s7], $0x2800  }
0x1cb: {  	[sflag:s7] =	ssyncset.done $0x0  }
0x1cc: {  	[sflag:s7] =	ssyncadd.s32 $0xFFFFD800  }
0x1cd: {  	s3 =	sadd.s32 s0, s3  }
0x1ce: {  	s16 =	smul.u32 $0xA, s3;
	_ =	sdelay $0x1  }
0x1cf: {  	s17 =	sadd.s32 s14, s16  }
0x1d0: {  	[tilespmem:s9], [sflag:$0x2] =	stream.linear.gather [hbm4b:s17+s4], $0x50, $0x38;
	[tilespmem:$0x1E200] =	vst v63  }
.Ltmp6:
0x1d1: {  	_ = 	snop;
	(pc) =	sbr.rel .LBB2_4-.Ltmp6, $4  }
0x1d2: {  	s3 =	smul.u32 $0x500, s3;
	s16 =	sadd.s32 s15, s16  }
0x1d3: {  	[tilespmem:s10], [sflag:$0x2] =	stream.linear.gather [hbm4b:s16+s4], $0x50, $0x38;
	[tilespmem:$0x1E200] =	vst v63  }
0x1d4: {  	s30 =	sadd.s32 $0x1, s30;
	s3 =	sadd.s32 s5, s3  }
0x1d5: {  	[tilespmem:s11], [sflag:$0x2] =	stream.linear.gather [hbm4b:s3+s4], $0x2800, $0x38;
	[tilespmem:$0x1E200] =	vst v63  }
.LBB2_11:
0x1d6: {  	_ =	sfence.sel $0x180000  }
0x1d7: {  	[bflag:$0x0] =	sbarrier.arrive $0xFFFF  }
0x1d8: {  	_ =	strace $0x90000047  }
0x1d9: {  	s0 =	stileid.u32;
	[bflag:$0x2] =	sbarrier.arrive $0xFFFF  }
0x1da: {  	p0 =	sne.s32 s0, $0x0;
	s0 =	rddreg [dreg:$0x3]  }
0x1db: {  	s0 =	sadd.s32 @!p0 $0x100000, s0  }
0x1dc: {  	[sflag:s0] =	ssyncadd.tile.s32 @!p0 $0x1;
	_ =	shalt  }
.Lfunc_end2:
_tile_overlayer_lowered:
.L_overlay_start_2:
0x1dd: {  	(tag) =	ssettag $0x2  }
0x1de: {  	s0 =	rddreg [dreg:$0x0];
	s2 =	stileid.u32  }
0x1df: {  	s1 =	rddreg [dreg:$0x1];
	p0 =	sne.s32 s2, $0x0  }
0x1e0: {  	s3 =	rddreg [dreg:$0x2];
	[bflag:$0x3] =	sbarrier.arrive $0xFFFF;
	s2 =	simm.s32 @!p0 $0x1C05  }
0x1e1: {  	[timem:s3], [sflag:s2] =	dma.local @!p0 [hbm:s0], s1  }
0x1e2: {  	s0 =	simm.s32 @!p0 $0x5  }
0x1e3: {  	_ =	swait.ge @!p0 [sflag:s0], s1  }
0x1e4: {  	s1 =	ssub.s32 @!p0 $0x0, s1;
	[sflag:s0] =	ssyncset.done @!p0 $0x0  }
0x1e5: {  	[sflag:s0] =	ssyncadd.s32 @!p0 s1  }
0x1e6: {  	[bflag:$0x3] =	sbarrier.arrive $0xFFFF  }
0x1e7: {  	_ =	shalt  }

</sc_bundles>
